<compile_context>
chip_gen: v7x
topology: tpu7x:2x2x1
jax: 0.10.2.dev20260603
libtpu: 0.0.44.dev20260713+nightly
codegen_flags: <defaults>
</compile_context>

<pallas_src>
import functools

import jax
import jax.numpy as jnp
from jax import lax
from jax.experimental import pallas as pl
from jax.experimental.pallas import tpu as pltpu
from jax.experimental.pallas import tpu_sc as plsc

QUES = 2048
HID = 1024
T = 32768
K = 32

_INTERPRET = False

_GA = 32
_BT = T // _GA
_BH = HID // _GA



def _stage_a_body(sel_ref, qblk_ref, qrow_ref, h0r_ref, h0c_ref, wih_ref,
                  whh_ref, bih_ref, bhh_ref, wsc_ref, bsc_ref,
                  alpha_ref, h_ref, predq_ref):
    j = pl.program_id(0)
    q = qrow_ref[...]
    av = jax.lax.dot_general(
        q, qblk_ref[...], (((1,), (1,)), ((), ())),
        preferred_element_type=jnp.float32)
    alpha_ref[...] = av[0]

    gi3 = jax.lax.dot_general(
        wih_ref[...], q, (((2,), (1,)), ((), ())),
        preferred_element_type=jnp.float32)
    gh3 = jax.lax.dot_general(
        whh_ref[...], h0r_ref[...], (((2,), (1,)), ((), ())),
        preferred_element_type=jnp.float32)
    i_r, i_z, i_n = gi3[0] + bih_ref[0], gi3[1] + bih_ref[1], gi3[2] + bih_ref[2]
    h_r, h_z, h_n = gh3[0] + bhh_ref[0], gh3[1] + bhh_ref[1], gh3[2] + bhh_ref[2]
    r = jax.nn.sigmoid(i_r + h_r)
    z = jax.nn.sigmoid(i_z + h_z)
    n = jnp.tanh(i_n + r * h_n)
    h_ref[...] = (1.0 - z) * n + z * h0c_ref[...]

    @pl.when(j == 0)
    def _():
        predq_ref[0, 0] = jnp.sum(q * wsc_ref[:, :QUES]) + bsc_ref[0, 0]


def _stage_a(questions, question, score, h0, W_score, b_score,
             W_ih, W_hh, b_ih, b_hh):
    wih3 = W_ih.reshape(3, HID, 2 * QUES)
    whh3 = W_hh.reshape(3, HID, HID)
    bih3 = b_ih.reshape(3, HID, 1)
    bhh3 = b_hh.reshape(3, HID, 1)
    sel = (score[0] < 0.5).astype(jnp.int32).reshape(1)
    grid_spec = pltpu.PrefetchScalarGridSpec(
        num_scalar_prefetch=1,
        grid=(_GA,),
        in_specs=[
            pl.BlockSpec((_BT, QUES), lambda j, sel: (j, 0)),
            pl.BlockSpec((1, QUES), lambda j, sel: (0, 0)),
            pl.BlockSpec((1, HID), lambda j, sel: (0, 0)),
            pl.BlockSpec((_BH, 1), lambda j, sel: (j, 0)),
            pl.BlockSpec((3, _BH, QUES), lambda j, sel: (0, j, sel[0])),
            pl.BlockSpec((3, _BH, HID), lambda j, sel: (0, j, 0)),
            pl.BlockSpec((3, _BH, 1), lambda j, sel: (0, j, 0)),
            pl.BlockSpec((3, _BH, 1), lambda j, sel: (0, j, 0)),
            pl.BlockSpec((1, QUES + HID), lambda j, sel: (0, 0)),
            pl.BlockSpec((1, 1), lambda j, sel: (0, 0),
                         memory_space=pltpu.SMEM),
        ],
        out_specs=[
            pl.BlockSpec((_BT,), lambda j, sel: (j,)),
            pl.BlockSpec((_BH, 1), lambda j, sel: (j, 0)),
            pl.BlockSpec((1, 1), lambda j, sel: (0, 0),
                         memory_space=pltpu.SMEM),
        ],
    )
    return pl.pallas_call(
        _stage_a_body,
        grid_spec=grid_spec,
        out_shape=[
            jax.ShapeDtypeStruct((T,), jnp.float32),
            jax.ShapeDtypeStruct((HID, 1), jnp.float32),
            jax.ShapeDtypeStruct((1, 1), jnp.float32),
        ],
        interpret=_INTERPRET,
    )(sel, questions, question.reshape(1, QUES),
      h0.reshape(1, HID), h0.reshape(HID, 1), wih3, whh3, bih3, bhh3,
      W_score, b_score.reshape(1, 1))



def _attn_body(alpha_ref, hs_ref, wsca_ref, predq_ref, pred_ref,
               rows_ref, sems):
    a = alpha_ref[...]
    flat = jax.lax.broadcasted_iota(jnp.int32, a.shape, 0)
    neg = jnp.float32(-jnp.inf)
    big = jnp.int32(2**30)
    vals = []
    for t in range(K):
        m = jnp.max(a)
        eq = a == m
        fi = jnp.min(jnp.where(eq, flat, big))
        pltpu.make_async_copy(hs_ref.at[fi], rows_ref.at[t], sems.at[t]).start()
        vals.append(m)
        a = jnp.where(flat == fi, neg, a)
    m0 = vals[0]
    ws = [jnp.exp(v - m0) for v in vals]
    z = functools.reduce(lambda x, y: x + y, ws)
    acc = jnp.zeros((1, HID), dtype=jnp.float32)
    for t in range(K):
        pltpu.make_async_copy(hs_ref.at[0], rows_ref.at[t], sems.at[t]).wait()
        acc = acc + rows_ref[t] * (ws[t] / z)
    pred_ref[0, 0] = predq_ref[0, 0] + jnp.sum(acc * wsca_ref[...])


def _attn(alpha, hs, wsc_attn, predq):
    return pl.pallas_call(
        _attn_body,
        in_specs=[
            pl.BlockSpec(memory_space=pltpu.VMEM),
            pl.BlockSpec(memory_space=pl.ANY),
            pl.BlockSpec(memory_space=pltpu.VMEM),
            pl.BlockSpec(memory_space=pltpu.SMEM),
        ],
        out_specs=pl.BlockSpec(memory_space=pltpu.SMEM),
        out_shape=jax.ShapeDtypeStruct((1, 1), jnp.float32),
        scratch_shapes=[
            pltpu.VMEM((K, 1, HID), jnp.float32),
            pltpu.SemaphoreType.DMA((K,)),
        ],
        interpret=_INTERPRET,
    )(alpha, hs, wsc_attn, predq)



_NS = 16
_PER = T // _NS
_CH = _PER // 16


def _splat_lane(ref, x, lane):
    ref[...] = x
    return plsc.load_gather(ref, [jnp.zeros((16,), jnp.int32) + lane])


def _bfly_sum(ref, x):
    iota = lax.iota(jnp.int32, 16)
    v = x
    for sh in (8, 4, 2, 1):
        ref[...] = v
        v = v + plsc.load_gather(ref, [jnp.bitwise_xor(iota, sh)])
    return v


def _merge16(ak, av_, bk, bv):
    rbk = lax.rev(bk, (0,))
    rbv = lax.rev(bv, (0,))
    m = ak >= rbk
    hk = jnp.where(m, ak, rbk)
    hv = jnp.where(m, av_, rbv)
    lk = jnp.where(m, rbk, ak)
    lv = jnp.where(m, rbv, av_)
    lk, lv = plsc.sort_key_val(lk, lv)
    hk, hv = plsc.sort_key_val(hk, hv)
    return lk, lv, hk, hv


def _top32_update(carry, ck, cv):
    tlk, tlv, thk, thv = carry
    rbk = lax.rev(tlk, (0,))
    rbv = lax.rev(tlv, (0,))
    m = ck >= rbk
    uk = jnp.where(m, ck, rbk)
    uv = jnp.where(m, cv, rbv)
    uk, uv = plsc.sort_key_val(uk, uv)
    nlk, nlv, nhk, nhv = _merge16(thk, thv, uk, uv)
    return nlk, nlv, nhk, nhv


def _attn_sc_body(alpha_hbm, hs_hbm, wsca_hbm, predq_hbm, out_hbm,
                  av_ref, ckf_ref, cvf_ref, st32k_ref, st32v_ref,
                  i32_ref, w32_ref, idx2_ref, rows_ref, wsca_ref,
                  pq_ref, st16_ref, p256_ref,
                  shk_ref, shv_ref, shw_ref, shi_ref, shp_ref, sem):
    wid = lax.axis_index("s")
    iota = lax.iota(jnp.int32, 16)
    ninf = jnp.float32(-jnp.inf)
    init = (jnp.full((16,), ninf), jnp.zeros((16,), jnp.int32),
            jnp.full((16,), ninf), jnp.zeros((16,), jnp.int32))

    pltpu.sync_copy(alpha_hbm.at[pl.ds(wid * _PER, _PER)], av_ref)
    pltpu.sync_copy(wsca_hbm, wsca_ref)

    base = wid * _PER

    def step(i, carry):
        cA = av_ref[pl.ds(i * 32, 16)]
        cB = av_ref[pl.ds(i * 32 + 16, 16)]
        kA, vA = plsc.sort_key_val(cA, iota + (base + i * 32))
        kB, vB = plsc.sort_key_val(cB, iota + (base + i * 32 + 16))
        nA = _top32_update(carry[:4], kA, vA)
        nB = _top32_update(carry[4:], kB, vB)
        return nA + nB

    dual = lax.fori_loop(0, _CH // 2, step, init + init)
    carry = _top32_update(dual[:4], dual[4], dual[5])
    tlk, tlv, thk, thv = _top32_update(carry, dual[6], dual[7])

    st32k_ref[pl.ds(0, 16)] = tlk
    st32k_ref[pl.ds(16, 16)] = thk
    st32v_ref[pl.ds(0, 16)] = tlv
    st32v_ref[pl.ds(16, 16)] = thv
    pltpu.sync_copy(st32k_ref, shk_ref.at[pl.ds(wid * 32, 32)])
    pltpu.sync_copy(st32v_ref, shv_ref.at[pl.ds(wid * 32, 32)])
    plsc.subcore_barrier()

    @pl.when(wid == 0)
    def _():
        pltpu.sync_copy(shk_ref, ckf_ref)
        pltpu.sync_copy(shv_ref, cvf_ref)

        def step2(i, carry):
            cA = ckf_ref[pl.ds(i * 32, 16)]
            vA = cvf_ref[pl.ds(i * 32, 16)]
            cB = ckf_ref[pl.ds(i * 32 + 16, 16)]
            vB = cvf_ref[pl.ds(i * 32 + 16, 16)]
            kA, vA = plsc.sort_key_val(cA, vA)
            kB, vB = plsc.sort_key_val(cB, vB)
            nA = _top32_update(carry[:4], kA, vA)
            nB = _top32_update(carry[4:], kB, vB)
            return nA + nB

        dual2 = lax.fori_loop(0, _NS, step2, init + init)
        c2 = _top32_update(dual2[:4], dual2[4], dual2[5])
        tlk0, tlv0, thk0, thv0 = _top32_update(c2, dual2[6], dual2[7])
        m0 = _splat_lane(st16_ref, thk0, 15)
        e_lo = jnp.exp(tlk0 - m0)
        e_hi = jnp.exp(thk0 - m0)
        zvec = _bfly_sum(st16_ref, e_lo + e_hi)
        w32_ref[pl.ds(0, 16)] = e_lo / zvec
        w32_ref[pl.ds(16, 16)] = e_hi / zvec
        i32_ref[pl.ds(0, 16)] = tlv0
        i32_ref[pl.ds(16, 16)] = thv0
        pltpu.sync_copy(w32_ref, shw_ref)
        pltpu.sync_copy(i32_ref, shi_ref)
    plsc.subcore_barrier()

    pltpu.sync_copy(shw_ref, w32_ref)
    pltpu.sync_copy(shi_ref, i32_ref)
    gidx = plsc.load_gather(i32_ref, [jnp.where(iota < 2, iota + 2 * wid, 0)])
    plsc.store_scatter(idx2_ref, [iota], gidx, mask=iota < 2)
    pltpu.async_copy(hs_hbm.at[idx2_ref], rows_ref, sem).wait()
    part = jnp.zeros((16,), jnp.float32)
    for r in range(2):
        acc = jnp.zeros((16,), jnp.float32)
        for c in range(HID // 16):
            acc = acc + rows_ref[r, 0, pl.ds(c * 16, 16)] * wsca_ref[pl.ds(c * 16, 16)]
        gw = plsc.load_gather(w32_ref, [jnp.zeros((16,), jnp.int32) + (2 * wid + r)])
        part = part + acc * gw
    st16_ref[...] = _bfly_sum(pq_ref, part)
    pltpu.sync_copy(st16_ref, shp_ref.at[pl.ds(wid * 16, 16)])
    plsc.subcore_barrier()

    @pl.when(wid == 0)
    def _():
        pltpu.sync_copy(shp_ref, p256_ref)
        pltpu.sync_copy(predq_hbm, pq_ref)
        tot = jnp.zeros((16,), jnp.float32)
        for r in range(_NS):
            tot = tot + p256_ref[pl.ds(r * 16, 16)]
        st16_ref[...] = tot + pq_ref[...]
        pltpu.sync_copy(st16_ref, out_hbm)


def _attn_sc(alpha, hs, wsca, predq16):
    mesh = plsc.VectorSubcoreMesh(core_axis_name="c", subcore_axis_name="s",
                                  num_cores=1)
    f32 = jnp.float32
    i32 = jnp.int32
    run = pl.kernel(
        _attn_sc_body,
        out_type=jax.ShapeDtypeStruct((16,), f32),
        mesh=mesh,
        compiler_params=pltpu.CompilerParams(needs_layout_passes=False),
        scratch_types=[
            pltpu.VMEM((_PER,), f32),
            pltpu.VMEM((32 * _NS,), f32),
            pltpu.VMEM((32 * _NS,), i32),
            pltpu.VMEM((32,), f32),
            pltpu.VMEM((32,), i32),
            pltpu.VMEM((32,), i32),
            pltpu.VMEM((32,), f32),
            pltpu.VMEM((2,), i32),
            pltpu.VMEM((2, 1, HID), f32),
            pltpu.VMEM((HID,), f32),
            pltpu.VMEM((16,), f32),
            pltpu.VMEM((16,), f32),
            pltpu.VMEM((16 * _NS,), f32),
            pltpu.VMEM_SHARED((32 * _NS,), f32),
            pltpu.VMEM_SHARED((32 * _NS,), i32),
            pltpu.VMEM_SHARED((32,), f32),
            pltpu.VMEM_SHARED((32,), i32),
            pltpu.VMEM_SHARED((16 * _NS,), f32),
            pltpu.SemaphoreType.DMA,
        ],
    )
    return run(alpha, hs, wsca, predq16)


def kernel(question, score, questions, hs, W_score, b_score, W_ih, W_hh, b_ih, b_hh):
    h0 = hs[T - 1, 0]
    alpha, h_new, predq = _stage_a(questions, question, score, h0, W_score,
                                   b_score, W_ih, W_hh, b_ih, b_hh)
    predq16 = jnp.broadcast_to(predq.reshape(1), (16,))
    pred16 = _attn_sc(alpha, hs, W_score[0, QUES:], predq16)
    pred = pred16[:1].reshape(1, 1)
    return pred, h_new.reshape(1, 1, HID)

# --- scband reference (transcript-rebuilt; emitter-appended) ---
"""Pipeline reference for scband-eernnseq-net-979252543893 (READ-ONLY COPY).

The authoritative reference and input builder live on the scoring server;
editing this copy changes nothing except your own understanding.
"""

import jax, jax.numpy as jnp
import numpy as np

QUES = 2048
HID = 1024
T = 32768
ATTN_K = 32
N_LAYERS = 1

def setup_inputs(seed: int = 0) -> dict:
    key = jax.random.key(seed)
    ks = jax.random.split(key, 12)
    question = jax.random.normal(ks[0], (QUES,), dtype=jnp.float32)
    score = jax.random.uniform(ks[1], (1,), dtype=jnp.float32)
    questions = jax.random.normal(ks[2], (T, QUES), dtype=jnp.float32)
    hs = jax.random.normal(ks[3], (T, 1, HID), dtype=jnp.float32) * 0.1
    W_score = jax.random.normal(ks[4], (1, QUES + HID), dtype=jnp.float32) * 0.02
    b_score = jnp.zeros((1,), dtype=jnp.float32)
    W_ih = jax.random.normal(ks[5], (3 * HID, 2 * QUES), dtype=jnp.float32) * 0.02
    W_hh = jax.random.normal(ks[6], (3 * HID, HID), dtype=jnp.float32) * 0.02
    b_ih = jnp.zeros((3 * HID,), dtype=jnp.float32)
    b_hh = jnp.zeros((3 * HID,), dtype=jnp.float32)
    return {"question": question, "score": score, "questions": questions, "hs": hs,
            "W_score": W_score, "b_score": b_score, "W_ih": W_ih, "W_hh": W_hh,
            "b_ih": b_ih, "b_hh": b_hh}

def reference(question, score, questions, hs, W_score, b_score, W_ih, W_hh, b_ih, b_hh):
    # hidden = (questions, hs); hidden is not None path
    h0 = hs[-1].reshape(1, HID)  # last hidden state, n_layers=1, batch=1
    # attention: dot question history with current question
    alpha = (questions @ question.reshape(-1, 1)).reshape(-1)  # [T]
    k = min(alpha.shape[0], ATTN_K)
    a_top, idx = jax.lax.top_k(alpha, k)
    a = jax.nn.softmax(a_top.reshape(1, -1), axis=-1)  # [1, k]
    hs_flat = hs.reshape(-1, N_LAYERS * HID)  # [T, HID]
    attn_h = (a @ jnp.take(hs_flat, idx, axis=0)).reshape(-1)  # [HID]
    # score prediction
    pred_v = jnp.concatenate([question, attn_h]).reshape(1, -1)  # [1, QUES+HID]
    pred = pred_v @ W_score.T + b_score  # [1, 1]
    # build GRU input gated by score threshold
    m_ge = (score >= 0.5).astype(question.dtype)  # [1]
    m_lt = (score < 0.5).astype(question.dtype)   # [1]
    x = jnp.concatenate([question * m_ge, question * m_lt]).reshape(1, -1)  # [1, 2*QUES]
    # single GRU step (torch gate order: r, z, n)
    gi = x @ W_ih.T + b_ih   # [1, 3*HID]
    gh = h0 @ W_hh.T + b_hh  # [1, 3*HID]
    i_r, i_z, i_n = jnp.split(gi, 3, axis=1)
    h_r, h_z, h_n = jnp.split(gh, 3, axis=1)
    r = jax.nn.sigmoid(i_r + h_r)
    z = jax.nn.sigmoid(i_z + h_z)
    n = jnp.tanh(i_n + r * h_n)
    h_new = (1.0 - z) * n + z * h0  # [1, HID]
    return pred, h_new.reshape(N_LAYERS, 1, HID)

if __name__ == "__main__":
    import jax
    _d = setup_inputs()
    print(jax.jit(kernel)(*tuple(_d.values())))

</pallas_src>

<mosaic_0001>
#map = affine_map<(d0, d1) -> (0)>
#map1 = affine_map<(d0, d1) -> (0, 0, 0)>
module attributes {stable_mosaic.version = 14 : i64} {
  func.func @_attn_sc_body(%arg0: i32, %arg1: i32, %arg2: memref<32768xf32, #tpu.memory_space<hbm>>, %arg3: memref<32768x1x1024xf32, #tpu.memory_space<hbm>>, %arg4: memref<1024xf32, #tpu.memory_space<hbm>>, %arg5: memref<16xf32, #tpu.memory_space<hbm>>, %arg6: memref<16xf32, #tpu.memory_space<hbm>>, %arg7: memref<2048xf32, #tpu.memory_space<vmem>>, %arg8: memref<512xf32, #tpu.memory_space<vmem>>, %arg9: memref<512xi32, #tpu.memory_space<vmem>>, %arg10: memref<32xf32, #tpu.memory_space<vmem>>, %arg11: memref<32xi32, #tpu.memory_space<vmem>>, %arg12: memref<32xi32, #tpu.memory_space<vmem>>, %arg13: memref<32xf32, #tpu.memory_space<vmem>>, %arg14: memref<2xi32, #tpu.memory_space<vmem>>, %arg15: memref<2x1x1024xf32, #tpu.memory_space<vmem>>, %arg16: memref<1024xf32, #tpu.memory_space<vmem>>, %arg17: memref<16xf32, #tpu.memory_space<vmem>>, %arg18: memref<16xf32, #tpu.memory_space<vmem>>, %arg19: memref<256xf32, #tpu.memory_space<vmem>>, %arg20: memref<512xf32, #tpu.memory_space<vmem_shared>>, %arg21: memref<512xi32, #tpu.memory_space<vmem_shared>>, %arg22: memref<32xf32, #tpu.memory_space<vmem_shared>>, %arg23: memref<32xi32, #tpu.memory_space<vmem_shared>>, %arg24: memref<256xf32, #tpu.memory_space<vmem_shared>>, %arg25: memref<!tpu.dma_semaphore, #tpu.memory_space<semaphore_mem>>) attributes {dimension_semantics = [#tpu.dimension_semantics<core_parallel>, #tpu.dimension_semantics<subcore_parallel>], iteration_bounds = array<i64: 1, 16>, scalar_prefetch = 0 : i64, scratch_operands = 19 : i64, tpu.core_type = #tpu.core_type<sc_vector_subcore>, window_params = [{transform_indices = #map}, {transform_indices = #map1}, {transform_indices = #map}, {transform_indices = #map}, {transform_indices = #map}]} {
    %iota3A = tpu.iota {dimensions = array<i32: 0>} : vector<16xi32>
    %broadcast_in_dim3A = arith.constant 0xFF800000 : f32
    %broadcast_in_dim3A_0 = vector.broadcast %broadcast_in_dim3A : f32 to vector<16xf32>
    %broadcast_in_dim3A_1 = arith.constant 0 : i32
    %broadcast_in_dim3A_2 = vector.broadcast %broadcast_in_dim3A_1 : i32 to vector<16xi32>
    %broadcast_in_dim3A_3 = arith.constant 0xFF800000 : f32
    %broadcast_in_dim3A_4 = vector.broadcast %broadcast_in_dim3A_3 : f32 to vector<16xf32>
    %broadcast_in_dim3A_5 = arith.constant 0 : i32
    %broadcast_in_dim3A_6 = vector.broadcast %broadcast_in_dim3A_5 : i32 to vector<16xi32>
    %mul3A = arith.constant 2048 : i32
    %mul3A_7 = arith.muli %arg1, %mul3A : i32
    "tpu.region"() ({
      %run_scoped3A = tpu.sem_alloc : memref<!tpu.dma_semaphore, #tpu.memory_space<semaphore_mem>>
      %dma_start3A_1466 = tpu.memref_slice %arg2[%mul3A_7] : memref<32768xf32, #tpu.memory_space<hbm>> -> memref<2048xf32, #tpu.memory_space<hbm>>
      %dma_start3A_1467 = tpu.memref_slice %arg2[%mul3A_7] : memref<32768xf32, #tpu.memory_space<hbm>> -> memref<2048xf32, #tpu.memory_space<hbm>>
      tpu.enqueue_dma source(%dma_start3A_1467 : memref<2048xf32, #tpu.memory_space<hbm>>) target(%arg7 : memref<2048xf32, #tpu.memory_space<vmem>>) target_semaphore(%run_scoped3A : memref<!tpu.dma_semaphore, #tpu.memory_space<semaphore_mem>>)
      %dma_wait3A_1468 = tpu.memref_slice %arg2[%mul3A_7] : memref<32768xf32, #tpu.memory_space<hbm>> -> memref<2048xf32, #tpu.memory_space<hbm>>
      %dma_wait3A_1469 = tpu.memref_slice %arg2[%mul3A_7] : memref<32768xf32, #tpu.memory_space<hbm>> -> memref<2048xf32, #tpu.memory_space<hbm>>
      tpu.wait_dma2 semaphore(%run_scoped3A : memref<!tpu.dma_semaphore, #tpu.memory_space<semaphore_mem>>) src(%dma_wait3A_1469 : memref<2048xf32, #tpu.memory_space<hbm>>) dst(%arg7 : memref<2048xf32, #tpu.memory_space<vmem>>)
      tpu.yield
    }) : () -> ()
    "tpu.region"() ({
      %run_scoped3A = tpu.sem_alloc : memref<!tpu.dma_semaphore, #tpu.memory_space<semaphore_mem>>
      tpu.enqueue_dma source(%arg4 : memref<1024xf32, #tpu.memory_space<hbm>>) target(%arg16 : memref<1024xf32, #tpu.memory_space<vmem>>) target_semaphore(%run_scoped3A : memref<!tpu.dma_semaphore, #tpu.memory_space<semaphore_mem>>)
      tpu.wait_dma2 semaphore(%run_scoped3A : memref<!tpu.dma_semaphore, #tpu.memory_space<semaphore_mem>>) src(%arg4 : memref<1024xf32, #tpu.memory_space<hbm>>) dst(%arg16 : memref<1024xf32, #tpu.memory_space<vmem>>)
      tpu.yield
    }) : () -> ()
    %mul3A_8 = arith.constant 2048 : i32
    %mul3A_9 = arith.muli %arg1, %mul3A_8 : i32
    %scan3A = arith.constant 0 : i32
    %scan3A_10 = arith.constant 64 : i32
    %scan3A_11 = arith.addi %scan3A, %scan3A_10 : i32
    %scan3A_12 = arith.constant 1 : i32
    %scan3A_13:8 = scf.for %scan3A_1466 = %scan3A to %scan3A_11 step %scan3A_12 iter_args(%scan3A_1467 = %broadcast_in_dim3A_0, %scan3A_1468 = %broadcast_in_dim3A_2, %scan3A_1469 = %broadcast_in_dim3A_4, %scan3A_1470 = %broadcast_in_dim3A_6, %scan3A_1471 = %broadcast_in_dim3A_0, %scan3A_1472 = %broadcast_in_dim3A_2, %scan3A_1473 = %broadcast_in_dim3A_4, %scan3A_1474 = %broadcast_in_dim3A_6) -> (vector<16xf32>, vector<16xi32>, vector<16xf32>, vector<16xi32>, vector<16xf32>, vector<16xi32>, vector<16xf32>, vector<16xi32>)  : i32 {
      %mul3A_1475 = arith.constant 32 : i32
      %mul3A_1476 = arith.muli %scan3A_1466, %mul3A_1475 : i32
      %get3A_1477 = arith.index_cast %mul3A_1476 : i32 to index
      %get3A_1478 = tpu.vector_load %arg7[%get3A_1477] {strides = array<i32>} : memref<2048xf32, #tpu.memory_space<vmem>>, vector<16xf32>,
      %mul3A_1479 = arith.constant 32 : i32
      %mul3A_1480 = arith.muli %scan3A_1466, %mul3A_1479 : i32
      %add3A_1481 = arith.constant 16 : i32
      %add3A_1482 = arith.addi %mul3A_1480, %add3A_1481 : i32
      %get3A_1483 = arith.index_cast %add3A_1482 : i32 to index
      %get3A_1484 = tpu.vector_load %arg7[%get3A_1483] {strides = array<i32>} : memref<2048xf32, #tpu.memory_space<vmem>>, vector<16xf32>,
      %mul3A_1485 = arith.constant 32 : i32
      %mul3A_1486 = arith.muli %scan3A_1466, %mul3A_1485 : i32
      %add3A_1487 = arith.addi %mul3A_9, %mul3A_1486 : i32
      %add3A_1488 = vector.broadcast %add3A_1487 : i32 to vector<16xi32>
      %add3A_1489 = arith.addi %iota3A, %add3A_1488 : vector<16xi32>
      %masked_sort3A_1490 = arith.constant dense<true> : vector<16xi1>
      %masked_sort3A_1491, %masked_sort3A_1492, %masked_sort3A_1493 = tpu.sort %get3A_1478, %add3A_1489 masked %masked_sort3A_1490 : (vector<16xf32>, vector<16xi32>, vector<16xi1>) -> (vector<16xi1>, vector<16xf32>, vector<16xi32>)
      %mul3A_1494 = arith.constant 32 : i32
      %mul3A_1495 = arith.muli %scan3A_1466, %mul3A_1494 : i32
      %add3A_1496 = arith.addi %mul3A_9, %mul3A_1495 : i32
      %add3A_1497 = arith.constant 16 : i32
      %add3A_1498 = arith.addi %add3A_1496, %add3A_1497 : i32
      %add3A_1499 = vector.broadcast %add3A_1498 : i32 to vector<16xi32>
      %add3A_1500 = arith.addi %iota3A, %add3A_1499 : vector<16xi32>
      %masked_sort3A_1501 = arith.constant dense<true> : vector<16xi1>
      %masked_sort3A_1502, %masked_sort3A_1503, %masked_sort3A_1504 = tpu.sort %get3A_1484, %add3A_1500 masked %masked_sort3A_1501 : (vector<16xf32>, vector<16xi32>, vector<16xi1>) -> (vector<16xi1>, vector<16xf32>, vector<16xi32>)
      %rev3A_1505 = arith.constant 15 : i32
      %rev3A_1506 = vector.broadcast %rev3A_1505 : i32 to vector<16xi32>
      %rev3A_1507 = tpu.iota {dimensions = array<i32: 0>} : vector<16xi32>
      %rev3A_1508 = arith.subi %rev3A_1506, %rev3A_1507 : vector<16xi32>
      %rev3A_1509 = tpu.dynamic_gather %scan3A_1467[%rev3A_1508] in [0] : vector<16xf32>, vector<16xi32> -> vector<16xf32>
      %rev3A_1510 = arith.constant 15 : i32
      %rev3A_1511 = vector.broadcast %rev3A_1510 : i32 to vector<16xi32>
      %rev3A_1512 = tpu.iota {dimensions = array<i32: 0>} : vector<16xi32>
      %rev3A_1513 = arith.subi %rev3A_1511, %rev3A_1512 : vector<16xi32>
      %rev3A_1514 = tpu.dynamic_gather %scan3A_1468[%rev3A_1513] in [0] : vector<16xi32>, vector<16xi32> -> vector<16xi32>
      %ge3A_1515 = arith.cmpf oge, %masked_sort3A_1492, %rev3A_1509 : vector<16xf32>
      %select_n3A_1516 = arith.select %ge3A_1515, %masked_sort3A_1492, %rev3A_1509 : vector<16xi1>, vector<16xf32>
      %select_n3A_1517 = arith.select %ge3A_1515, %masked_sort3A_1493, %rev3A_1514 : vector<16xi1>, vector<16xi32>
      %masked_sort3A_1518 = arith.constant dense<true> : vector<16xi1>
      %masked_sort3A_1519, %masked_sort3A_1520, %masked_sort3A_1521 = tpu.sort %select_n3A_1516, %select_n3A_1517 masked %masked_sort3A_1518 : (vector<16xf32>, vector<16xi32>, vector<16xi1>) -> (vector<16xi1>, vector<16xf32>, vector<16xi32>)
      %rev3A_1522 = arith.constant 15 : i32
      %rev3A_1523 = vector.broadcast %rev3A_1522 : i32 to vector<16xi32>
      %rev3A_1524 = tpu.iota {dimensions = array<i32: 0>} : vector<16xi32>
      %rev3A_1525 = arith.subi %rev3A_1523, %rev3A_1524 : vector<16xi32>
      %rev3A_1526 = tpu.dynamic_gather %masked_sort3A_1520[%rev3A_1525] in [0] : vector<16xf32>, vector<16xi32> -> vector<16xf32>
      %rev3A_1527 = arith.constant 15 : i32
      %rev3A_1528 = vector.broadcast %rev3A_1527 : i32 to vector<16xi32>
      %rev3A_1529 = tpu.iota {dimensions = array<i32: 0>} : vector<16xi32>
      %rev3A_1530 = arith.subi %rev3A_1528, %rev3A_1529 : vector<16xi32>
      %rev3A_1531 = tpu.dynamic_gather %masked_sort3A_1521[%rev3A_1530] in [0] : vector<16xi32>, vector<16xi32> -> vector<16xi32>
      %ge3A_1532 = arith.cmpf oge, %scan3A_1469, %rev3A_1526 : vector<16xf32>
      %select_n3A_1533 = arith.select %ge3A_1532, %scan3A_1469, %rev3A_1526 : vector<16xi1>, vector<16xf32>
      %select_n3A_1534 = arith.select %ge3A_1532, %scan3A_1470, %rev3A_1531 : vector<16xi1>, vector<16xi32>
      %select_n3A_1535 = arith.select %ge3A_1532, %rev3A_1526, %scan3A_1469 : vector<16xi1>, vector<16xf32>
      %select_n3A_1536 = arith.select %ge3A_1532, %rev3A_1531, %scan3A_1470 : vector<16xi1>, vector<16xi32>
      %masked_sort3A_1537 = arith.constant dense<true> : vector<16xi1>
      %masked_sort3A_1538, %masked_sort3A_1539, %masked_sort3A_1540 = tpu.sort %select_n3A_1535, %select_n3A_1536 masked %masked_sort3A_1537 : (vector<16xf32>, vector<16xi32>, vector<16xi1>) -> (vector<16xi1>, vector<16xf32>, vector<16xi32>)
      %masked_sort3A_1541 = arith.constant dense<true> : vector<16xi1>
      %masked_sort3A_1542, %masked_sort3A_1543, %masked_sort3A_1544 = tpu.sort %select_n3A_1533, %select_n3A_1534 masked %masked_sort3A_1541 : (vector<16xf32>, vector<16xi32>, vector<16xi1>) -> (vector<16xi1>, vector<16xf32>, vector<16xi32>)
      %rev3A_1545 = arith.constant 15 : i32
      %rev3A_1546 = vector.broadcast %rev3A_1545 : i32 to vector<16xi32>
      %rev3A_1547 = tpu.iota {dimensions = array<i32: 0>} : vector<16xi32>
      %rev3A_1548 = arith.subi %rev3A_1546, %rev3A_1547 : vector<16xi32>
      %rev3A_1549 = tpu.dynamic_gather %scan3A_1471[%rev3A_1548] in [0] : vector<16xf32>, vector<16xi32> -> vector<16xf32>
      %rev3A_1550 = arith.constant 15 : i32
      %rev3A_1551 = vector.broadcast %rev3A_1550 : i32 to vector<16xi32>
      %rev3A_1552 = tpu.iota {dimensions = array<i32: 0>} : vector<16xi32>
      %rev3A_1553 = arith.subi %rev3A_1551, %rev3A_1552 : vector<16xi32>
      %rev3A_1554 = tpu.dynamic_gather %scan3A_1472[%rev3A_1553] in [0] : vector<16xi32>, vector<16xi32> -> vector<16xi32>
      %ge3A_1555 = arith.cmpf oge, %masked_sort3A_1503, %rev3A_1549 : vector<16xf32>
      %select_n3A_1556 = arith.select %ge3A_1555, %masked_sort3A_1503, %rev3A_1549 : vector<16xi1>, vector<16xf32>
      %select_n3A_1557 = arith.select %ge3A_1555, %masked_sort3A_1504, %rev3A_1554 : vector<16xi1>, vector<16xi32>
      %masked_sort3A_1558 = arith.constant dense<true> : vector<16xi1>
      %masked_sort3A_1559, %masked_sort3A_1560, %masked_sort3A_1561 = tpu.sort %select_n3A_1556, %select_n3A_1557 masked %masked_sort3A_1558 : (vector<16xf32>, vector<16xi32>, vector<16xi1>) -> (vector<16xi1>, vector<16xf32>, vector<16xi32>)
      %rev3A_1562 = arith.constant 15 : i32
      %rev3A_1563 = vector.broadcast %rev3A_1562 : i32 to vector<16xi32>
      %rev3A_1564 = tpu.iota {dimensions = array<i32: 0>} : vector<16xi32>
      %rev3A_1565 = arith.subi %rev3A_1563, %rev3A_1564 : vector<16xi32>
      %rev3A_1566 = tpu.dynamic_gather %masked_sort3A_1560[%rev3A_1565] in [0] : vector<16xf32>, vector<16xi32> -> vector<16xf32>
      %rev3A_1567 = arith.constant 15 : i32
      %rev3A_1568 = vector.broadcast %rev3A_1567 : i32 to vector<16xi32>
      %rev3A_1569 = tpu.iota {dimensions = array<i32: 0>} : vector<16xi32>
      %rev3A_1570 = arith.subi %rev3A_1568, %rev3A_1569 : vector<16xi32>
      %rev3A_1571 = tpu.dynamic_gather %masked_sort3A_1561[%rev3A_1570] in [0] : vector<16xi32>, vector<16xi32> -> vector<16xi32>
      %ge3A_1572 = arith.cmpf oge, %scan3A_1473, %rev3A_1566 : vector<16xf32>
      %select_n3A_1573 = arith.select %ge3A_1572, %scan3A_1473, %rev3A_1566 : vector<16xi1>, vector<16xf32>
      %select_n3A_1574 = arith.select %ge3A_1572, %scan3A_1474, %rev3A_1571 : vector<16xi1>, vector<16xi32>
      %select_n3A_1575 = arith.select %ge3A_1572, %rev3A_1566, %scan3A_1473 : vector<16xi1>, vector<16xf32>
      %select_n3A_1576 = arith.select %ge3A_1572, %rev3A_1571, %scan3A_1474 : vector<16xi1>, vector<16xi32>
      %masked_sort3A_1577 = arith.constant dense<true> : vector<16xi1>
      %masked_sort3A_1578, %masked_sort3A_1579, %masked_sort3A_1580 = tpu.sort %select_n3A_1575, %select_n3A_1576 masked %masked_sort3A_1577 : (vector<16xf32>, vector<16xi32>, vector<16xi1>) -> (vector<16xi1>, vector<16xf32>, vector<16xi32>)
      %masked_sort3A_1581 = arith.constant dense<true> : vector<16xi1>
      %masked_sort3A_1582, %masked_sort3A_1583, %masked_sort3A_1584 = tpu.sort %select_n3A_1573, %select_n3A_1574 masked %masked_sort3A_1581 : (vector<16xf32>, vector<16xi32>, vector<16xi1>) -> (vector<16xi1>, vector<16xf32>, vector<16xi32>)
      scf.yield %masked_sort3A_1539, %masked_sort3A_1540, %masked_sort3A_1543, %masked_sort3A_1544, %masked_sort3A_1579, %masked_sort3A_1580, %masked_sort3A_1583, %masked_sort3A_1584 : vector<16xf32>, vector<16xi32>, vector<16xf32>, vector<16xi32>, vector<16xf32>, vector<16xi32>, vector<16xf32>, vector<16xi32>
    }
    %scan3A_14 = arith.constant 64 : i32
    %rev3A = arith.constant 15 : i32
    %rev3A_15 = vector.broadcast %rev3A : i32 to vector<16xi32>
    %rev3A_16 = tpu.iota {dimensions = array<i32: 0>} : vector<16xi32>
    %rev3A_17 = arith.subi %rev3A_15, %rev3A_16 : vector<16xi32>
    %rev3A_18 = tpu.dynamic_gather %scan3A_13#0[%rev3A_17] in [0] : vector<16xf32>, vector<16xi32> -> vector<16xf32>
    %rev3A_19 = arith.constant 15 : i32
    %rev3A_20 = vector.broadcast %rev3A_19 : i32 to vector<16xi32>
    %rev3A_21 = tpu.iota {dimensions = array<i32: 0>} : vector<16xi32>
    %rev3A_22 = arith.subi %rev3A_20, %rev3A_21 : vector<16xi32>
    %rev3A_23 = tpu.dynamic_gather %scan3A_13#1[%rev3A_22] in [0] : vector<16xi32>, vector<16xi32> -> vector<16xi32>
    %ge3A = arith.cmpf oge, %scan3A_13#4, %rev3A_18 : vector<16xf32>
    %select_n3A = arith.select %ge3A, %scan3A_13#4, %rev3A_18 : vector<16xi1>, vector<16xf32>
    %select_n3A_24 = arith.select %ge3A, %scan3A_13#5, %rev3A_23 : vector<16xi1>, vector<16xi32>
    %masked_sort3A = arith.constant dense<true> : vector<16xi1>
    %masked_sort3A_25, %masked_sort3A_26, %masked_sort3A_27 = tpu.sort %select_n3A, %select_n3A_24 masked %masked_sort3A : (vector<16xf32>, vector<16xi32>, vector<16xi1>) -> (vector<16xi1>, vector<16xf32>, vector<16xi32>)
    %rev3A_28 = arith.constant 15 : i32
    %rev3A_29 = vector.broadcast %rev3A_28 : i32 to vector<16xi32>
    %rev3A_30 = tpu.iota {dimensions = array<i32: 0>} : vector<16xi32>
    %rev3A_31 = arith.subi %rev3A_29, %rev3A_30 : vector<16xi32>
    %rev3A_32 = tpu.dynamic_gather %masked_sort3A_26[%rev3A_31] in [0] : vector<16xf32>, vector<16xi32> -> vector<16xf32>
    %rev3A_33 = arith.constant 15 : i32
    %rev3A_34 = vector.broadcast %rev3A_33 : i32 to vector<16xi32>
    %rev3A_35 = tpu.iota {dimensions = array<i32: 0>} : vector<16xi32>
    %rev3A_36 = arith.subi %rev3A_34, %rev3A_35 : vector<16xi32>
    %rev3A_37 = tpu.dynamic_gather %masked_sort3A_27[%rev3A_36] in [0] : vector<16xi32>, vector<16xi32> -> vector<16xi32>
    %ge3A_38 = arith.cmpf oge, %scan3A_13#2, %rev3A_32 : vector<16xf32>
    %select_n3A_39 = arith.select %ge3A_38, %scan3A_13#2, %rev3A_32 : vector<16xi1>, vector<16xf32>
    %select_n3A_40 = arith.select %ge3A_38, %scan3A_13#3, %rev3A_37 : vector<16xi1>, vector<16xi32>
    %select_n3A_41 = arith.select %ge3A_38, %rev3A_32, %scan3A_13#2 : vector<16xi1>, vector<16xf32>
    %select_n3A_42 = arith.select %ge3A_38, %rev3A_37, %scan3A_13#3 : vector<16xi1>, vector<16xi32>
    %masked_sort3A_43 = arith.constant dense<true> : vector<16xi1>
    %masked_sort3A_44, %masked_sort3A_45, %masked_sort3A_46 = tpu.sort %select_n3A_41, %select_n3A_42 masked %masked_sort3A_43 : (vector<16xf32>, vector<16xi32>, vector<16xi1>) -> (vector<16xi1>, vector<16xf32>, vector<16xi32>)
    %masked_sort3A_47 = arith.constant dense<true> : vector<16xi1>
    %masked_sort3A_48, %masked_sort3A_49, %masked_sort3A_50 = tpu.sort %select_n3A_39, %select_n3A_40 masked %masked_sort3A_47 : (vector<16xf32>, vector<16xi32>, vector<16xi1>) -> (vector<16xi1>, vector<16xf32>, vector<16xi32>)
    %rev3A_51 = arith.constant 15 : i32
    %rev3A_52 = vector.broadcast %rev3A_51 : i32 to vector<16xi32>
    %rev3A_53 = tpu.iota {dimensions = array<i32: 0>} : vector<16xi32>
    %rev3A_54 = arith.subi %rev3A_52, %rev3A_53 : vector<16xi32>
    %rev3A_55 = tpu.dynamic_gather %masked_sort3A_45[%rev3A_54] in [0] : vector<16xf32>, vector<16xi32> -> vector<16xf32>
    %rev3A_56 = arith.constant 15 : i32
    %rev3A_57 = vector.broadcast %rev3A_56 : i32 to vector<16xi32>
    %rev3A_58 = tpu.iota {dimensions = array<i32: 0>} : vector<16xi32>
    %rev3A_59 = arith.subi %rev3A_57, %rev3A_58 : vector<16xi32>
    %rev3A_60 = tpu.dynamic_gather %masked_sort3A_46[%rev3A_59] in [0] : vector<16xi32>, vector<16xi32> -> vector<16xi32>
    %ge3A_61 = arith.cmpf oge, %scan3A_13#6, %rev3A_55 : vector<16xf32>
    %select_n3A_62 = arith.select %ge3A_61, %scan3A_13#6, %rev3A_55 : vector<16xi1>, vector<16xf32>
    %select_n3A_63 = arith.select %ge3A_61, %scan3A_13#7, %rev3A_60 : vector<16xi1>, vector<16xi32>
    %masked_sort3A_64 = arith.constant dense<true> : vector<16xi1>
    %masked_sort3A_65, %masked_sort3A_66, %masked_sort3A_67 = tpu.sort %select_n3A_62, %select_n3A_63 masked %masked_sort3A_64 : (vector<16xf32>, vector<16xi32>, vector<16xi1>) -> (vector<16xi1>, vector<16xf32>, vector<16xi32>)
    %rev3A_68 = arith.constant 15 : i32
    %rev3A_69 = vector.broadcast %rev3A_68 : i32 to vector<16xi32>
    %rev3A_70 = tpu.iota {dimensions = array<i32: 0>} : vector<16xi32>
    %rev3A_71 = arith.subi %rev3A_69, %rev3A_70 : vector<16xi32>
    %rev3A_72 = tpu.dynamic_gather %masked_sort3A_66[%rev3A_71] in [0] : vector<16xf32>, vector<16xi32> -> vector<16xf32>
    %rev3A_73 = arith.constant 15 : i32
    %rev3A_74 = vector.broadcast %rev3A_73 : i32 to vector<16xi32>
    %rev3A_75 = tpu.iota {dimensions = array<i32: 0>} : vector<16xi32>
    %rev3A_76 = arith.subi %rev3A_74, %rev3A_75 : vector<16xi32>
    %rev3A_77 = tpu.dynamic_gather %masked_sort3A_67[%rev3A_76] in [0] : vector<16xi32>, vector<16xi32> -> vector<16xi32>
    %ge3A_78 = arith.cmpf oge, %masked_sort3A_49, %rev3A_72 : vector<16xf32>
    %select_n3A_79 = arith.select %ge3A_78, %masked_sort3A_49, %rev3A_72 : vector<16xi1>, vector<16xf32>
    %select_n3A_80 = arith.select %ge3A_78, %masked_sort3A_50, %rev3A_77 : vector<16xi1>, vector<16xi32>
    %select_n3A_81 = arith.select %ge3A_78, %rev3A_72, %masked_sort3A_49 : vector<16xi1>, vector<16xf32>
    %select_n3A_82 = arith.select %ge3A_78, %rev3A_77, %masked_sort3A_50 : vector<16xi1>, vector<16xi32>
    %masked_sort3A_83 = arith.constant dense<true> : vector<16xi1>
    %masked_sort3A_84, %masked_sort3A_85, %masked_sort3A_86 = tpu.sort %select_n3A_81, %select_n3A_82 masked %masked_sort3A_83 : (vector<16xf32>, vector<16xi32>, vector<16xi1>) -> (vector<16xi1>, vector<16xf32>, vector<16xi32>)
    %masked_sort3A_87 = arith.constant dense<true> : vector<16xi1>
    %masked_sort3A_88, %masked_sort3A_89, %masked_sort3A_90 = tpu.sort %select_n3A_79, %select_n3A_80 masked %masked_sort3A_87 : (vector<16xf32>, vector<16xi32>, vector<16xi1>) -> (vector<16xi1>, vector<16xf32>, vector<16xi32>)
    %swap3A = arith.constant 0 : index
    %swap3A_91 = tpu.vector_load %arg10[%swap3A] {strides = array<i32>} : memref<32xf32, #tpu.memory_space<vmem>>, vector<16xf32>,
    tpu.vector_store %arg10[%swap3A], %masked_sort3A_85 {strides = array<i32>} : memref<32xf32, #tpu.memory_space<vmem>>, vector<16xf32>,
    %swap3A_92 = arith.constant 16 : index
    %swap3A_93 = tpu.vector_load %arg10[%swap3A_92] {strides = array<i32>} : memref<32xf32, #tpu.memory_space<vmem>>, vector<16xf32>,
    tpu.vector_store %arg10[%swap3A_92], %masked_sort3A_89 {strides = array<i32>} : memref<32xf32, #tpu.memory_space<vmem>>, vector<16xf32>,
    %swap3A_94 = arith.constant 0 : index
    %swap3A_95 = tpu.vector_load %arg11[%swap3A_94] {strides = array<i32>} : memref<32xi32, #tpu.memory_space<vmem>>, vector<16xi32>,
    tpu.vector_store %arg11[%swap3A_94], %masked_sort3A_86 {strides = array<i32>} : memref<32xi32, #tpu.memory_space<vmem>>, vector<16xi32>,
    %swap3A_96 = arith.constant 16 : index
    %swap3A_97 = tpu.vector_load %arg11[%swap3A_96] {strides = array<i32>} : memref<32xi32, #tpu.memory_space<vmem>>, vector<16xi32>,
    tpu.vector_store %arg11[%swap3A_96], %masked_sort3A_90 {strides = array<i32>} : memref<32xi32, #tpu.memory_space<vmem>>, vector<16xi32>,
    %mul3A_98 = arith.constant 32 : i32
    %mul3A_99 = arith.muli %arg1, %mul3A_98 : i32
    "tpu.region"() ({
      %run_scoped3A = tpu.sem_alloc : memref<!tpu.dma_semaphore, #tpu.memory_space<semaphore_mem>>
      %dma_start3A_1466 = tpu.memref_slice %arg20[%mul3A_99] : memref<512xf32, #tpu.memory_space<vmem_shared>> -> memref<32xf32, #tpu.memory_space<vmem_shared>>
      %dma_start3A_1467 = tpu.memref_slice %arg20[%mul3A_99] : memref<512xf32, #tpu.memory_space<vmem_shared>> -> memref<32xf32, #tpu.memory_space<vmem_shared>>
      tpu.enqueue_dma source(%arg10 : memref<32xf32, #tpu.memory_space<vmem>>) target(%dma_start3A_1467 : memref<32xf32, #tpu.memory_space<vmem_shared>>) target_semaphore(%run_scoped3A : memref<!tpu.dma_semaphore, #tpu.memory_space<semaphore_mem>>)
      %dma_wait3A_1468 = tpu.memref_slice %arg20[%mul3A_99] : memref<512xf32, #tpu.memory_space<vmem_shared>> -> memref<32xf32, #tpu.memory_space<vmem_shared>>
      %dma_wait3A_1469 = tpu.memref_slice %arg20[%mul3A_99] : memref<512xf32, #tpu.memory_space<vmem_shared>> -> memref<32xf32, #tpu.memory_space<vmem_shared>>
      tpu.wait_dma2 semaphore(%run_scoped3A : memref<!tpu.dma_semaphore, #tpu.memory_space<semaphore_mem>>) src(%arg10 : memref<32xf32, #tpu.memory_space<vmem>>) dst(%dma_wait3A_1469 : memref<32xf32, #tpu.memory_space<vmem_shared>>)
      tpu.yield
    }) : () -> ()
    %mul3A_100 = arith.constant 32 : i32
    %mul3A_101 = arith.muli %arg1, %mul3A_100 : i32
    "tpu.region"() ({
      %run_scoped3A = tpu.sem_alloc : memref<!tpu.dma_semaphore, #tpu.memory_space<semaphore_mem>>
      %dma_start3A_1466 = tpu.memref_slice %arg21[%mul3A_101] : memref<512xi32, #tpu.memory_space<vmem_shared>> -> memref<32xi32, #tpu.memory_space<vmem_shared>>
      %dma_start3A_1467 = tpu.memref_slice %arg21[%mul3A_101] : memref<512xi32, #tpu.memory_space<vmem_shared>> -> memref<32xi32, #tpu.memory_space<vmem_shared>>
      tpu.enqueue_dma source(%arg11 : memref<32xi32, #tpu.memory_space<vmem>>) target(%dma_start3A_1467 : memref<32xi32, #tpu.memory_space<vmem_shared>>) target_semaphore(%run_scoped3A : memref<!tpu.dma_semaphore, #tpu.memory_space<semaphore_mem>>)
      %dma_wait3A_1468 = tpu.memref_slice %arg21[%mul3A_101] : memref<512xi32, #tpu.memory_space<vmem_shared>> -> memref<32xi32, #tpu.memory_space<vmem_shared>>
      %dma_wait3A_1469 = tpu.memref_slice %arg21[%mul3A_101] : memref<512xi32, #tpu.memory_space<vmem_shared>> -> memref<32xi32, #tpu.memory_space<vmem_shared>>
      tpu.wait_dma2 semaphore(%run_scoped3A : memref<!tpu.dma_semaphore, #tpu.memory_space<semaphore_mem>>) src(%arg11 : memref<32xi32, #tpu.memory_space<vmem>>) dst(%dma_wait3A_1469 : memref<32xi32, #tpu.memory_space<vmem_shared>>)
      tpu.yield
    }) : () -> ()
    %barrier3A = arith.constant 0 : index
    tpu.barrier barrier_id(%barrier3A)
    %eq3A = arith.constant 0 : i32
    %eq3A_102 = arith.cmpi eq, %arg1, %eq3A : i32
    %convert_element_type3A = arith.extui %eq3A_102 : i1 to i32
    %cond3A = arith.constant 0 : i32
    %cond3A_103 = arith.cmpi ne, %convert_element_type3A, %cond3A : i32
    scf.if %cond3A_103 {
      "tpu.region"() ({
        %run_scoped3A = tpu.sem_alloc : memref<!tpu.dma_semaphore, #tpu.memory_space<semaphore_mem>>
        tpu.enqueue_dma source(%arg20 : memref<512xf32, #tpu.memory_space<vmem_shared>>) target(%arg8 : memref<512xf32, #tpu.memory_space<vmem>>) target_semaphore(%run_scoped3A : memref<!tpu.dma_semaphore, #tpu.memory_space<semaphore_mem>>)
        tpu.wait_dma2 semaphore(%run_scoped3A : memref<!tpu.dma_semaphore, #tpu.memory_space<semaphore_mem>>) src(%arg20 : memref<512xf32, #tpu.memory_space<vmem_shared>>) dst(%arg8 : memref<512xf32, #tpu.memory_space<vmem>>)
        tpu.yield
      }) : () -> ()
      "tpu.region"() ({
        %run_scoped3A = tpu.sem_alloc : memref<!tpu.dma_semaphore, #tpu.memory_space<semaphore_mem>>
        tpu.enqueue_dma source(%arg21 : memref<512xi32, #tpu.memory_space<vmem_shared>>) target(%arg9 : memref<512xi32, #tpu.memory_space<vmem>>) target_semaphore(%run_scoped3A : memref<!tpu.dma_semaphore, #tpu.memory_space<semaphore_mem>>)
        tpu.wait_dma2 semaphore(%run_scoped3A : memref<!tpu.dma_semaphore, #tpu.memory_space<semaphore_mem>>) src(%arg21 : memref<512xi32, #tpu.memory_space<vmem_shared>>) dst(%arg9 : memref<512xi32, #tpu.memory_space<vmem>>)
        tpu.yield
      }) : () -> ()
      %scan3A_1466 = arith.constant 0 : i32
      %scan3A_1467 = arith.constant 16 : i32
      %scan3A_1468 = arith.addi %scan3A_1466, %scan3A_1467 : i32
      %scan3A_1469 = arith.constant 1 : i32
      %scan3A_1470:8 = scf.for %scan3A_1601 = %scan3A_1466 to %scan3A_1468 step %scan3A_1469 iter_args(%scan3A_1602 = %broadcast_in_dim3A_0, %scan3A_1603 = %broadcast_in_dim3A_2, %scan3A_1604 = %broadcast_in_dim3A_4, %scan3A_1605 = %broadcast_in_dim3A_6, %scan3A_1606 = %broadcast_in_dim3A_0, %scan3A_1607 = %broadcast_in_dim3A_2, %scan3A_1608 = %broadcast_in_dim3A_4, %scan3A_1609 = %broadcast_in_dim3A_6) -> (vector<16xf32>, vector<16xi32>, vector<16xf32>, vector<16xi32>, vector<16xf32>, vector<16xi32>, vector<16xf32>, vector<16xi32>)  : i32 {
        %mul3A_1610 = arith.constant 32 : i32
        %mul3A_1611 = arith.muli %scan3A_1601, %mul3A_1610 : i32
        %get3A_1612 = arith.index_cast %mul3A_1611 : i32 to index
        %get3A_1613 = tpu.vector_load %arg8[%get3A_1612] {strides = array<i32>} : memref<512xf32, #tpu.memory_space<vmem>>, vector<16xf32>,
        %mul3A_1614 = arith.constant 32 : i32
        %mul3A_1615 = arith.muli %scan3A_1601, %mul3A_1614 : i32
        %get3A_1616 = arith.index_cast %mul3A_1615 : i32 to index
        %get3A_1617 = tpu.vector_load %arg9[%get3A_1616] {strides = array<i32>} : memref<512xi32, #tpu.memory_space<vmem>>, vector<16xi32>,
        %mul3A_1618 = arith.constant 32 : i32
        %mul3A_1619 = arith.muli %scan3A_1601, %mul3A_1618 : i32
        %add3A_1620 = arith.constant 16 : i32
        %add3A_1621 = arith.addi %mul3A_1619, %add3A_1620 : i32
        %get3A_1622 = arith.index_cast %add3A_1621 : i32 to index
        %get3A_1623 = tpu.vector_load %arg8[%get3A_1622] {strides = array<i32>} : memref<512xf32, #tpu.memory_space<vmem>>, vector<16xf32>,
        %mul3A_1624 = arith.constant 32 : i32
        %mul3A_1625 = arith.muli %scan3A_1601, %mul3A_1624 : i32
        %add3A_1626 = arith.constant 16 : i32
        %add3A_1627 = arith.addi %mul3A_1625, %add3A_1626 : i32
        %get3A_1628 = arith.index_cast %add3A_1627 : i32 to index
        %get3A_1629 = tpu.vector_load %arg9[%get3A_1628] {strides = array<i32>} : memref<512xi32, #tpu.memory_space<vmem>>, vector<16xi32>,
        %masked_sort3A_1630 = arith.constant dense<true> : vector<16xi1>
        %masked_sort3A_1631, %masked_sort3A_1632, %masked_sort3A_1633 = tpu.sort %get3A_1613, %get3A_1617 masked %masked_sort3A_1630 : (vector<16xf32>, vector<16xi32>, vector<16xi1>) -> (vector<16xi1>, vector<16xf32>, vector<16xi32>)
        %masked_sort3A_1634 = arith.constant dense<true> : vector<16xi1>
        %masked_sort3A_1635, %masked_sort3A_1636, %masked_sort3A_1637 = tpu.sort %get3A_1623, %get3A_1629 masked %masked_sort3A_1634 : (vector<16xf32>, vector<16xi32>, vector<16xi1>) -> (vector<16xi1>, vector<16xf32>, vector<16xi32>)
        %rev3A_1638 = arith.constant 15 : i32
        %rev3A_1639 = vector.broadcast %rev3A_1638 : i32 to vector<16xi32>
        %rev3A_1640 = tpu.iota {dimensions = array<i32: 0>} : vector<16xi32>
        %rev3A_1641 = arith.subi %rev3A_1639, %rev3A_1640 : vector<16xi32>
        %rev3A_1642 = tpu.dynamic_gather %scan3A_1602[%rev3A_1641] in [0] : vector<16xf32>, vector<16xi32> -> vector<16xf32>
        %rev3A_1643 = arith.constant 15 : i32
        %rev3A_1644 = vector.broadcast %rev3A_1643 : i32 to vector<16xi32>
        %rev3A_1645 = tpu.iota {dimensions = array<i32: 0>} : vector<16xi32>
        %rev3A_1646 = arith.subi %rev3A_1644, %rev3A_1645 : vector<16xi32>
        %rev3A_1647 = tpu.dynamic_gather %scan3A_1603[%rev3A_1646] in [0] : vector<16xi32>, vector<16xi32> -> vector<16xi32>
        %ge3A_1648 = arith.cmpf oge, %masked_sort3A_1632, %rev3A_1642 : vector<16xf32>
        %select_n3A_1649 = arith.select %ge3A_1648, %masked_sort3A_1632, %rev3A_1642 : vector<16xi1>, vector<16xf32>
        %select_n3A_1650 = arith.select %ge3A_1648, %masked_sort3A_1633, %rev3A_1647 : vector<16xi1>, vector<16xi32>
        %masked_sort3A_1651 = arith.constant dense<true> : vector<16xi1>
        %masked_sort3A_1652, %masked_sort3A_1653, %masked_sort3A_1654 = tpu.sort %select_n3A_1649, %select_n3A_1650 masked %masked_sort3A_1651 : (vector<16xf32>, vector<16xi32>, vector<16xi1>) -> (vector<16xi1>, vector<16xf32>, vector<16xi32>)
        %rev3A_1655 = arith.constant 15 : i32
        %rev3A_1656 = vector.broadcast %rev3A_1655 : i32 to vector<16xi32>
        %rev3A_1657 = tpu.iota {dimensions = array<i32: 0>} : vector<16xi32>
        %rev3A_1658 = arith.subi %rev3A_1656, %rev3A_1657 : vector<16xi32>
        %rev3A_1659 = tpu.dynamic_gather %masked_sort3A_1653[%rev3A_1658] in [0] : vector<16xf32>, vector<16xi32> -> vector<16xf32>
        %rev3A_1660 = arith.constant 15 : i32
        %rev3A_1661 = vector.broadcast %rev3A_1660 : i32 to vector<16xi32>
        %rev3A_1662 = tpu.iota {dimensions = array<i32: 0>} : vector<16xi32>
        %rev3A_1663 = arith.subi %rev3A_1661, %rev3A_1662 : vector<16xi32>
        %rev3A_1664 = tpu.dynamic_gather %masked_sort3A_1654[%rev3A_1663] in [0] : vector<16xi32>, vector<16xi32> -> vector<16xi32>
        %ge3A_1665 = arith.cmpf oge, %scan3A_1604, %rev3A_1659 : vector<16xf32>
        %select_n3A_1666 = arith.select %ge3A_1665, %scan3A_1604, %rev3A_1659 : vector<16xi1>, vector<16xf32>
        %select_n3A_1667 = arith.select %ge3A_1665, %scan3A_1605, %rev3A_1664 : vector<16xi1>, vector<16xi32>
        %select_n3A_1668 = arith.select %ge3A_1665, %rev3A_1659, %scan3A_1604 : vector<16xi1>, vector<16xf32>
        %select_n3A_1669 = arith.select %ge3A_1665, %rev3A_1664, %scan3A_1605 : vector<16xi1>, vector<16xi32>
        %masked_sort3A_1670 = arith.constant dense<true> : vector<16xi1>
        %masked_sort3A_1671, %masked_sort3A_1672, %masked_sort3A_1673 = tpu.sort %select_n3A_1668, %select_n3A_1669 masked %masked_sort3A_1670 : (vector<16xf32>, vector<16xi32>, vector<16xi1>) -> (vector<16xi1>, vector<16xf32>, vector<16xi32>)
        %masked_sort3A_1674 = arith.constant dense<true> : vector<16xi1>
        %masked_sort3A_1675, %masked_sort3A_1676, %masked_sort3A_1677 = tpu.sort %select_n3A_1666, %select_n3A_1667 masked %masked_sort3A_1674 : (vector<16xf32>, vector<16xi32>, vector<16xi1>) -> (vector<16xi1>, vector<16xf32>, vector<16xi32>)
        %rev3A_1678 = arith.constant 15 : i32
        %rev3A_1679 = vector.broadcast %rev3A_1678 : i32 to vector<16xi32>
        %rev3A_1680 = tpu.iota {dimensions = array<i32: 0>} : vector<16xi32>
        %rev3A_1681 = arith.subi %rev3A_1679, %rev3A_1680 : vector<16xi32>
        %rev3A_1682 = tpu.dynamic_gather %scan3A_1606[%rev3A_1681] in [0] : vector<16xf32>, vector<16xi32> -> vector<16xf32>
        %rev3A_1683 = arith.constant 15 : i32
        %rev3A_1684 = vector.broadcast %rev3A_1683 : i32 to vector<16xi32>
        %rev3A_1685 = tpu.iota {dimensions = array<i32: 0>} : vector<16xi32>
        %rev3A_1686 = arith.subi %rev3A_1684, %rev3A_1685 : vector<16xi32>
        %rev3A_1687 = tpu.dynamic_gather %scan3A_1607[%rev3A_1686] in [0] : vector<16xi32>, vector<16xi32> -> vector<16xi32>
        %ge3A_1688 = arith.cmpf oge, %masked_sort3A_1636, %rev3A_1682 : vector<16xf32>
        %select_n3A_1689 = arith.select %ge3A_1688, %masked_sort3A_1636, %rev3A_1682 : vector<16xi1>, vector<16xf32>
        %select_n3A_1690 = arith.select %ge3A_1688, %masked_sort3A_1637, %rev3A_1687 : vector<16xi1>, vector<16xi32>
        %masked_sort3A_1691 = arith.constant dense<true> : vector<16xi1>
        %masked_sort3A_1692, %masked_sort3A_1693, %masked_sort3A_1694 = tpu.sort %select_n3A_1689, %select_n3A_1690 masked %masked_sort3A_1691 : (vector<16xf32>, vector<16xi32>, vector<16xi1>) -> (vector<16xi1>, vector<16xf32>, vector<16xi32>)
        %rev3A_1695 = arith.constant 15 : i32
        %rev3A_1696 = vector.broadcast %rev3A_1695 : i32 to vector<16xi32>
        %rev3A_1697 = tpu.iota {dimensions = array<i32: 0>} : vector<16xi32>
        %rev3A_1698 = arith.subi %rev3A_1696, %rev3A_1697 : vector<16xi32>
        %rev3A_1699 = tpu.dynamic_gather %masked_sort3A_1693[%rev3A_1698] in [0] : vector<16xf32>, vector<16xi32> -> vector<16xf32>
        %rev3A_1700 = arith.constant 15 : i32
        %rev3A_1701 = vector.broadcast %rev3A_1700 : i32 to vector<16xi32>
        %rev3A_1702 = tpu.iota {dimensions = array<i32: 0>} : vector<16xi32>
        %rev3A_1703 = arith.subi %rev3A_1701, %rev3A_1702 : vector<16xi32>
        %rev3A_1704 = tpu.dynamic_gather %masked_sort3A_1694[%rev3A_1703] in [0] : vector<16xi32>, vector<16xi32> -> vector<16xi32>
        %ge3A_1705 = arith.cmpf oge, %scan3A_1608, %rev3A_1699 : vector<16xf32>
        %select_n3A_1706 = arith.select %ge3A_1705, %scan3A_1608, %rev3A_1699 : vector<16xi1>, vector<16xf32>
        %select_n3A_1707 = arith.select %ge3A_1705, %scan3A_1609, %rev3A_1704 : vector<16xi1>, vector<16xi32>
        %select_n3A_1708 = arith.select %ge3A_1705, %rev3A_1699, %scan3A_1608 : vector<16xi1>, vector<16xf32>
        %select_n3A_1709 = arith.select %ge3A_1705, %rev3A_1704, %scan3A_1609 : vector<16xi1>, vector<16xi32>
        %masked_sort3A_1710 = arith.constant dense<true> : vector<16xi1>
        %masked_sort3A_1711, %masked_sort3A_1712, %masked_sort3A_1713 = tpu.sort %select_n3A_1708, %select_n3A_1709 masked %masked_sort3A_1710 : (vector<16xf32>, vector<16xi32>, vector<16xi1>) -> (vector<16xi1>, vector<16xf32>, vector<16xi32>)
        %masked_sort3A_1714 = arith.constant dense<true> : vector<16xi1>
        %masked_sort3A_1715, %masked_sort3A_1716, %masked_sort3A_1717 = tpu.sort %select_n3A_1706, %select_n3A_1707 masked %masked_sort3A_1714 : (vector<16xf32>, vector<16xi32>, vector<16xi1>) -> (vector<16xi1>, vector<16xf32>, vector<16xi32>)
        scf.yield %masked_sort3A_1672, %masked_sort3A_1673, %masked_sort3A_1676, %masked_sort3A_1677, %masked_sort3A_1712, %masked_sort3A_1713, %masked_sort3A_1716, %masked_sort3A_1717 : vector<16xf32>, vector<16xi32>, vector<16xf32>, vector<16xi32>, vector<16xf32>, vector<16xi32>, vector<16xf32>, vector<16xi32>
      }
      %scan3A_1471 = arith.constant 16 : i32
      %rev3A_1472 = arith.constant 15 : i32
      %rev3A_1473 = vector.broadcast %rev3A_1472 : i32 to vector<16xi32>
      %rev3A_1474 = tpu.iota {dimensions = array<i32: 0>} : vector<16xi32>
      %rev3A_1475 = arith.subi %rev3A_1473, %rev3A_1474 : vector<16xi32>
      %rev3A_1476 = tpu.dynamic_gather %scan3A_1470#0[%rev3A_1475] in [0] : vector<16xf32>, vector<16xi32> -> vector<16xf32>
      %rev3A_1477 = arith.constant 15 : i32
      %rev3A_1478 = vector.broadcast %rev3A_1477 : i32 to vector<16xi32>
      %rev3A_1479 = tpu.iota {dimensions = array<i32: 0>} : vector<16xi32>
      %rev3A_1480 = arith.subi %rev3A_1478, %rev3A_1479 : vector<16xi32>
      %rev3A_1481 = tpu.dynamic_gather %scan3A_1470#1[%rev3A_1480] in [0] : vector<16xi32>, vector<16xi32> -> vector<16xi32>
      %ge3A_1482 = arith.cmpf oge, %scan3A_1470#4, %rev3A_1476 : vector<16xf32>
      %select_n3A_1483 = arith.select %ge3A_1482, %scan3A_1470#4, %rev3A_1476 : vector<16xi1>, vector<16xf32>
      %select_n3A_1484 = arith.select %ge3A_1482, %scan3A_1470#5, %rev3A_1481 : vector<16xi1>, vector<16xi32>
      %masked_sort3A_1485 = arith.constant dense<true> : vector<16xi1>
      %masked_sort3A_1486, %masked_sort3A_1487, %masked_sort3A_1488 = tpu.sort %select_n3A_1483, %select_n3A_1484 masked %masked_sort3A_1485 : (vector<16xf32>, vector<16xi32>, vector<16xi1>) -> (vector<16xi1>, vector<16xf32>, vector<16xi32>)
      %rev3A_1489 = arith.constant 15 : i32
      %rev3A_1490 = vector.broadcast %rev3A_1489 : i32 to vector<16xi32>
      %rev3A_1491 = tpu.iota {dimensions = array<i32: 0>} : vector<16xi32>
      %rev3A_1492 = arith.subi %rev3A_1490, %rev3A_1491 : vector<16xi32>
      %rev3A_1493 = tpu.dynamic_gather %masked_sort3A_1487[%rev3A_1492] in [0] : vector<16xf32>, vector<16xi32> -> vector<16xf32>
      %rev3A_1494 = arith.constant 15 : i32
      %rev3A_1495 = vector.broadcast %rev3A_1494 : i32 to vector<16xi32>
      %rev3A_1496 = tpu.iota {dimensions = array<i32: 0>} : vector<16xi32>
      %rev3A_1497 = arith.subi %rev3A_1495, %rev3A_1496 : vector<16xi32>
      %rev3A_1498 = tpu.dynamic_gather %masked_sort3A_1488[%rev3A_1497] in [0] : vector<16xi32>, vector<16xi32> -> vector<16xi32>
      %ge3A_1499 = arith.cmpf oge, %scan3A_1470#2, %rev3A_1493 : vector<16xf32>
      %select_n3A_1500 = arith.select %ge3A_1499, %scan3A_1470#2, %rev3A_1493 : vector<16xi1>, vector<16xf32>
      %select_n3A_1501 = arith.select %ge3A_1499, %scan3A_1470#3, %rev3A_1498 : vector<16xi1>, vector<16xi32>
      %select_n3A_1502 = arith.select %ge3A_1499, %rev3A_1493, %scan3A_1470#2 : vector<16xi1>, vector<16xf32>
      %select_n3A_1503 = arith.select %ge3A_1499, %rev3A_1498, %scan3A_1470#3 : vector<16xi1>, vector<16xi32>
      %masked_sort3A_1504 = arith.constant dense<true> : vector<16xi1>
      %masked_sort3A_1505, %masked_sort3A_1506, %masked_sort3A_1507 = tpu.sort %select_n3A_1502, %select_n3A_1503 masked %masked_sort3A_1504 : (vector<16xf32>, vector<16xi32>, vector<16xi1>) -> (vector<16xi1>, vector<16xf32>, vector<16xi32>)
      %masked_sort3A_1508 = arith.constant dense<true> : vector<16xi1>
      %masked_sort3A_1509, %masked_sort3A_1510, %masked_sort3A_1511 = tpu.sort %select_n3A_1500, %select_n3A_1501 masked %masked_sort3A_1508 : (vector<16xf32>, vector<16xi32>, vector<16xi1>) -> (vector<16xi1>, vector<16xf32>, vector<16xi32>)
      %rev3A_1512 = arith.constant 15 : i32
      %rev3A_1513 = vector.broadcast %rev3A_1512 : i32 to vector<16xi32>
      %rev3A_1514 = tpu.iota {dimensions = array<i32: 0>} : vector<16xi32>
      %rev3A_1515 = arith.subi %rev3A_1513, %rev3A_1514 : vector<16xi32>
      %rev3A_1516 = tpu.dynamic_gather %masked_sort3A_1506[%rev3A_1515] in [0] : vector<16xf32>, vector<16xi32> -> vector<16xf32>
      %rev3A_1517 = arith.constant 15 : i32
      %rev3A_1518 = vector.broadcast %rev3A_1517 : i32 to vector<16xi32>
      %rev3A_1519 = tpu.iota {dimensions = array<i32: 0>} : vector<16xi32>
      %rev3A_1520 = arith.subi %rev3A_1518, %rev3A_1519 : vector<16xi32>
      %rev3A_1521 = tpu.dynamic_gather %masked_sort3A_1507[%rev3A_1520] in [0] : vector<16xi32>, vector<16xi32> -> vector<16xi32>
      %ge3A_1522 = arith.cmpf oge, %scan3A_1470#6, %rev3A_1516 : vector<16xf32>
      %select_n3A_1523 = arith.select %ge3A_1522, %scan3A_1470#6, %rev3A_1516 : vector<16xi1>, vector<16xf32>
      %select_n3A_1524 = arith.select %ge3A_1522, %scan3A_1470#7, %rev3A_1521 : vector<16xi1>, vector<16xi32>
      %masked_sort3A_1525 = arith.constant dense<true> : vector<16xi1>
      %masked_sort3A_1526, %masked_sort3A_1527, %masked_sort3A_1528 = tpu.sort %select_n3A_1523, %select_n3A_1524 masked %masked_sort3A_1525 : (vector<16xf32>, vector<16xi32>, vector<16xi1>) -> (vector<16xi1>, vector<16xf32>, vector<16xi32>)
      %rev3A_1529 = arith.constant 15 : i32
      %rev3A_1530 = vector.broadcast %rev3A_1529 : i32 to vector<16xi32>
      %rev3A_1531 = tpu.iota {dimensions = array<i32: 0>} : vector<16xi32>
      %rev3A_1532 = arith.subi %rev3A_1530, %rev3A_1531 : vector<16xi32>
      %rev3A_1533 = tpu.dynamic_gather %masked_sort3A_1527[%rev3A_1532] in [0] : vector<16xf32>, vector<16xi32> -> vector<16xf32>
      %rev3A_1534 = arith.constant 15 : i32
      %rev3A_1535 = vector.broadcast %rev3A_1534 : i32 to vector<16xi32>
      %rev3A_1536 = tpu.iota {dimensions = array<i32: 0>} : vector<16xi32>
      %rev3A_1537 = arith.subi %rev3A_1535, %rev3A_1536 : vector<16xi32>
      %rev3A_1538 = tpu.dynamic_gather %masked_sort3A_1528[%rev3A_1537] in [0] : vector<16xi32>, vector<16xi32> -> vector<16xi32>
      %ge3A_1539 = arith.cmpf oge, %masked_sort3A_1510, %rev3A_1533 : vector<16xf32>
      %select_n3A_1540 = arith.select %ge3A_1539, %masked_sort3A_1510, %rev3A_1533 : vector<16xi1>, vector<16xf32>
      %select_n3A_1541 = arith.select %ge3A_1539, %masked_sort3A_1511, %rev3A_1538 : vector<16xi1>, vector<16xi32>
      %select_n3A_1542 = arith.select %ge3A_1539, %rev3A_1533, %masked_sort3A_1510 : vector<16xi1>, vector<16xf32>
      %select_n3A_1543 = arith.select %ge3A_1539, %rev3A_1538, %masked_sort3A_1511 : vector<16xi1>, vector<16xi32>
      %masked_sort3A_1544 = arith.constant dense<true> : vector<16xi1>
      %masked_sort3A_1545, %masked_sort3A_1546, %masked_sort3A_1547 = tpu.sort %select_n3A_1542, %select_n3A_1543 masked %masked_sort3A_1544 : (vector<16xf32>, vector<16xi32>, vector<16xi1>) -> (vector<16xi1>, vector<16xf32>, vector<16xi32>)
      %masked_sort3A_1548 = arith.constant dense<true> : vector<16xi1>
      %masked_sort3A_1549, %masked_sort3A_1550, %masked_sort3A_1551 = tpu.sort %select_n3A_1540, %select_n3A_1541 masked %masked_sort3A_1548 : (vector<16xf32>, vector<16xi32>, vector<16xi1>) -> (vector<16xi1>, vector<16xf32>, vector<16xi32>)
      %swap3A_1552 = arith.constant 0 : index
      %swap3A_1553 = tpu.vector_load %arg18[%swap3A_1552] {strides = array<i32>} : memref<16xf32, #tpu.memory_space<vmem>>, vector<16xf32>,
      tpu.vector_store %arg18[%swap3A_1552], %masked_sort3A_1550 {strides = array<i32>} : memref<16xf32, #tpu.memory_space<vmem>>, vector<16xf32>,
      %broadcast_in_dim3A_1554 = arith.constant 0 : i32
      %broadcast_in_dim3A_1555 = vector.broadcast %broadcast_in_dim3A_1554 : i32 to vector<16xi32>
      %add3A_1556 = arith.constant 15 : i32
      %add3A_1557 = vector.broadcast %add3A_1556 : i32 to vector<16xi32>
      %add3A_1558 = arith.addi %broadcast_in_dim3A_1555, %add3A_1557 : vector<16xi32>
      %gather3A_1559 = tpu.vector_load_idx %arg18[%add3A_1558] : memref<16xf32, #tpu.memory_space<vmem>>[vector<16xi32>], vector<16xf32>,
      %sub3A = arith.subf %masked_sort3A_1546, %gather3A_1559 : vector<16xf32>
      %exp3A = math.exp %sub3A : vector<16xf32>
      %sub3A_1560 = arith.subf %masked_sort3A_1550, %gather3A_1559 : vector<16xf32>
      %exp3A_1561 = math.exp %sub3A_1560 : vector<16xf32>
      %add3A_1562 = arith.addf %exp3A, %exp3A_1561 : vector<16xf32>
      %iota3A_1563 = tpu.iota {dimensions = array<i32: 0>} : vector<16xi32>
      %swap3A_1564 = arith.constant 0 : index
      %swap3A_1565 = tpu.vector_load %arg18[%swap3A_1564] {strides = array<i32>} : memref<16xf32, #tpu.memory_space<vmem>>, vector<16xf32>,
      tpu.vector_store %arg18[%swap3A_1564], %add3A_1562 {strides = array<i32>} : memref<16xf32, #tpu.memory_space<vmem>>, vector<16xf32>,
      %xor3A_1566 = arith.constant 8 : i32
      %xor3A_1567 = vector.broadcast %xor3A_1566 : i32 to vector<16xi32>
      %xor3A_1568 = arith.xori %iota3A_1563, %xor3A_1567 : vector<16xi32>
      %gather3A_1569 = tpu.vector_load_idx %arg18[%xor3A_1568] : memref<16xf32, #tpu.memory_space<vmem>>[vector<16xi32>], vector<16xf32>,
      %add3A_1570 = arith.addf %add3A_1562, %gather3A_1569 : vector<16xf32>
      %swap3A_1571 = arith.constant 0 : index
      %swap3A_1572 = tpu.vector_load %arg18[%swap3A_1571] {strides = array<i32>} : memref<16xf32, #tpu.memory_space<vmem>>, vector<16xf32>,
      tpu.vector_store %arg18[%swap3A_1571], %add3A_1570 {strides = array<i32>} : memref<16xf32, #tpu.memory_space<vmem>>, vector<16xf32>,
      %xor3A_1573 = arith.constant 4 : i32
      %xor3A_1574 = vector.broadcast %xor3A_1573 : i32 to vector<16xi32>
      %xor3A_1575 = arith.xori %iota3A_1563, %xor3A_1574 : vector<16xi32>
      %gather3A_1576 = tpu.vector_load_idx %arg18[%xor3A_1575] : memref<16xf32, #tpu.memory_space<vmem>>[vector<16xi32>], vector<16xf32>,
      %add3A_1577 = arith.addf %add3A_1570, %gather3A_1576 : vector<16xf32>
      %swap3A_1578 = arith.constant 0 : index
      %swap3A_1579 = tpu.vector_load %arg18[%swap3A_1578] {strides = array<i32>} : memref<16xf32, #tpu.memory_space<vmem>>, vector<16xf32>,
      tpu.vector_store %arg18[%swap3A_1578], %add3A_1577 {strides = array<i32>} : memref<16xf32, #tpu.memory_space<vmem>>, vector<16xf32>,
      %xor3A_1580 = arith.constant 2 : i32
      %xor3A_1581 = vector.broadcast %xor3A_1580 : i32 to vector<16xi32>
      %xor3A_1582 = arith.xori %iota3A_1563, %xor3A_1581 : vector<16xi32>
      %gather3A_1583 = tpu.vector_load_idx %arg18[%xor3A_1582] : memref<16xf32, #tpu.memory_space<vmem>>[vector<16xi32>], vector<16xf32>,
      %add3A_1584 = arith.addf %add3A_1577, %gather3A_1583 : vector<16xf32>
      %swap3A_1585 = arith.constant 0 : index
      %swap3A_1586 = tpu.vector_load %arg18[%swap3A_1585] {strides = array<i32>} : memref<16xf32, #tpu.memory_space<vmem>>, vector<16xf32>,
      tpu.vector_store %arg18[%swap3A_1585], %add3A_1584 {strides = array<i32>} : memref<16xf32, #tpu.memory_space<vmem>>, vector<16xf32>,
      %xor3A_1587 = arith.constant 1 : i32
      %xor3A_1588 = vector.broadcast %xor3A_1587 : i32 to vector<16xi32>
      %xor3A_1589 = arith.xori %iota3A_1563, %xor3A_1588 : vector<16xi32>
      %gather3A_1590 = tpu.vector_load_idx %arg18[%xor3A_1589] : memref<16xf32, #tpu.memory_space<vmem>>[vector<16xi32>], vector<16xf32>,
      %add3A_1591 = arith.addf %add3A_1584, %gather3A_1590 : vector<16xf32>
      %div3A = arith.divf %exp3A, %add3A_1591 : vector<16xf32>
      %swap3A_1592 = arith.constant 0 : index
      %swap3A_1593 = tpu.vector_load %arg13[%swap3A_1592] {strides = array<i32>} : memref<32xf32, #tpu.memory_space<vmem>>, vector<16xf32>,
      tpu.vector_store %arg13[%swap3A_1592], %div3A {strides = array<i32>} : memref<32xf32, #tpu.memory_space<vmem>>, vector<16xf32>,
      %div3A_1594 = arith.divf %exp3A_1561, %add3A_1591 : vector<16xf32>
      %swap3A_1595 = arith.constant 16 : index
      %swap3A_1596 = tpu.vector_load %arg13[%swap3A_1595] {strides = array<i32>} : memref<32xf32, #tpu.memory_space<vmem>>, vector<16xf32>,
      tpu.vector_store %arg13[%swap3A_1595], %div3A_1594 {strides = array<i32>} : memref<32xf32, #tpu.memory_space<vmem>>, vector<16xf32>,
      %swap3A_1597 = arith.constant 0 : index
      %swap3A_1598 = tpu.vector_load %arg12[%swap3A_1597] {strides = array<i32>} : memref<32xi32, #tpu.memory_space<vmem>>, vector<16xi32>,
      tpu.vector_store %arg12[%swap3A_1597], %masked_sort3A_1547 {strides = array<i32>} : memref<32xi32, #tpu.memory_space<vmem>>, vector<16xi32>,
      %swap3A_1599 = arith.constant 16 : index
      %swap3A_1600 = tpu.vector_load %arg12[%swap3A_1599] {strides = array<i32>} : memref<32xi32, #tpu.memory_space<vmem>>, vector<16xi32>,
      tpu.vector_store %arg12[%swap3A_1599], %masked_sort3A_1551 {strides = array<i32>} : memref<32xi32, #tpu.memory_space<vmem>>, vector<16xi32>,
      "tpu.region"() ({
        %run_scoped3A = tpu.sem_alloc : memref<!tpu.dma_semaphore, #tpu.memory_space<semaphore_mem>>
        tpu.enqueue_dma source(%arg13 : memref<32xf32, #tpu.memory_space<vmem>>) target(%arg22 : memref<32xf32, #tpu.memory_space<vmem_shared>>) target_semaphore(%run_scoped3A : memref<!tpu.dma_semaphore, #tpu.memory_space<semaphore_mem>>)
        tpu.wait_dma2 semaphore(%run_scoped3A : memref<!tpu.dma_semaphore, #tpu.memory_space<semaphore_mem>>) src(%arg13 : memref<32xf32, #tpu.memory_space<vmem>>) dst(%arg22 : memref<32xf32, #tpu.memory_space<vmem_shared>>)
        tpu.yield
      }) : () -> ()
      "tpu.region"() ({
        %run_scoped3A = tpu.sem_alloc : memref<!tpu.dma_semaphore, #tpu.memory_space<semaphore_mem>>
        tpu.enqueue_dma source(%arg12 : memref<32xi32, #tpu.memory_space<vmem>>) target(%arg23 : memref<32xi32, #tpu.memory_space<vmem_shared>>) target_semaphore(%run_scoped3A : memref<!tpu.dma_semaphore, #tpu.memory_space<semaphore_mem>>)
        tpu.wait_dma2 semaphore(%run_scoped3A : memref<!tpu.dma_semaphore, #tpu.memory_space<semaphore_mem>>) src(%arg12 : memref<32xi32, #tpu.memory_space<vmem>>) dst(%arg23 : memref<32xi32, #tpu.memory_space<vmem_shared>>)
        tpu.yield
      }) : () -> ()
    } else {
    }
    %barrier3A_104 = arith.constant 0 : index
    tpu.barrier barrier_id(%barrier3A_104)
    "tpu.region"() ({
      %run_scoped3A = tpu.sem_alloc : memref<!tpu.dma_semaphore, #tpu.memory_space<semaphore_mem>>
      tpu.enqueue_dma source(%arg22 : memref<32xf32, #tpu.memory_space<vmem_shared>>) target(%arg13 : memref<32xf32, #tpu.memory_space<vmem>>) target_semaphore(%run_scoped3A : memref<!tpu.dma_semaphore, #tpu.memory_space<semaphore_mem>>)
      tpu.wait_dma2 semaphore(%run_scoped3A : memref<!tpu.dma_semaphore, #tpu.memory_space<semaphore_mem>>) src(%arg22 : memref<32xf32, #tpu.memory_space<vmem_shared>>) dst(%arg13 : memref<32xf32, #tpu.memory_space<vmem>>)
      tpu.yield
    }) : () -> ()
    "tpu.region"() ({
      %run_scoped3A = tpu.sem_alloc : memref<!tpu.dma_semaphore, #tpu.memory_space<semaphore_mem>>
      tpu.enqueue_dma source(%arg23 : memref<32xi32, #tpu.memory_space<vmem_shared>>) target(%arg12 : memref<32xi32, #tpu.memory_space<vmem>>) target_semaphore(%run_scoped3A : memref<!tpu.dma_semaphore, #tpu.memory_space<semaphore_mem>>)
      tpu.wait_dma2 semaphore(%run_scoped3A : memref<!tpu.dma_semaphore, #tpu.memory_space<semaphore_mem>>) src(%arg23 : memref<32xi32, #tpu.memory_space<vmem_shared>>) dst(%arg12 : memref<32xi32, #tpu.memory_space<vmem>>)
      tpu.yield
    }) : () -> ()
    %lt3A = arith.constant 2 : i32
    %lt3A_105 = vector.broadcast %lt3A : i32 to vector<16xi32>
    %lt3A_106 = arith.cmpi slt, %iota3A, %lt3A_105 : vector<16xi32>
    %mul3A_107 = arith.constant 2 : i32
    %mul3A_108 = arith.muli %mul3A_107, %arg1 : i32
    %add3A = vector.broadcast %mul3A_108 : i32 to vector<16xi32>
    %add3A_109 = arith.addi %iota3A, %add3A : vector<16xi32>
    %jit3A = arith.constant 0 : i32
    %broadcast_in_dim3A_110 = vector.broadcast %jit3A : i32 to vector<16xi32>
    %select_n3A_111 = arith.select %lt3A_106, %add3A_109, %broadcast_in_dim3A_110 : vector<16xi1>, vector<16xi32>
    %gather3A = tpu.vector_load_idx %arg12[%select_n3A_111] : memref<32xi32, #tpu.memory_space<vmem>>[vector<16xi32>], vector<16xi32>,
    %lt3A_112 = arith.constant 2 : i32
    %lt3A_113 = vector.broadcast %lt3A_112 : i32 to vector<16xi32>
    %lt3A_114 = arith.cmpi slt, %iota3A, %lt3A_113 : vector<16xi32>
    tpu.vector_store_idx %arg14[%iota3A], %gather3A masked %lt3A_114 : memref<2xi32, #tpu.memory_space<vmem>>[vector<16xi32>], vector<16xi32>, vector<16xi1>
    %dma_start3A = arith.constant 0 : i32
    %dma_start3A_115 = arith.constant 0 : i32
    %dma_start3A_116 = arith.constant 0 : i32
    %dma_start3A_117 = tpu.memref_slice %arg3[%dma_start3A, %dma_start3A_115, %dma_start3A_116] : memref<32768x1x1024xf32, #tpu.memory_space<hbm>> -> memref<32768x1x1024xf32, #tpu.memory_space<hbm>>
    tpu.enqueue_indirect_dma source(%dma_start3A_117 : memref<32768x1x1024xf32, #tpu.memory_space<hbm>>) target(%arg15 : memref<2x1x1024xf32, #tpu.memory_space<vmem>>) offsets(%arg14 : memref<2xi32, #tpu.memory_space<vmem>>) semaphore(%arg25 : memref<!tpu.dma_semaphore, #tpu.memory_space<semaphore_mem>>)
    %dma_wait3A = arith.constant 0 : i32
    %dma_wait3A_118 = arith.constant 0 : i32
    %dma_wait3A_119 = arith.constant 0 : i32
    %dma_wait3A_120 = tpu.memref_slice %arg3[%dma_wait3A, %dma_wait3A_118, %dma_wait3A_119] : memref<32768x1x1024xf32, #tpu.memory_space<hbm>> -> memref<32768x1x1024xf32, #tpu.memory_space<hbm>>
    tpu.wait_indirect_dma semaphore(%arg25 : memref<!tpu.dma_semaphore, #tpu.memory_space<semaphore_mem>>) src(%dma_wait3A_120 : memref<32768x1x1024xf32, #tpu.memory_space<hbm>>) dst(%arg15 : memref<2x1x1024xf32, #tpu.memory_space<vmem>>)
    %broadcast_in_dim3A_121 = arith.constant 0.000000e+00 : f32
    %broadcast_in_dim3A_122 = vector.broadcast %broadcast_in_dim3A_121 : f32 to vector<16xf32>
    %broadcast_in_dim3A_123 = arith.constant 0.000000e+00 : f32
    %broadcast_in_dim3A_124 = vector.broadcast %broadcast_in_dim3A_123 : f32 to vector<16xf32>
    %get3A = arith.constant 0 : i32
    %get3A_125 = arith.constant 0 : i32
    %get3A_126 = arith.index_cast %get3A : i32 to index
    %get3A_127 = arith.index_cast %get3A_125 : i32 to index
    %get3A_128 = arith.constant 0 : index
    %get3A_129 = tpu.vector_load %arg15[%get3A_126, %get3A_127, %get3A_128] {strides = array<i32>} : memref<2x1x1024xf32, #tpu.memory_space<vmem>>, vector<16xf32>,
    %get3A_130 = arith.constant 0 : index
    %get3A_131 = tpu.vector_load %arg16[%get3A_130] {strides = array<i32>} : memref<1024xf32, #tpu.memory_space<vmem>>, vector<16xf32>,
    %mul3A_132 = arith.mulf %get3A_129, %get3A_131 : vector<16xf32>
    %add3A_133 = arith.addf %broadcast_in_dim3A_124, %mul3A_132 : vector<16xf32>
    %get3A_134 = arith.constant 0 : i32
    %get3A_135 = arith.constant 0 : i32
    %get3A_136 = arith.index_cast %get3A_134 : i32 to index
    %get3A_137 = arith.index_cast %get3A_135 : i32 to index
    %get3A_138 = arith.constant 16 : index
    %get3A_139 = tpu.vector_load %arg15[%get3A_136, %get3A_137, %get3A_138] {strides = array<i32>} : memref<2x1x1024xf32, #tpu.memory_space<vmem>>, vector<16xf32>,
    %get3A_140 = arith.constant 16 : index
    %get3A_141 = tpu.vector_load %arg16[%get3A_140] {strides = array<i32>} : memref<1024xf32, #tpu.memory_space<vmem>>, vector<16xf32>,
    %mul3A_142 = arith.mulf %get3A_139, %get3A_141 : vector<16xf32>
    %add3A_143 = arith.addf %add3A_133, %mul3A_142 : vector<16xf32>
    %get3A_144 = arith.constant 0 : i32
    %get3A_145 = arith.constant 0 : i32
    %get3A_146 = arith.index_cast %get3A_144 : i32 to index
    %get3A_147 = arith.index_cast %get3A_145 : i32 to index
    %get3A_148 = arith.constant 32 : index
    %get3A_149 = tpu.vector_load %arg15[%get3A_146, %get3A_147, %get3A_148] {strides = array<i32>} : memref<2x1x1024xf32, #tpu.memory_space<vmem>>, vector<16xf32>,
    %get3A_150 = arith.constant 32 : index
    %get3A_151 = tpu.vector_load %arg16[%get3A_150] {strides = array<i32>} : memref<1024xf32, #tpu.memory_space<vmem>>, vector<16xf32>,
    %mul3A_152 = arith.mulf %get3A_149, %get3A_151 : vector<16xf32>
    %add3A_153 = arith.addf %add3A_143, %mul3A_152 : vector<16xf32>
    %get3A_154 = arith.constant 0 : i32
    %get3A_155 = arith.constant 0 : i32
    %get3A_156 = arith.index_cast %get3A_154 : i32 to index
    %get3A_157 = arith.index_cast %get3A_155 : i32 to index
    %get3A_158 = arith.constant 48 : index
    %get3A_159 = tpu.vector_load %arg15[%get3A_156, %get3A_157, %get3A_158] {strides = array<i32>} : memref<2x1x1024xf32, #tpu.memory_space<vmem>>, vector<16xf32>,
    %get3A_160 = arith.constant 48 : index
    %get3A_161 = tpu.vector_load %arg16[%get3A_160] {strides = array<i32>} : memref<1024xf32, #tpu.memory_space<vmem>>, vector<16xf32>,
    %mul3A_162 = arith.mulf %get3A_159, %get3A_161 : vector<16xf32>
    %add3A_163 = arith.addf %add3A_153, %mul3A_162 : vector<16xf32>
    %get3A_164 = arith.constant 0 : i32
    %get3A_165 = arith.constant 0 : i32
    %get3A_166 = arith.index_cast %get3A_164 : i32 to index
    %get3A_167 = arith.index_cast %get3A_165 : i32 to index
    %get3A_168 = arith.constant 64 : index
    %get3A_169 = tpu.vector_load %arg15[%get3A_166, %get3A_167, %get3A_168] {strides = array<i32>} : memref<2x1x1024xf32, #tpu.memory_space<vmem>>, vector<16xf32>,
    %get3A_170 = arith.constant 64 : index
    %get3A_171 = tpu.vector_load %arg16[%get3A_170] {strides = array<i32>} : memref<1024xf32, #tpu.memory_space<vmem>>, vector<16xf32>,
    %mul3A_172 = arith.mulf %get3A_169, %get3A_171 : vector<16xf32>
    %add3A_173 = arith.addf %add3A_163, %mul3A_172 : vector<16xf32>
    %get3A_174 = arith.constant 0 : i32
    %get3A_175 = arith.constant 0 : i32
    %get3A_176 = arith.index_cast %get3A_174 : i32 to index
    %get3A_177 = arith.index_cast %get3A_175 : i32 to index
    %get3A_178 = arith.constant 80 : index
    %get3A_179 = tpu.vector_load %arg15[%get3A_176, %get3A_177, %get3A_178] {strides = array<i32>} : memref<2x1x1024xf32, #tpu.memory_space<vmem>>, vector<16xf32>,
    %get3A_180 = arith.constant 80 : index
    %get3A_181 = tpu.vector_load %arg16[%get3A_180] {strides = array<i32>} : memref<1024xf32, #tpu.memory_space<vmem>>, vector<16xf32>,
    %mul3A_182 = arith.mulf %get3A_179, %get3A_181 : vector<16xf32>
    %add3A_183 = arith.addf %add3A_173, %mul3A_182 : vector<16xf32>
    %get3A_184 = arith.constant 0 : i32
    %get3A_185 = arith.constant 0 : i32
    %get3A_186 = arith.index_cast %get3A_184 : i32 to index
    %get3A_187 = arith.index_cast %get3A_185 : i32 to index
    %get3A_188 = arith.constant 96 : index
    %get3A_189 = tpu.vector_load %arg15[%get3A_186, %get3A_187, %get3A_188] {strides = array<i32>} : memref<2x1x1024xf32, #tpu.memory_space<vmem>>, vector<16xf32>,
    %get3A_190 = arith.constant 96 : index
    %get3A_191 = tpu.vector_load %arg16[%get3A_190] {strides = array<i32>} : memref<1024xf32, #tpu.memory_space<vmem>>, vector<16xf32>,
    %mul3A_192 = arith.mulf %get3A_189, %get3A_191 : vector<16xf32>
    %add3A_193 = arith.addf %add3A_183, %mul3A_192 : vector<16xf32>
    %get3A_194 = arith.constant 0 : i32
    %get3A_195 = arith.constant 0 : i32
    %get3A_196 = arith.index_cast %get3A_194 : i32 to index
    %get3A_197 = arith.index_cast %get3A_195 : i32 to index
    %get3A_198 = arith.constant 112 : index
    %get3A_199 = tpu.vector_load %arg15[%get3A_196, %get3A_197, %get3A_198] {strides = array<i32>} : memref<2x1x1024xf32, #tpu.memory_space<vmem>>, vector<16xf32>,
    %get3A_200 = arith.constant 112 : index
    %get3A_201 = tpu.vector_load %arg16[%get3A_200] {strides = array<i32>} : memref<1024xf32, #tpu.memory_space<vmem>>, vector<16xf32>,
    %mul3A_202 = arith.mulf %get3A_199, %get3A_201 : vector<16xf32>
    %add3A_203 = arith.addf %add3A_193, %mul3A_202 : vector<16xf32>
    %get3A_204 = arith.constant 0 : i32
    %get3A_205 = arith.constant 0 : i32
    %get3A_206 = arith.index_cast %get3A_204 : i32 to index
    %get3A_207 = arith.index_cast %get3A_205 : i32 to index
    %get3A_208 = arith.constant 128 : index
    %get3A_209 = tpu.vector_load %arg15[%get3A_206, %get3A_207, %get3A_208] {strides = array<i32>} : memref<2x1x1024xf32, #tpu.memory_space<vmem>>, vector<16xf32>,
    %get3A_210 = arith.constant 128 : index
    %get3A_211 = tpu.vector_load %arg16[%get3A_210] {strides = array<i32>} : memref<1024xf32, #tpu.memory_space<vmem>>, vector<16xf32>,
    %mul3A_212 = arith.mulf %get3A_209, %get3A_211 : vector<16xf32>
    %add3A_213 = arith.addf %add3A_203, %mul3A_212 : vector<16xf32>
    %get3A_214 = arith.constant 0 : i32
    %get3A_215 = arith.constant 0 : i32
    %get3A_216 = arith.index_cast %get3A_214 : i32 to index
    %get3A_217 = arith.index_cast %get3A_215 : i32 to index
    %get3A_218 = arith.constant 144 : index
    %get3A_219 = tpu.vector_load %arg15[%get3A_216, %get3A_217, %get3A_218] {strides = array<i32>} : memref<2x1x1024xf32, #tpu.memory_space<vmem>>, vector<16xf32>,
    %get3A_220 = arith.constant 144 : index
    %get3A_221 = tpu.vector_load %arg16[%get3A_220] {strides = array<i32>} : memref<1024xf32, #tpu.memory_space<vmem>>, vector<16xf32>,
    %mul3A_222 = arith.mulf %get3A_219, %get3A_221 : vector<16xf32>
    %add3A_223 = arith.addf %add3A_213, %mul3A_222 : vector<16xf32>
    %get3A_224 = arith.constant 0 : i32
    %get3A_225 = arith.constant 0 : i32
    %get3A_226 = arith.index_cast %get3A_224 : i32 to index
    %get3A_227 = arith.index_cast %get3A_225 : i32 to index
    %get3A_228 = arith.constant 160 : index
    %get3A_229 = tpu.vector_load %arg15[%get3A_226, %get3A_227, %get3A_228] {strides = array<i32>} : memref<2x1x1024xf32, #tpu.memory_space<vmem>>, vector<16xf32>,
    %get3A_230 = arith.constant 160 : index
    %get3A_231 = tpu.vector_load %arg16[%get3A_230] {strides = array<i32>} : memref<1024xf32, #tpu.memory_space<vmem>>, vector<16xf32>,
    %mul3A_232 = arith.mulf %get3A_229, %get3A_231 : vector<16xf32>
    %add3A_233 = arith.addf %add3A_223, %mul3A_232 : vector<16xf32>
    %get3A_234 = arith.constant 0 : i32
    %get3A_235 = arith.constant 0 : i32
    %get3A_236 = arith.index_cast %get3A_234 : i32 to index
    %get3A_237 = arith.index_cast %get3A_235 : i32 to index
    %get3A_238 = arith.constant 176 : index
    %get3A_239 = tpu.vector_load %arg15[%get3A_236, %get3A_237, %get3A_238] {strides = array<i32>} : memref<2x1x1024xf32, #tpu.memory_space<vmem>>, vector<16xf32>,
    %get3A_240 = arith.constant 176 : index
    %get3A_241 = tpu.vector_load %arg16[%get3A_240] {strides = array<i32>} : memref<1024xf32, #tpu.memory_space<vmem>>, vector<16xf32>,
    %mul3A_242 = arith.mulf %get3A_239, %get3A_241 : vector<16xf32>
    %add3A_243 = arith.addf %add3A_233, %mul3A_242 : vector<16xf32>
    %get3A_244 = arith.constant 0 : i32
    %get3A_245 = arith.constant 0 : i32
    %get3A_246 = arith.index_cast %get3A_244 : i32 to index
    %get3A_247 = arith.index_cast %get3A_245 : i32 to index
    %get3A_248 = arith.constant 192 : index
    %get3A_249 = tpu.vector_load %arg15[%get3A_246, %get3A_247, %get3A_248] {strides = array<i32>} : memref<2x1x1024xf32, #tpu.memory_space<vmem>>, vector<16xf32>,
    %get3A_250 = arith.constant 192 : index
    %get3A_251 = tpu.vector_load %arg16[%get3A_250] {strides = array<i32>} : memref<1024xf32, #tpu.memory_space<vmem>>, vector<16xf32>,
    %mul3A_252 = arith.mulf %get3A_249, %get3A_251 : vector<16xf32>
    %add3A_253 = arith.addf %add3A_243, %mul3A_252 : vector<16xf32>
    %get3A_254 = arith.constant 0 : i32
    %get3A_255 = arith.constant 0 : i32
    %get3A_256 = arith.index_cast %get3A_254 : i32 to index
    %get3A_257 = arith.index_cast %get3A_255 : i32 to index
    %get3A_258 = arith.constant 208 : index
    %get3A_259 = tpu.vector_load %arg15[%get3A_256, %get3A_257, %get3A_258] {strides = array<i32>} : memref<2x1x1024xf32, #tpu.memory_space<vmem>>, vector<16xf32>,
    %get3A_260 = arith.constant 208 : index
    %get3A_261 = tpu.vector_load %arg16[%get3A_260] {strides = array<i32>} : memref<1024xf32, #tpu.memory_space<vmem>>, vector<16xf32>,
    %mul3A_262 = arith.mulf %get3A_259, %get3A_261 : vector<16xf32>
    %add3A_263 = arith.addf %add3A_253, %mul3A_262 : vector<16xf32>
    %get3A_264 = arith.constant 0 : i32
    %get3A_265 = arith.constant 0 : i32
    %get3A_266 = arith.index_cast %get3A_264 : i32 to index
    %get3A_267 = arith.index_cast %get3A_265 : i32 to index
    %get3A_268 = arith.constant 224 : index
    %get3A_269 = tpu.vector_load %arg15[%get3A_266, %get3A_267, %get3A_268] {strides = array<i32>} : memref<2x1x1024xf32, #tpu.memory_space<vmem>>, vector<16xf32>,
    %get3A_270 = arith.constant 224 : index
    %get3A_271 = tpu.vector_load %arg16[%get3A_270] {strides = array<i32>} : memref<1024xf32, #tpu.memory_space<vmem>>, vector<16xf32>,
    %mul3A_272 = arith.mulf %get3A_269, %get3A_271 : vector<16xf32>
    %add3A_273 = arith.addf %add3A_263, %mul3A_272 : vector<16xf32>
    %get3A_274 = arith.constant 0 : i32
    %get3A_275 = arith.constant 0 : i32
    %get3A_276 = arith.index_cast %get3A_274 : i32 to index
    %get3A_277 = arith.index_cast %get3A_275 : i32 to index
    %get3A_278 = arith.constant 240 : index
    %get3A_279 = tpu.vector_load %arg15[%get3A_276, %get3A_277, %get3A_278] {strides = array<i32>} : memref<2x1x1024xf32, #tpu.memory_space<vmem>>, vector<16xf32>,
    %get3A_280 = arith.constant 240 : index
    %get3A_281 = tpu.vector_load %arg16[%get3A_280] {strides = array<i32>} : memref<1024xf32, #tpu.memory_space<vmem>>, vector<16xf32>,
    %mul3A_282 = arith.mulf %get3A_279, %get3A_281 : vector<16xf32>
    %add3A_283 = arith.addf %add3A_273, %mul3A_282 : vector<16xf32>
    %get3A_284 = arith.constant 0 : i32
    %get3A_285 = arith.constant 0 : i32
    %get3A_286 = arith.index_cast %get3A_284 : i32 to index
    %get3A_287 = arith.index_cast %get3A_285 : i32 to index
    %get3A_288 = arith.constant 256 : index
    %get3A_289 = tpu.vector_load %arg15[%get3A_286, %get3A_287, %get3A_288] {strides = array<i32>} : memref<2x1x1024xf32, #tpu.memory_space<vmem>>, vector<16xf32>,
    %get3A_290 = arith.constant 256 : index
    %get3A_291 = tpu.vector_load %arg16[%get3A_290] {strides = array<i32>} : memref<1024xf32, #tpu.memory_space<vmem>>, vector<16xf32>,
    %mul3A_292 = arith.mulf %get3A_289, %get3A_291 : vector<16xf32>
    %add3A_293 = arith.addf %add3A_283, %mul3A_292 : vector<16xf32>
    %get3A_294 = arith.constant 0 : i32
    %get3A_295 = arith.constant 0 : i32
    %get3A_296 = arith.index_cast %get3A_294 : i32 to index
    %get3A_297 = arith.index_cast %get3A_295 : i32 to index
    %get3A_298 = arith.constant 272 : index
    %get3A_299 = tpu.vector_load %arg15[%get3A_296, %get3A_297, %get3A_298] {strides = array<i32>} : memref<2x1x1024xf32, #tpu.memory_space<vmem>>, vector<16xf32>,
    %get3A_300 = arith.constant 272 : index
    %get3A_301 = tpu.vector_load %arg16[%get3A_300] {strides = array<i32>} : memref<1024xf32, #tpu.memory_space<vmem>>, vector<16xf32>,
    %mul3A_302 = arith.mulf %get3A_299, %get3A_301 : vector<16xf32>
    %add3A_303 = arith.addf %add3A_293, %mul3A_302 : vector<16xf32>
    %get3A_304 = arith.constant 0 : i32
    %get3A_305 = arith.constant 0 : i32
    %get3A_306 = arith.index_cast %get3A_304 : i32 to index
    %get3A_307 = arith.index_cast %get3A_305 : i32 to index
    %get3A_308 = arith.constant 288 : index
    %get3A_309 = tpu.vector_load %arg15[%get3A_306, %get3A_307, %get3A_308] {strides = array<i32>} : memref<2x1x1024xf32, #tpu.memory_space<vmem>>, vector<16xf32>,
    %get3A_310 = arith.constant 288 : index
    %get3A_311 = tpu.vector_load %arg16[%get3A_310] {strides = array<i32>} : memref<1024xf32, #tpu.memory_space<vmem>>, vector<16xf32>,
    %mul3A_312 = arith.mulf %get3A_309, %get3A_311 : vector<16xf32>
    %add3A_313 = arith.addf %add3A_303, %mul3A_312 : vector<16xf32>
    %get3A_314 = arith.constant 0 : i32
    %get3A_315 = arith.constant 0 : i32
    %get3A_316 = arith.index_cast %get3A_314 : i32 to index
    %get3A_317 = arith.index_cast %get3A_315 : i32 to index
    %get3A_318 = arith.constant 304 : index
    %get3A_319 = tpu.vector_load %arg15[%get3A_316, %get3A_317, %get3A_318] {strides = array<i32>} : memref<2x1x1024xf32, #tpu.memory_space<vmem>>, vector<16xf32>,
    %get3A_320 = arith.constant 304 : index
    %get3A_321 = tpu.vector_load %arg16[%get3A_320] {strides = array<i32>} : memref<1024xf32, #tpu.memory_space<vmem>>, vector<16xf32>,
    %mul3A_322 = arith.mulf %get3A_319, %get3A_321 : vector<16xf32>
    %add3A_323 = arith.addf %add3A_313, %mul3A_322 : vector<16xf32>
    %get3A_324 = arith.constant 0 : i32
    %get3A_325 = arith.constant 0 : i32
    %get3A_326 = arith.index_cast %get3A_324 : i32 to index
    %get3A_327 = arith.index_cast %get3A_325 : i32 to index
    %get3A_328 = arith.constant 320 : index
    %get3A_329 = tpu.vector_load %arg15[%get3A_326, %get3A_327, %get3A_328] {strides = array<i32>} : memref<2x1x1024xf32, #tpu.memory_space<vmem>>, vector<16xf32>,
    %get3A_330 = arith.constant 320 : index
    %get3A_331 = tpu.vector_load %arg16[%get3A_330] {strides = array<i32>} : memref<1024xf32, #tpu.memory_space<vmem>>, vector<16xf32>,
    %mul3A_332 = arith.mulf %get3A_329, %get3A_331 : vector<16xf32>
    %add3A_333 = arith.addf %add3A_323, %mul3A_332 : vector<16xf32>
    %get3A_334 = arith.constant 0 : i32
    %get3A_335 = arith.constant 0 : i32
    %get3A_336 = arith.index_cast %get3A_334 : i32 to index
    %get3A_337 = arith.index_cast %get3A_335 : i32 to index
    %get3A_338 = arith.constant 336 : index
    %get3A_339 = tpu.vector_load %arg15[%get3A_336, %get3A_337, %get3A_338] {strides = array<i32>} : memref<2x1x1024xf32, #tpu.memory_space<vmem>>, vector<16xf32>,
    %get3A_340 = arith.constant 336 : index
    %get3A_341 = tpu.vector_load %arg16[%get3A_340] {strides = array<i32>} : memref<1024xf32, #tpu.memory_space<vmem>>, vector<16xf32>,
    %mul3A_342 = arith.mulf %get3A_339, %get3A_341 : vector<16xf32>
    %add3A_343 = arith.addf %add3A_333, %mul3A_342 : vector<16xf32>
    %get3A_344 = arith.constant 0 : i32
    %get3A_345 = arith.constant 0 : i32
    %get3A_346 = arith.index_cast %get3A_344 : i32 to index
    %get3A_347 = arith.index_cast %get3A_345 : i32 to index
    %get3A_348 = arith.constant 352 : index
    %get3A_349 = tpu.vector_load %arg15[%get3A_346, %get3A_347, %get3A_348] {strides = array<i32>} : memref<2x1x1024xf32, #tpu.memory_space<vmem>>, vector<16xf32>,
    %get3A_350 = arith.constant 352 : index
    %get3A_351 = tpu.vector_load %arg16[%get3A_350] {strides = array<i32>} : memref<1024xf32, #tpu.memory_space<vmem>>, vector<16xf32>,
    %mul3A_352 = arith.mulf %get3A_349, %get3A_351 : vector<16xf32>
    %add3A_353 = arith.addf %add3A_343, %mul3A_352 : vector<16xf32>
    %get3A_354 = arith.constant 0 : i32
    %get3A_355 = arith.constant 0 : i32
    %get3A_356 = arith.index_cast %get3A_354 : i32 to index
    %get3A_357 = arith.index_cast %get3A_355 : i32 to index
    %get3A_358 = arith.constant 368 : index
    %get3A_359 = tpu.vector_load %arg15[%get3A_356, %get3A_357, %get3A_358] {strides = array<i32>} : memref<2x1x1024xf32, #tpu.memory_space<vmem>>, vector<16xf32>,
    %get3A_360 = arith.constant 368 : index
    %get3A_361 = tpu.vector_load %arg16[%get3A_360] {strides = array<i32>} : memref<1024xf32, #tpu.memory_space<vmem>>, vector<16xf32>,
    %mul3A_362 = arith.mulf %get3A_359, %get3A_361 : vector<16xf32>
    %add3A_363 = arith.addf %add3A_353, %mul3A_362 : vector<16xf32>
    %get3A_364 = arith.constant 0 : i32
    %get3A_365 = arith.constant 0 : i32
    %get3A_366 = arith.index_cast %get3A_364 : i32 to index
    %get3A_367 = arith.index_cast %get3A_365 : i32 to index
    %get3A_368 = arith.constant 384 : index
    %get3A_369 = tpu.vector_load %arg15[%get3A_366, %get3A_367, %get3A_368] {strides = array<i32>} : memref<2x1x1024xf32, #tpu.memory_space<vmem>>, vector<16xf32>,
    %get3A_370 = arith.constant 384 : index
    %get3A_371 = tpu.vector_load %arg16[%get3A_370] {strides = array<i32>} : memref<1024xf32, #tpu.memory_space<vmem>>, vector<16xf32>,
    %mul3A_372 = arith.mulf %get3A_369, %get3A_371 : vector<16xf32>
    %add3A_373 = arith.addf %add3A_363, %mul3A_372 : vector<16xf32>
    %get3A_374 = arith.constant 0 : i32
    %get3A_375 = arith.constant 0 : i32
    %get3A_376 = arith.index_cast %get3A_374 : i32 to index
    %get3A_377 = arith.index_cast %get3A_375 : i32 to index
    %get3A_378 = arith.constant 400 : index
    %get3A_379 = tpu.vector_load %arg15[%get3A_376, %get3A_377, %get3A_378] {strides = array<i32>} : memref<2x1x1024xf32, #tpu.memory_space<vmem>>, vector<16xf32>,
    %get3A_380 = arith.constant 400 : index
    %get3A_381 = tpu.vector_load %arg16[%get3A_380] {strides = array<i32>} : memref<1024xf32, #tpu.memory_space<vmem>>, vector<16xf32>,
    %mul3A_382 = arith.mulf %get3A_379, %get3A_381 : vector<16xf32>
    %add3A_383 = arith.addf %add3A_373, %mul3A_382 : vector<16xf32>
    %get3A_384 = arith.constant 0 : i32
    %get3A_385 = arith.constant 0 : i32
    %get3A_386 = arith.index_cast %get3A_384 : i32 to index
    %get3A_387 = arith.index_cast %get3A_385 : i32 to index
    %get3A_388 = arith.constant 416 : index
    %get3A_389 = tpu.vector_load %arg15[%get3A_386, %get3A_387, %get3A_388] {strides = array<i32>} : memref<2x1x1024xf32, #tpu.memory_space<vmem>>, vector<16xf32>,
    %get3A_390 = arith.constant 416 : index
    %get3A_391 = tpu.vector_load %arg16[%get3A_390] {strides = array<i32>} : memref<1024xf32, #tpu.memory_space<vmem>>, vector<16xf32>,
    %mul3A_392 = arith.mulf %get3A_389, %get3A_391 : vector<16xf32>
    %add3A_393 = arith.addf %add3A_383, %mul3A_392 : vector<16xf32>
    %get3A_394 = arith.constant 0 : i32
    %get3A_395 = arith.constant 0 : i32
    %get3A_396 = arith.index_cast %get3A_394 : i32 to index
    %get3A_397 = arith.index_cast %get3A_395 : i32 to index
    %get3A_398 = arith.constant 432 : index
    %get3A_399 = tpu.vector_load %arg15[%get3A_396, %get3A_397, %get3A_398] {strides = array<i32>} : memref<2x1x1024xf32, #tpu.memory_space<vmem>>, vector<16xf32>,
    %get3A_400 = arith.constant 432 : index
    %get3A_401 = tpu.vector_load %arg16[%get3A_400] {strides = array<i32>} : memref<1024xf32, #tpu.memory_space<vmem>>, vector<16xf32>,
    %mul3A_402 = arith.mulf %get3A_399, %get3A_401 : vector<16xf32>
    %add3A_403 = arith.addf %add3A_393, %mul3A_402 : vector<16xf32>
    %get3A_404 = arith.constant 0 : i32
    %get3A_405 = arith.constant 0 : i32
    %get3A_406 = arith.index_cast %get3A_404 : i32 to index
    %get3A_407 = arith.index_cast %get3A_405 : i32 to index
    %get3A_408 = arith.constant 448 : index
    %get3A_409 = tpu.vector_load %arg15[%get3A_406, %get3A_407, %get3A_408] {strides = array<i32>} : memref<2x1x1024xf32, #tpu.memory_space<vmem>>, vector<16xf32>,
    %get3A_410 = arith.constant 448 : index
    %get3A_411 = tpu.vector_load %arg16[%get3A_410] {strides = array<i32>} : memref<1024xf32, #tpu.memory_space<vmem>>, vector<16xf32>,
    %mul3A_412 = arith.mulf %get3A_409, %get3A_411 : vector<16xf32>
    %add3A_413 = arith.addf %add3A_403, %mul3A_412 : vector<16xf32>
    %get3A_414 = arith.constant 0 : i32
    %get3A_415 = arith.constant 0 : i32
    %get3A_416 = arith.index_cast %get3A_414 : i32 to index
    %get3A_417 = arith.index_cast %get3A_415 : i32 to index
    %get3A_418 = arith.constant 464 : index
    %get3A_419 = tpu.vector_load %arg15[%get3A_416, %get3A_417, %get3A_418] {strides = array<i32>} : memref<2x1x1024xf32, #tpu.memory_space<vmem>>, vector<16xf32>,
    %get3A_420 = arith.constant 464 : index
    %get3A_421 = tpu.vector_load %arg16[%get3A_420] {strides = array<i32>} : memref<1024xf32, #tpu.memory_space<vmem>>, vector<16xf32>,
    %mul3A_422 = arith.mulf %get3A_419, %get3A_421 : vector<16xf32>
    %add3A_423 = arith.addf %add3A_413, %mul3A_422 : vector<16xf32>
    %get3A_424 = arith.constant 0 : i32
    %get3A_425 = arith.constant 0 : i32
    %get3A_426 = arith.index_cast %get3A_424 : i32 to index
    %get3A_427 = arith.index_cast %get3A_425 : i32 to index
    %get3A_428 = arith.constant 480 : index
    %get3A_429 = tpu.vector_load %arg15[%get3A_426, %get3A_427, %get3A_428] {strides = array<i32>} : memref<2x1x1024xf32, #tpu.memory_space<vmem>>, vector<16xf32>,
    %get3A_430 = arith.constant 480 : index
    %get3A_431 = tpu.vector_load %arg16[%get3A_430] {strides = array<i32>} : memref<1024xf32, #tpu.memory_space<vmem>>, vector<16xf32>,
    %mul3A_432 = arith.mulf %get3A_429, %get3A_431 : vector<16xf32>
    %add3A_433 = arith.addf %add3A_423, %mul3A_432 : vector<16xf32>
    %get3A_434 = arith.constant 0 : i32
    %get3A_435 = arith.constant 0 : i32
    %get3A_436 = arith.index_cast %get3A_434 : i32 to index
    %get3A_437 = arith.index_cast %get3A_435 : i32 to index
    %get3A_438 = arith.constant 496 : index
    %get3A_439 = tpu.vector_load %arg15[%get3A_436, %get3A_437, %get3A_438] {strides = array<i32>} : memref<2x1x1024xf32, #tpu.memory_space<vmem>>, vector<16xf32>,
    %get3A_440 = arith.constant 496 : index
    %get3A_441 = tpu.vector_load %arg16[%get3A_440] {strides = array<i32>} : memref<1024xf32, #tpu.memory_space<vmem>>, vector<16xf32>,
    %mul3A_442 = arith.mulf %get3A_439, %get3A_441 : vector<16xf32>
    %add3A_443 = arith.addf %add3A_433, %mul3A_442 : vector<16xf32>
    %get3A_444 = arith.constant 0 : i32
    %get3A_445 = arith.constant 0 : i32
    %get3A_446 = arith.index_cast %get3A_444 : i32 to index
    %get3A_447 = arith.index_cast %get3A_445 : i32 to index
    %get3A_448 = arith.constant 512 : index
    %get3A_449 = tpu.vector_load %arg15[%get3A_446, %get3A_447, %get3A_448] {strides = array<i32>} : memref<2x1x1024xf32, #tpu.memory_space<vmem>>, vector<16xf32>,
    %get3A_450 = arith.constant 512 : index
    %get3A_451 = tpu.vector_load %arg16[%get3A_450] {strides = array<i32>} : memref<1024xf32, #tpu.memory_space<vmem>>, vector<16xf32>,
    %mul3A_452 = arith.mulf %get3A_449, %get3A_451 : vector<16xf32>
    %add3A_453 = arith.addf %add3A_443, %mul3A_452 : vector<16xf32>
    %get3A_454 = arith.constant 0 : i32
    %get3A_455 = arith.constant 0 : i32
    %get3A_456 = arith.index_cast %get3A_454 : i32 to index
    %get3A_457 = arith.index_cast %get3A_455 : i32 to index
    %get3A_458 = arith.constant 528 : index
    %get3A_459 = tpu.vector_load %arg15[%get3A_456, %get3A_457, %get3A_458] {strides = array<i32>} : memref<2x1x1024xf32, #tpu.memory_space<vmem>>, vector<16xf32>,
    %get3A_460 = arith.constant 528 : index
    %get3A_461 = tpu.vector_load %arg16[%get3A_460] {strides = array<i32>} : memref<1024xf32, #tpu.memory_space<vmem>>, vector<16xf32>,
    %mul3A_462 = arith.mulf %get3A_459, %get3A_461 : vector<16xf32>
    %add3A_463 = arith.addf %add3A_453, %mul3A_462 : vector<16xf32>
    %get3A_464 = arith.constant 0 : i32
    %get3A_465 = arith.constant 0 : i32
    %get3A_466 = arith.index_cast %get3A_464 : i32 to index
    %get3A_467 = arith.index_cast %get3A_465 : i32 to index
    %get3A_468 = arith.constant 544 : index
    %get3A_469 = tpu.vector_load %arg15[%get3A_466, %get3A_467, %get3A_468] {strides = array<i32>} : memref<2x1x1024xf32, #tpu.memory_space<vmem>>, vector<16xf32>,
    %get3A_470 = arith.constant 544 : index
    %get3A_471 = tpu.vector_load %arg16[%get3A_470] {strides = array<i32>} : memref<1024xf32, #tpu.memory_space<vmem>>, vector<16xf32>,
    %mul3A_472 = arith.mulf %get3A_469, %get3A_471 : vector<16xf32>
    %add3A_473 = arith.addf %add3A_463, %mul3A_472 : vector<16xf32>
    %get3A_474 = arith.constant 0 : i32
    %get3A_475 = arith.constant 0 : i32
    %get3A_476 = arith.index_cast %get3A_474 : i32 to index
    %get3A_477 = arith.index_cast %get3A_475 : i32 to index
    %get3A_478 = arith.constant 560 : index
    %get3A_479 = tpu.vector_load %arg15[%get3A_476, %get3A_477, %get3A_478] {strides = array<i32>} : memref<2x1x1024xf32, #tpu.memory_space<vmem>>, vector<16xf32>,
    %get3A_480 = arith.constant 560 : index
    %get3A_481 = tpu.vector_load %arg16[%get3A_480] {strides = array<i32>} : memref<1024xf32, #tpu.memory_space<vmem>>, vector<16xf32>,
    %mul3A_482 = arith.mulf %get3A_479, %get3A_481 : vector<16xf32>
    %add3A_483 = arith.addf %add3A_473, %mul3A_482 : vector<16xf32>
    %get3A_484 = arith.constant 0 : i32
    %get3A_485 = arith.constant 0 : i32
    %get3A_486 = arith.index_cast %get3A_484 : i32 to index
    %get3A_487 = arith.index_cast %get3A_485 : i32 to index
    %get3A_488 = arith.constant 576 : index
    %get3A_489 = tpu.vector_load %arg15[%get3A_486, %get3A_487, %get3A_488] {strides = array<i32>} : memref<2x1x1024xf32, #tpu.memory_space<vmem>>, vector<16xf32>,
    %get3A_490 = arith.constant 576 : index
    %get3A_491 = tpu.vector_load %arg16[%get3A_490] {strides = array<i32>} : memref<1024xf32, #tpu.memory_space<vmem>>, vector<16xf32>,
    %mul3A_492 = arith.mulf %get3A_489, %get3A_491 : vector<16xf32>
    %add3A_493 = arith.addf %add3A_483, %mul3A_492 : vector<16xf32>
    %get3A_494 = arith.constant 0 : i32
    %get3A_495 = arith.constant 0 : i32
    %get3A_496 = arith.index_cast %get3A_494 : i32 to index
    %get3A_497 = arith.index_cast %get3A_495 : i32 to index
    %get3A_498 = arith.constant 592 : index
    %get3A_499 = tpu.vector_load %arg15[%get3A_496, %get3A_497, %get3A_498] {strides = array<i32>} : memref<2x1x1024xf32, #tpu.memory_space<vmem>>, vector<16xf32>,
    %get3A_500 = arith.constant 592 : index
    %get3A_501 = tpu.vector_load %arg16[%get3A_500] {strides = array<i32>} : memref<1024xf32, #tpu.memory_space<vmem>>, vector<16xf32>,
    %mul3A_502 = arith.mulf %get3A_499, %get3A_501 : vector<16xf32>
    %add3A_503 = arith.addf %add3A_493, %mul3A_502 : vector<16xf32>
    %get3A_504 = arith.constant 0 : i32
    %get3A_505 = arith.constant 0 : i32
    %get3A_506 = arith.index_cast %get3A_504 : i32 to index
    %get3A_507 = arith.index_cast %get3A_505 : i32 to index
    %get3A_508 = arith.constant 608 : index
    %get3A_509 = tpu.vector_load %arg15[%get3A_506, %get3A_507, %get3A_508] {strides = array<i32>} : memref<2x1x1024xf32, #tpu.memory_space<vmem>>, vector<16xf32>,
    %get3A_510 = arith.constant 608 : index
    %get3A_511 = tpu.vector_load %arg16[%get3A_510] {strides = array<i32>} : memref<1024xf32, #tpu.memory_space<vmem>>, vector<16xf32>,
    %mul3A_512 = arith.mulf %get3A_509, %get3A_511 : vector<16xf32>
    %add3A_513 = arith.addf %add3A_503, %mul3A_512 : vector<16xf32>
    %get3A_514 = arith.constant 0 : i32
    %get3A_515 = arith.constant 0 : i32
    %get3A_516 = arith.index_cast %get3A_514 : i32 to index
    %get3A_517 = arith.index_cast %get3A_515 : i32 to index
    %get3A_518 = arith.constant 624 : index
    %get3A_519 = tpu.vector_load %arg15[%get3A_516, %get3A_517, %get3A_518] {strides = array<i32>} : memref<2x1x1024xf32, #tpu.memory_space<vmem>>, vector<16xf32>,
    %get3A_520 = arith.constant 624 : index
    %get3A_521 = tpu.vector_load %arg16[%get3A_520] {strides = array<i32>} : memref<1024xf32, #tpu.memory_space<vmem>>, vector<16xf32>,
    %mul3A_522 = arith.mulf %get3A_519, %get3A_521 : vector<16xf32>
    %add3A_523 = arith.addf %add3A_513, %mul3A_522 : vector<16xf32>
    %get3A_524 = arith.constant 0 : i32
    %get3A_525 = arith.constant 0 : i32
    %get3A_526 = arith.index_cast %get3A_524 : i32 to index
    %get3A_527 = arith.index_cast %get3A_525 : i32 to index
    %get3A_528 = arith.constant 640 : index
    %get3A_529 = tpu.vector_load %arg15[%get3A_526, %get3A_527, %get3A_528] {strides = array<i32>} : memref<2x1x1024xf32, #tpu.memory_space<vmem>>, vector<16xf32>,
    %get3A_530 = arith.constant 640 : index
    %get3A_531 = tpu.vector_load %arg16[%get3A_530] {strides = array<i32>} : memref<1024xf32, #tpu.memory_space<vmem>>, vector<16xf32>,
    %mul3A_532 = arith.mulf %get3A_529, %get3A_531 : vector<16xf32>
    %add3A_533 = arith.addf %add3A_523, %mul3A_532 : vector<16xf32>
    %get3A_534 = arith.constant 0 : i32
    %get3A_535 = arith.constant 0 : i32
    %get3A_536 = arith.index_cast %get3A_534 : i32 to index
    %get3A_537 = arith.index_cast %get3A_535 : i32 to index
    %get3A_538 = arith.constant 656 : index
    %get3A_539 = tpu.vector_load %arg15[%get3A_536, %get3A_537, %get3A_538] {strides = array<i32>} : memref<2x1x1024xf32, #tpu.memory_space<vmem>>, vector<16xf32>,
    %get3A_540 = arith.constant 656 : index
    %get3A_541 = tpu.vector_load %arg16[%get3A_540] {strides = array<i32>} : memref<1024xf32, #tpu.memory_space<vmem>>, vector<16xf32>,
    %mul3A_542 = arith.mulf %get3A_539, %get3A_541 : vector<16xf32>
    %add3A_543 = arith.addf %add3A_533, %mul3A_542 : vector<16xf32>
    %get3A_544 = arith.constant 0 : i32
    %get3A_545 = arith.constant 0 : i32
    %get3A_546 = arith.index_cast %get3A_544 : i32 to index
    %get3A_547 = arith.index_cast %get3A_545 : i32 to index
    %get3A_548 = arith.constant 672 : index
    %get3A_549 = tpu.vector_load %arg15[%get3A_546, %get3A_547, %get3A_548] {strides = array<i32>} : memref<2x1x1024xf32, #tpu.memory_space<vmem>>, vector<16xf32>,
    %get3A_550 = arith.constant 672 : index
    %get3A_551 = tpu.vector_load %arg16[%get3A_550] {strides = array<i32>} : memref<1024xf32, #tpu.memory_space<vmem>>, vector<16xf32>,
    %mul3A_552 = arith.mulf %get3A_549, %get3A_551 : vector<16xf32>
    %add3A_553 = arith.addf %add3A_543, %mul3A_552 : vector<16xf32>
    %get3A_554 = arith.constant 0 : i32
    %get3A_555 = arith.constant 0 : i32
    %get3A_556 = arith.index_cast %get3A_554 : i32 to index
    %get3A_557 = arith.index_cast %get3A_555 : i32 to index
    %get3A_558 = arith.constant 688 : index
    %get3A_559 = tpu.vector_load %arg15[%get3A_556, %get3A_557, %get3A_558] {strides = array<i32>} : memref<2x1x1024xf32, #tpu.memory_space<vmem>>, vector<16xf32>,
    %get3A_560 = arith.constant 688 : index
    %get3A_561 = tpu.vector_load %arg16[%get3A_560] {strides = array<i32>} : memref<1024xf32, #tpu.memory_space<vmem>>, vector<16xf32>,
    %mul3A_562 = arith.mulf %get3A_559, %get3A_561 : vector<16xf32>
    %add3A_563 = arith.addf %add3A_553, %mul3A_562 : vector<16xf32>
    %get3A_564 = arith.constant 0 : i32
    %get3A_565 = arith.constant 0 : i32
    %get3A_566 = arith.index_cast %get3A_564 : i32 to index
    %get3A_567 = arith.index_cast %get3A_565 : i32 to index
    %get3A_568 = arith.constant 704 : index
    %get3A_569 = tpu.vector_load %arg15[%get3A_566, %get3A_567, %get3A_568] {strides = array<i32>} : memref<2x1x1024xf32, #tpu.memory_space<vmem>>, vector<16xf32>,
    %get3A_570 = arith.constant 704 : index
    %get3A_571 = tpu.vector_load %arg16[%get3A_570] {strides = array<i32>} : memref<1024xf32, #tpu.memory_space<vmem>>, vector<16xf32>,
    %mul3A_572 = arith.mulf %get3A_569, %get3A_571 : vector<16xf32>
    %add3A_573 = arith.addf %add3A_563, %mul3A_572 : vector<16xf32>
    %get3A_574 = arith.constant 0 : i32
    %get3A_575 = arith.constant 0 : i32
    %get3A_576 = arith.index_cast %get3A_574 : i32 to index
    %get3A_577 = arith.index_cast %get3A_575 : i32 to index
    %get3A_578 = arith.constant 720 : index
    %get3A_579 = tpu.vector_load %arg15[%get3A_576, %get3A_577, %get3A_578] {strides = array<i32>} : memref<2x1x1024xf32, #tpu.memory_space<vmem>>, vector<16xf32>,
    %get3A_580 = arith.constant 720 : index
    %get3A_581 = tpu.vector_load %arg16[%get3A_580] {strides = array<i32>} : memref<1024xf32, #tpu.memory_space<vmem>>, vector<16xf32>,
    %mul3A_582 = arith.mulf %get3A_579, %get3A_581 : vector<16xf32>
    %add3A_583 = arith.addf %add3A_573, %mul3A_582 : vector<16xf32>
    %get3A_584 = arith.constant 0 : i32
    %get3A_585 = arith.constant 0 : i32
    %get3A_586 = arith.index_cast %get3A_584 : i32 to index
    %get3A_587 = arith.index_cast %get3A_585 : i32 to index
    %get3A_588 = arith.constant 736 : index
    %get3A_589 = tpu.vector_load %arg15[%get3A_586, %get3A_587, %get3A_588] {strides = array<i32>} : memref<2x1x1024xf32, #tpu.memory_space<vmem>>, vector<16xf32>,
    %get3A_590 = arith.constant 736 : index
    %get3A_591 = tpu.vector_load %arg16[%get3A_590] {strides = array<i32>} : memref<1024xf32, #tpu.memory_space<vmem>>, vector<16xf32>,
    %mul3A_592 = arith.mulf %get3A_589, %get3A_591 : vector<16xf32>
    %add3A_593 = arith.addf %add3A_583, %mul3A_592 : vector<16xf32>
    %get3A_594 = arith.constant 0 : i32
    %get3A_595 = arith.constant 0 : i32
    %get3A_596 = arith.index_cast %get3A_594 : i32 to index
    %get3A_597 = arith.index_cast %get3A_595 : i32 to index
    %get3A_598 = arith.constant 752 : index
    %get3A_599 = tpu.vector_load %arg15[%get3A_596, %get3A_597, %get3A_598] {strides = array<i32>} : memref<2x1x1024xf32, #tpu.memory_space<vmem>>, vector<16xf32>,
    %get3A_600 = arith.constant 752 : index
    %get3A_601 = tpu.vector_load %arg16[%get3A_600] {strides = array<i32>} : memref<1024xf32, #tpu.memory_space<vmem>>, vector<16xf32>,
    %mul3A_602 = arith.mulf %get3A_599, %get3A_601 : vector<16xf32>
    %add3A_603 = arith.addf %add3A_593, %mul3A_602 : vector<16xf32>
    %get3A_604 = arith.constant 0 : i32
    %get3A_605 = arith.constant 0 : i32
    %get3A_606 = arith.index_cast %get3A_604 : i32 to index
    %get3A_607 = arith.index_cast %get3A_605 : i32 to index
    %get3A_608 = arith.constant 768 : index
    %get3A_609 = tpu.vector_load %arg15[%get3A_606, %get3A_607, %get3A_608] {strides = array<i32>} : memref<2x1x1024xf32, #tpu.memory_space<vmem>>, vector<16xf32>,
    %get3A_610 = arith.constant 768 : index
    %get3A_611 = tpu.vector_load %arg16[%get3A_610] {strides = array<i32>} : memref<1024xf32, #tpu.memory_space<vmem>>, vector<16xf32>,
    %mul3A_612 = arith.mulf %get3A_609, %get3A_611 : vector<16xf32>
    %add3A_613 = arith.addf %add3A_603, %mul3A_612 : vector<16xf32>
    %get3A_614 = arith.constant 0 : i32
    %get3A_615 = arith.constant 0 : i32
    %get3A_616 = arith.index_cast %get3A_614 : i32 to index
    %get3A_617 = arith.index_cast %get3A_615 : i32 to index
    %get3A_618 = arith.constant 784 : index
    %get3A_619 = tpu.vector_load %arg15[%get3A_616, %get3A_617, %get3A_618] {strides = array<i32>} : memref<2x1x1024xf32, #tpu.memory_space<vmem>>, vector<16xf32>,
    %get3A_620 = arith.constant 784 : index
    %get3A_621 = tpu.vector_load %arg16[%get3A_620] {strides = array<i32>} : memref<1024xf32, #tpu.memory_space<vmem>>, vector<16xf32>,
    %mul3A_622 = arith.mulf %get3A_619, %get3A_621 : vector<16xf32>
    %add3A_623 = arith.addf %add3A_613, %mul3A_622 : vector<16xf32>
    %get3A_624 = arith.constant 0 : i32
    %get3A_625 = arith.constant 0 : i32
    %get3A_626 = arith.index_cast %get3A_624 : i32 to index
    %get3A_627 = arith.index_cast %get3A_625 : i32 to index
    %get3A_628 = arith.constant 800 : index
    %get3A_629 = tpu.vector_load %arg15[%get3A_626, %get3A_627, %get3A_628] {strides = array<i32>} : memref<2x1x1024xf32, #tpu.memory_space<vmem>>, vector<16xf32>,
    %get3A_630 = arith.constant 800 : index
    %get3A_631 = tpu.vector_load %arg16[%get3A_630] {strides = array<i32>} : memref<1024xf32, #tpu.memory_space<vmem>>, vector<16xf32>,
    %mul3A_632 = arith.mulf %get3A_629, %get3A_631 : vector<16xf32>
    %add3A_633 = arith.addf %add3A_623, %mul3A_632 : vector<16xf32>
    %get3A_634 = arith.constant 0 : i32
    %get3A_635 = arith.constant 0 : i32
    %get3A_636 = arith.index_cast %get3A_634 : i32 to index
    %get3A_637 = arith.index_cast %get3A_635 : i32 to index
    %get3A_638 = arith.constant 816 : index
    %get3A_639 = tpu.vector_load %arg15[%get3A_636, %get3A_637, %get3A_638] {strides = array<i32>} : memref<2x1x1024xf32, #tpu.memory_space<vmem>>, vector<16xf32>,
    %get3A_640 = arith.constant 816 : index
    %get3A_641 = tpu.vector_load %arg16[%get3A_640] {strides = array<i32>} : memref<1024xf32, #tpu.memory_space<vmem>>, vector<16xf32>,
    %mul3A_642 = arith.mulf %get3A_639, %get3A_641 : vector<16xf32>
    %add3A_643 = arith.addf %add3A_633, %mul3A_642 : vector<16xf32>
    %get3A_644 = arith.constant 0 : i32
    %get3A_645 = arith.constant 0 : i32
    %get3A_646 = arith.index_cast %get3A_644 : i32 to index
    %get3A_647 = arith.index_cast %get3A_645 : i32 to index
    %get3A_648 = arith.constant 832 : index
    %get3A_649 = tpu.vector_load %arg15[%get3A_646, %get3A_647, %get3A_648] {strides = array<i32>} : memref<2x1x1024xf32, #tpu.memory_space<vmem>>, vector<16xf32>,
    %get3A_650 = arith.constant 832 : index
    %get3A_651 = tpu.vector_load %arg16[%get3A_650] {strides = array<i32>} : memref<1024xf32, #tpu.memory_space<vmem>>, vector<16xf32>,
    %mul3A_652 = arith.mulf %get3A_649, %get3A_651 : vector<16xf32>
    %add3A_653 = arith.addf %add3A_643, %mul3A_652 : vector<16xf32>
    %get3A_654 = arith.constant 0 : i32
    %get3A_655 = arith.constant 0 : i32
    %get3A_656 = arith.index_cast %get3A_654 : i32 to index
    %get3A_657 = arith.index_cast %get3A_655 : i32 to index
    %get3A_658 = arith.constant 848 : index
    %get3A_659 = tpu.vector_load %arg15[%get3A_656, %get3A_657, %get3A_658] {strides = array<i32>} : memref<2x1x1024xf32, #tpu.memory_space<vmem>>, vector<16xf32>,
    %get3A_660 = arith.constant 848 : index
    %get3A_661 = tpu.vector_load %arg16[%get3A_660] {strides = array<i32>} : memref<1024xf32, #tpu.memory_space<vmem>>, vector<16xf32>,
    %mul3A_662 = arith.mulf %get3A_659, %get3A_661 : vector<16xf32>
    %add3A_663 = arith.addf %add3A_653, %mul3A_662 : vector<16xf32>
    %get3A_664 = arith.constant 0 : i32
    %get3A_665 = arith.constant 0 : i32
    %get3A_666 = arith.index_cast %get3A_664 : i32 to index
    %get3A_667 = arith.index_cast %get3A_665 : i32 to index
    %get3A_668 = arith.constant 864 : index
    %get3A_669 = tpu.vector_load %arg15[%get3A_666, %get3A_667, %get3A_668] {strides = array<i32>} : memref<2x1x1024xf32, #tpu.memory_space<vmem>>, vector<16xf32>,
    %get3A_670 = arith.constant 864 : index
    %get3A_671 = tpu.vector_load %arg16[%get3A_670] {strides = array<i32>} : memref<1024xf32, #tpu.memory_space<vmem>>, vector<16xf32>,
    %mul3A_672 = arith.mulf %get3A_669, %get3A_671 : vector<16xf32>
    %add3A_673 = arith.addf %add3A_663, %mul3A_672 : vector<16xf32>
    %get3A_674 = arith.constant 0 : i32
    %get3A_675 = arith.constant 0 : i32
    %get3A_676 = arith.index_cast %get3A_674 : i32 to index
    %get3A_677 = arith.index_cast %get3A_675 : i32 to index
    %get3A_678 = arith.constant 880 : index
    %get3A_679 = tpu.vector_load %arg15[%get3A_676, %get3A_677, %get3A_678] {strides = array<i32>} : memref<2x1x1024xf32, #tpu.memory_space<vmem>>, vector<16xf32>,
    %get3A_680 = arith.constant 880 : index
    %get3A_681 = tpu.vector_load %arg16[%get3A_680] {strides = array<i32>} : memref<1024xf32, #tpu.memory_space<vmem>>, vector<16xf32>,
    %mul3A_682 = arith.mulf %get3A_679, %get3A_681 : vector<16xf32>
    %add3A_683 = arith.addf %add3A_673, %mul3A_682 : vector<16xf32>
    %get3A_684 = arith.constant 0 : i32
    %get3A_685 = arith.constant 0 : i32
    %get3A_686 = arith.index_cast %get3A_684 : i32 to index
    %get3A_687 = arith.index_cast %get3A_685 : i32 to index
    %get3A_688 = arith.constant 896 : index
    %get3A_689 = tpu.vector_load %arg15[%get3A_686, %get3A_687, %get3A_688] {strides = array<i32>} : memref<2x1x1024xf32, #tpu.memory_space<vmem>>, vector<16xf32>,
    %get3A_690 = arith.constant 896 : index
    %get3A_691 = tpu.vector_load %arg16[%get3A_690] {strides = array<i32>} : memref<1024xf32, #tpu.memory_space<vmem>>, vector<16xf32>,
    %mul3A_692 = arith.mulf %get3A_689, %get3A_691 : vector<16xf32>
    %add3A_693 = arith.addf %add3A_683, %mul3A_692 : vector<16xf32>
    %get3A_694 = arith.constant 0 : i32
    %get3A_695 = arith.constant 0 : i32
    %get3A_696 = arith.index_cast %get3A_694 : i32 to index
    %get3A_697 = arith.index_cast %get3A_695 : i32 to index
    %get3A_698 = arith.constant 912 : index
    %get3A_699 = tpu.vector_load %arg15[%get3A_696, %get3A_697, %get3A_698] {strides = array<i32>} : memref<2x1x1024xf32, #tpu.memory_space<vmem>>, vector<16xf32>,
    %get3A_700 = arith.constant 912 : index
    %get3A_701 = tpu.vector_load %arg16[%get3A_700] {strides = array<i32>} : memref<1024xf32, #tpu.memory_space<vmem>>, vector<16xf32>,
    %mul3A_702 = arith.mulf %get3A_699, %get3A_701 : vector<16xf32>
    %add3A_703 = arith.addf %add3A_693, %mul3A_702 : vector<16xf32>
    %get3A_704 = arith.constant 0 : i32
    %get3A_705 = arith.constant 0 : i32
    %get3A_706 = arith.index_cast %get3A_704 : i32 to index
    %get3A_707 = arith.index_cast %get3A_705 : i32 to index
    %get3A_708 = arith.constant 928 : index
    %get3A_709 = tpu.vector_load %arg15[%get3A_706, %get3A_707, %get3A_708] {strides = array<i32>} : memref<2x1x1024xf32, #tpu.memory_space<vmem>>, vector<16xf32>,
    %get3A_710 = arith.constant 928 : index
    %get3A_711 = tpu.vector_load %arg16[%get3A_710] {strides = array<i32>} : memref<1024xf32, #tpu.memory_space<vmem>>, vector<16xf32>,
    %mul3A_712 = arith.mulf %get3A_709, %get3A_711 : vector<16xf32>
    %add3A_713 = arith.addf %add3A_703, %mul3A_712 : vector<16xf32>
    %get3A_714 = arith.constant 0 : i32
    %get3A_715 = arith.constant 0 : i32
    %get3A_716 = arith.index_cast %get3A_714 : i32 to index
    %get3A_717 = arith.index_cast %get3A_715 : i32 to index
    %get3A_718 = arith.constant 944 : index
    %get3A_719 = tpu.vector_load %arg15[%get3A_716, %get3A_717, %get3A_718] {strides = array<i32>} : memref<2x1x1024xf32, #tpu.memory_space<vmem>>, vector<16xf32>,
    %get3A_720 = arith.constant 944 : index
    %get3A_721 = tpu.vector_load %arg16[%get3A_720] {strides = array<i32>} : memref<1024xf32, #tpu.memory_space<vmem>>, vector<16xf32>,
    %mul3A_722 = arith.mulf %get3A_719, %get3A_721 : vector<16xf32>
    %add3A_723 = arith.addf %add3A_713, %mul3A_722 : vector<16xf32>
    %get3A_724 = arith.constant 0 : i32
    %get3A_725 = arith.constant 0 : i32
    %get3A_726 = arith.index_cast %get3A_724 : i32 to index
    %get3A_727 = arith.index_cast %get3A_725 : i32 to index
    %get3A_728 = arith.constant 960 : index
    %get3A_729 = tpu.vector_load %arg15[%get3A_726, %get3A_727, %get3A_728] {strides = array<i32>} : memref<2x1x1024xf32, #tpu.memory_space<vmem>>, vector<16xf32>,
    %get3A_730 = arith.constant 960 : index
    %get3A_731 = tpu.vector_load %arg16[%get3A_730] {strides = array<i32>} : memref<1024xf32, #tpu.memory_space<vmem>>, vector<16xf32>,
    %mul3A_732 = arith.mulf %get3A_729, %get3A_731 : vector<16xf32>
    %add3A_733 = arith.addf %add3A_723, %mul3A_732 : vector<16xf32>
    %get3A_734 = arith.constant 0 : i32
    %get3A_735 = arith.constant 0 : i32
    %get3A_736 = arith.index_cast %get3A_734 : i32 to index
    %get3A_737 = arith.index_cast %get3A_735 : i32 to index
    %get3A_738 = arith.constant 976 : index
    %get3A_739 = tpu.vector_load %arg15[%get3A_736, %get3A_737, %get3A_738] {strides = array<i32>} : memref<2x1x1024xf32, #tpu.memory_space<vmem>>, vector<16xf32>,
    %get3A_740 = arith.constant 976 : index
    %get3A_741 = tpu.vector_load %arg16[%get3A_740] {strides = array<i32>} : memref<1024xf32, #tpu.memory_space<vmem>>, vector<16xf32>,
    %mul3A_742 = arith.mulf %get3A_739, %get3A_741 : vector<16xf32>
    %add3A_743 = arith.addf %add3A_733, %mul3A_742 : vector<16xf32>
    %get3A_744 = arith.constant 0 : i32
    %get3A_745 = arith.constant 0 : i32
    %get3A_746 = arith.index_cast %get3A_744 : i32 to index
    %get3A_747 = arith.index_cast %get3A_745 : i32 to index
    %get3A_748 = arith.constant 992 : index
    %get3A_749 = tpu.vector_load %arg15[%get3A_746, %get3A_747, %get3A_748] {strides = array<i32>} : memref<2x1x1024xf32, #tpu.memory_space<vmem>>, vector<16xf32>,
    %get3A_750 = arith.constant 992 : index
    %get3A_751 = tpu.vector_load %arg16[%get3A_750] {strides = array<i32>} : memref<1024xf32, #tpu.memory_space<vmem>>, vector<16xf32>,
    %mul3A_752 = arith.mulf %get3A_749, %get3A_751 : vector<16xf32>
    %add3A_753 = arith.addf %add3A_743, %mul3A_752 : vector<16xf32>
    %get3A_754 = arith.constant 0 : i32
    %get3A_755 = arith.constant 0 : i32
    %get3A_756 = arith.index_cast %get3A_754 : i32 to index
    %get3A_757 = arith.index_cast %get3A_755 : i32 to index
    %get3A_758 = arith.constant 1008 : index
    %get3A_759 = tpu.vector_load %arg15[%get3A_756, %get3A_757, %get3A_758] {strides = array<i32>} : memref<2x1x1024xf32, #tpu.memory_space<vmem>>, vector<16xf32>,
    %get3A_760 = arith.constant 1008 : index
    %get3A_761 = tpu.vector_load %arg16[%get3A_760] {strides = array<i32>} : memref<1024xf32, #tpu.memory_space<vmem>>, vector<16xf32>,
    %mul3A_762 = arith.mulf %get3A_759, %get3A_761 : vector<16xf32>
    %add3A_763 = arith.addf %add3A_753, %mul3A_762 : vector<16xf32>
    %broadcast_in_dim3A_764 = arith.constant 0 : i32
    %broadcast_in_dim3A_765 = vector.broadcast %broadcast_in_dim3A_764 : i32 to vector<16xi32>
    %mul3A_766 = arith.constant 2 : i32
    %mul3A_767 = arith.muli %mul3A_766, %arg1 : i32
    %add3A_768 = arith.constant 0 : i32
    %add3A_769 = arith.addi %mul3A_767, %add3A_768 : i32
    %add3A_770 = vector.broadcast %add3A_769 : i32 to vector<16xi32>
    %add3A_771 = arith.addi %broadcast_in_dim3A_765, %add3A_770 : vector<16xi32>
    %gather3A_772 = tpu.vector_load_idx %arg13[%add3A_771] : memref<32xf32, #tpu.memory_space<vmem>>[vector<16xi32>], vector<16xf32>,
    %mul3A_773 = arith.mulf %add3A_763, %gather3A_772 : vector<16xf32>
    %add3A_774 = arith.addf %broadcast_in_dim3A_122, %mul3A_773 : vector<16xf32>
    %broadcast_in_dim3A_775 = arith.constant 0.000000e+00 : f32
    %broadcast_in_dim3A_776 = vector.broadcast %broadcast_in_dim3A_775 : f32 to vector<16xf32>
    %get3A_777 = arith.constant 1 : i32
    %get3A_778 = arith.constant 0 : i32
    %get3A_779 = arith.index_cast %get3A_777 : i32 to index
    %get3A_780 = arith.index_cast %get3A_778 : i32 to index
    %get3A_781 = arith.constant 0 : index
    %get3A_782 = tpu.vector_load %arg15[%get3A_779, %get3A_780, %get3A_781] {strides = array<i32>} : memref<2x1x1024xf32, #tpu.memory_space<vmem>>, vector<16xf32>,
    %get3A_783 = arith.constant 0 : index
    %get3A_784 = tpu.vector_load %arg16[%get3A_783] {strides = array<i32>} : memref<1024xf32, #tpu.memory_space<vmem>>, vector<16xf32>,
    %mul3A_785 = arith.mulf %get3A_782, %get3A_784 : vector<16xf32>
    %add3A_786 = arith.addf %broadcast_in_dim3A_776, %mul3A_785 : vector<16xf32>
    %get3A_787 = arith.constant 1 : i32
    %get3A_788 = arith.constant 0 : i32
    %get3A_789 = arith.index_cast %get3A_787 : i32 to index
    %get3A_790 = arith.index_cast %get3A_788 : i32 to index
    %get3A_791 = arith.constant 16 : index
    %get3A_792 = tpu.vector_load %arg15[%get3A_789, %get3A_790, %get3A_791] {strides = array<i32>} : memref<2x1x1024xf32, #tpu.memory_space<vmem>>, vector<16xf32>,
    %get3A_793 = arith.constant 16 : index
    %get3A_794 = tpu.vector_load %arg16[%get3A_793] {strides = array<i32>} : memref<1024xf32, #tpu.memory_space<vmem>>, vector<16xf32>,
    %mul3A_795 = arith.mulf %get3A_792, %get3A_794 : vector<16xf32>
    %add3A_796 = arith.addf %add3A_786, %mul3A_795 : vector<16xf32>
    %get3A_797 = arith.constant 1 : i32
    %get3A_798 = arith.constant 0 : i32
    %get3A_799 = arith.index_cast %get3A_797 : i32 to index
    %get3A_800 = arith.index_cast %get3A_798 : i32 to index
    %get3A_801 = arith.constant 32 : index
    %get3A_802 = tpu.vector_load %arg15[%get3A_799, %get3A_800, %get3A_801] {strides = array<i32>} : memref<2x1x1024xf32, #tpu.memory_space<vmem>>, vector<16xf32>,
    %get3A_803 = arith.constant 32 : index
    %get3A_804 = tpu.vector_load %arg16[%get3A_803] {strides = array<i32>} : memref<1024xf32, #tpu.memory_space<vmem>>, vector<16xf32>,
    %mul3A_805 = arith.mulf %get3A_802, %get3A_804 : vector<16xf32>
    %add3A_806 = arith.addf %add3A_796, %mul3A_805 : vector<16xf32>
    %get3A_807 = arith.constant 1 : i32
    %get3A_808 = arith.constant 0 : i32
    %get3A_809 = arith.index_cast %get3A_807 : i32 to index
    %get3A_810 = arith.index_cast %get3A_808 : i32 to index
    %get3A_811 = arith.constant 48 : index
    %get3A_812 = tpu.vector_load %arg15[%get3A_809, %get3A_810, %get3A_811] {strides = array<i32>} : memref<2x1x1024xf32, #tpu.memory_space<vmem>>, vector<16xf32>,
    %get3A_813 = arith.constant 48 : index
    %get3A_814 = tpu.vector_load %arg16[%get3A_813] {strides = array<i32>} : memref<1024xf32, #tpu.memory_space<vmem>>, vector<16xf32>,
    %mul3A_815 = arith.mulf %get3A_812, %get3A_814 : vector<16xf32>
    %add3A_816 = arith.addf %add3A_806, %mul3A_815 : vector<16xf32>
    %get3A_817 = arith.constant 1 : i32
    %get3A_818 = arith.constant 0 : i32
    %get3A_819 = arith.index_cast %get3A_817 : i32 to index
    %get3A_820 = arith.index_cast %get3A_818 : i32 to index
    %get3A_821 = arith.constant 64 : index
    %get3A_822 = tpu.vector_load %arg15[%get3A_819, %get3A_820, %get3A_821] {strides = array<i32>} : memref<2x1x1024xf32, #tpu.memory_space<vmem>>, vector<16xf32>,
    %get3A_823 = arith.constant 64 : index
    %get3A_824 = tpu.vector_load %arg16[%get3A_823] {strides = array<i32>} : memref<1024xf32, #tpu.memory_space<vmem>>, vector<16xf32>,
    %mul3A_825 = arith.mulf %get3A_822, %get3A_824 : vector<16xf32>
    %add3A_826 = arith.addf %add3A_816, %mul3A_825 : vector<16xf32>
    %get3A_827 = arith.constant 1 : i32
    %get3A_828 = arith.constant 0 : i32
    %get3A_829 = arith.index_cast %get3A_827 : i32 to index
    %get3A_830 = arith.index_cast %get3A_828 : i32 to index
    %get3A_831 = arith.constant 80 : index
    %get3A_832 = tpu.vector_load %arg15[%get3A_829, %get3A_830, %get3A_831] {strides = array<i32>} : memref<2x1x1024xf32, #tpu.memory_space<vmem>>, vector<16xf32>,
    %get3A_833 = arith.constant 80 : index
    %get3A_834 = tpu.vector_load %arg16[%get3A_833] {strides = array<i32>} : memref<1024xf32, #tpu.memory_space<vmem>>, vector<16xf32>,
    %mul3A_835 = arith.mulf %get3A_832, %get3A_834 : vector<16xf32>
    %add3A_836 = arith.addf %add3A_826, %mul3A_835 : vector<16xf32>
    %get3A_837 = arith.constant 1 : i32
    %get3A_838 = arith.constant 0 : i32
    %get3A_839 = arith.index_cast %get3A_837 : i32 to index
    %get3A_840 = arith.index_cast %get3A_838 : i32 to index
    %get3A_841 = arith.constant 96 : index
    %get3A_842 = tpu.vector_load %arg15[%get3A_839, %get3A_840, %get3A_841] {strides = array<i32>} : memref<2x1x1024xf32, #tpu.memory_space<vmem>>, vector<16xf32>,
    %get3A_843 = arith.constant 96 : index
    %get3A_844 = tpu.vector_load %arg16[%get3A_843] {strides = array<i32>} : memref<1024xf32, #tpu.memory_space<vmem>>, vector<16xf32>,
    %mul3A_845 = arith.mulf %get3A_842, %get3A_844 : vector<16xf32>
    %add3A_846 = arith.addf %add3A_836, %mul3A_845 : vector<16xf32>
    %get3A_847 = arith.constant 1 : i32
    %get3A_848 = arith.constant 0 : i32
    %get3A_849 = arith.index_cast %get3A_847 : i32 to index
    %get3A_850 = arith.index_cast %get3A_848 : i32 to index
    %get3A_851 = arith.constant 112 : index
    %get3A_852 = tpu.vector_load %arg15[%get3A_849, %get3A_850, %get3A_851] {strides = array<i32>} : memref<2x1x1024xf32, #tpu.memory_space<vmem>>, vector<16xf32>,
    %get3A_853 = arith.constant 112 : index
    %get3A_854 = tpu.vector_load %arg16[%get3A_853] {strides = array<i32>} : memref<1024xf32, #tpu.memory_space<vmem>>, vector<16xf32>,
    %mul3A_855 = arith.mulf %get3A_852, %get3A_854 : vector<16xf32>
    %add3A_856 = arith.addf %add3A_846, %mul3A_855 : vector<16xf32>
    %get3A_857 = arith.constant 1 : i32
    %get3A_858 = arith.constant 0 : i32
    %get3A_859 = arith.index_cast %get3A_857 : i32 to index
    %get3A_860 = arith.index_cast %get3A_858 : i32 to index
    %get3A_861 = arith.constant 128 : index
    %get3A_862 = tpu.vector_load %arg15[%get3A_859, %get3A_860, %get3A_861] {strides = array<i32>} : memref<2x1x1024xf32, #tpu.memory_space<vmem>>, vector<16xf32>,
    %get3A_863 = arith.constant 128 : index
    %get3A_864 = tpu.vector_load %arg16[%get3A_863] {strides = array<i32>} : memref<1024xf32, #tpu.memory_space<vmem>>, vector<16xf32>,
    %mul3A_865 = arith.mulf %get3A_862, %get3A_864 : vector<16xf32>
    %add3A_866 = arith.addf %add3A_856, %mul3A_865 : vector<16xf32>
    %get3A_867 = arith.constant 1 : i32
    %get3A_868 = arith.constant 0 : i32
    %get3A_869 = arith.index_cast %get3A_867 : i32 to index
    %get3A_870 = arith.index_cast %get3A_868 : i32 to index
    %get3A_871 = arith.constant 144 : index
    %get3A_872 = tpu.vector_load %arg15[%get3A_869, %get3A_870, %get3A_871] {strides = array<i32>} : memref<2x1x1024xf32, #tpu.memory_space<vmem>>, vector<16xf32>,
    %get3A_873 = arith.constant 144 : index
    %get3A_874 = tpu.vector_load %arg16[%get3A_873] {strides = array<i32>} : memref<1024xf32, #tpu.memory_space<vmem>>, vector<16xf32>,
    %mul3A_875 = arith.mulf %get3A_872, %get3A_874 : vector<16xf32>
    %add3A_876 = arith.addf %add3A_866, %mul3A_875 : vector<16xf32>
    %get3A_877 = arith.constant 1 : i32
    %get3A_878 = arith.constant 0 : i32
    %get3A_879 = arith.index_cast %get3A_877 : i32 to index
    %get3A_880 = arith.index_cast %get3A_878 : i32 to index
    %get3A_881 = arith.constant 160 : index
    %get3A_882 = tpu.vector_load %arg15[%get3A_879, %get3A_880, %get3A_881] {strides = array<i32>} : memref<2x1x1024xf32, #tpu.memory_space<vmem>>, vector<16xf32>,
    %get3A_883 = arith.constant 160 : index
    %get3A_884 = tpu.vector_load %arg16[%get3A_883] {strides = array<i32>} : memref<1024xf32, #tpu.memory_space<vmem>>, vector<16xf32>,
    %mul3A_885 = arith.mulf %get3A_882, %get3A_884 : vector<16xf32>
    %add3A_886 = arith.addf %add3A_876, %mul3A_885 : vector<16xf32>
    %get3A_887 = arith.constant 1 : i32
    %get3A_888 = arith.constant 0 : i32
    %get3A_889 = arith.index_cast %get3A_887 : i32 to index
    %get3A_890 = arith.index_cast %get3A_888 : i32 to index
    %get3A_891 = arith.constant 176 : index
    %get3A_892 = tpu.vector_load %arg15[%get3A_889, %get3A_890, %get3A_891] {strides = array<i32>} : memref<2x1x1024xf32, #tpu.memory_space<vmem>>, vector<16xf32>,
    %get3A_893 = arith.constant 176 : index
    %get3A_894 = tpu.vector_load %arg16[%get3A_893] {strides = array<i32>} : memref<1024xf32, #tpu.memory_space<vmem>>, vector<16xf32>,
    %mul3A_895 = arith.mulf %get3A_892, %get3A_894 : vector<16xf32>
    %add3A_896 = arith.addf %add3A_886, %mul3A_895 : vector<16xf32>
    %get3A_897 = arith.constant 1 : i32
    %get3A_898 = arith.constant 0 : i32
    %get3A_899 = arith.index_cast %get3A_897 : i32 to index
    %get3A_900 = arith.index_cast %get3A_898 : i32 to index
    %get3A_901 = arith.constant 192 : index
    %get3A_902 = tpu.vector_load %arg15[%get3A_899, %get3A_900, %get3A_901] {strides = array<i32>} : memref<2x1x1024xf32, #tpu.memory_space<vmem>>, vector<16xf32>,
    %get3A_903 = arith.constant 192 : index
    %get3A_904 = tpu.vector_load %arg16[%get3A_903] {strides = array<i32>} : memref<1024xf32, #tpu.memory_space<vmem>>, vector<16xf32>,
    %mul3A_905 = arith.mulf %get3A_902, %get3A_904 : vector<16xf32>
    %add3A_906 = arith.addf %add3A_896, %mul3A_905 : vector<16xf32>
    %get3A_907 = arith.constant 1 : i32
    %get3A_908 = arith.constant 0 : i32
    %get3A_909 = arith.index_cast %get3A_907 : i32 to index
    %get3A_910 = arith.index_cast %get3A_908 : i32 to index
    %get3A_911 = arith.constant 208 : index
    %get3A_912 = tpu.vector_load %arg15[%get3A_909, %get3A_910, %get3A_911] {strides = array<i32>} : memref<2x1x1024xf32, #tpu.memory_space<vmem>>, vector<16xf32>,
    %get3A_913 = arith.constant 208 : index
    %get3A_914 = tpu.vector_load %arg16[%get3A_913] {strides = array<i32>} : memref<1024xf32, #tpu.memory_space<vmem>>, vector<16xf32>,
    %mul3A_915 = arith.mulf %get3A_912, %get3A_914 : vector<16xf32>
    %add3A_916 = arith.addf %add3A_906, %mul3A_915 : vector<16xf32>
    %get3A_917 = arith.constant 1 : i32
    %get3A_918 = arith.constant 0 : i32
    %get3A_919 = arith.index_cast %get3A_917 : i32 to index
    %get3A_920 = arith.index_cast %get3A_918 : i32 to index
    %get3A_921 = arith.constant 224 : index
    %get3A_922 = tpu.vector_load %arg15[%get3A_919, %get3A_920, %get3A_921] {strides = array<i32>} : memref<2x1x1024xf32, #tpu.memory_space<vmem>>, vector<16xf32>,
    %get3A_923 = arith.constant 224 : index
    %get3A_924 = tpu.vector_load %arg16[%get3A_923] {strides = array<i32>} : memref<1024xf32, #tpu.memory_space<vmem>>, vector<16xf32>,
    %mul3A_925 = arith.mulf %get3A_922, %get3A_924 : vector<16xf32>
    %add3A_926 = arith.addf %add3A_916, %mul3A_925 : vector<16xf32>
    %get3A_927 = arith.constant 1 : i32
    %get3A_928 = arith.constant 0 : i32
    %get3A_929 = arith.index_cast %get3A_927 : i32 to index
    %get3A_930 = arith.index_cast %get3A_928 : i32 to index
    %get3A_931 = arith.constant 240 : index
    %get3A_932 = tpu.vector_load %arg15[%get3A_929, %get3A_930, %get3A_931] {strides = array<i32>} : memref<2x1x1024xf32, #tpu.memory_space<vmem>>, vector<16xf32>,
    %get3A_933 = arith.constant 240 : index
    %get3A_934 = tpu.vector_load %arg16[%get3A_933] {strides = array<i32>} : memref<1024xf32, #tpu.memory_space<vmem>>, vector<16xf32>,
    %mul3A_935 = arith.mulf %get3A_932, %get3A_934 : vector<16xf32>
    %add3A_936 = arith.addf %add3A_926, %mul3A_935 : vector<16xf32>
    %get3A_937 = arith.constant 1 : i32
    %get3A_938 = arith.constant 0 : i32
    %get3A_939 = arith.index_cast %get3A_937 : i32 to index
    %get3A_940 = arith.index_cast %get3A_938 : i32 to index
    %get3A_941 = arith.constant 256 : index
    %get3A_942 = tpu.vector_load %arg15[%get3A_939, %get3A_940, %get3A_941] {strides = array<i32>} : memref<2x1x1024xf32, #tpu.memory_space<vmem>>, vector<16xf32>,
    %get3A_943 = arith.constant 256 : index
    %get3A_944 = tpu.vector_load %arg16[%get3A_943] {strides = array<i32>} : memref<1024xf32, #tpu.memory_space<vmem>>, vector<16xf32>,
    %mul3A_945 = arith.mulf %get3A_942, %get3A_944 : vector<16xf32>
    %add3A_946 = arith.addf %add3A_936, %mul3A_945 : vector<16xf32>
    %get3A_947 = arith.constant 1 : i32
    %get3A_948 = arith.constant 0 : i32
    %get3A_949 = arith.index_cast %get3A_947 : i32 to index
    %get3A_950 = arith.index_cast %get3A_948 : i32 to index
    %get3A_951 = arith.constant 272 : index
    %get3A_952 = tpu.vector_load %arg15[%get3A_949, %get3A_950, %get3A_951] {strides = array<i32>} : memref<2x1x1024xf32, #tpu.memory_space<vmem>>, vector<16xf32>,
    %get3A_953 = arith.constant 272 : index
    %get3A_954 = tpu.vector_load %arg16[%get3A_953] {strides = array<i32>} : memref<1024xf32, #tpu.memory_space<vmem>>, vector<16xf32>,
    %mul3A_955 = arith.mulf %get3A_952, %get3A_954 : vector<16xf32>
    %add3A_956 = arith.addf %add3A_946, %mul3A_955 : vector<16xf32>
    %get3A_957 = arith.constant 1 : i32
    %get3A_958 = arith.constant 0 : i32
    %get3A_959 = arith.index_cast %get3A_957 : i32 to index
    %get3A_960 = arith.index_cast %get3A_958 : i32 to index
    %get3A_961 = arith.constant 288 : index
    %get3A_962 = tpu.vector_load %arg15[%get3A_959, %get3A_960, %get3A_961] {strides = array<i32>} : memref<2x1x1024xf32, #tpu.memory_space<vmem>>, vector<16xf32>,
    %get3A_963 = arith.constant 288 : index
    %get3A_964 = tpu.vector_load %arg16[%get3A_963] {strides = array<i32>} : memref<1024xf32, #tpu.memory_space<vmem>>, vector<16xf32>,
    %mul3A_965 = arith.mulf %get3A_962, %get3A_964 : vector<16xf32>
    %add3A_966 = arith.addf %add3A_956, %mul3A_965 : vector<16xf32>
    %get3A_967 = arith.constant 1 : i32
    %get3A_968 = arith.constant 0 : i32
    %get3A_969 = arith.index_cast %get3A_967 : i32 to index
    %get3A_970 = arith.index_cast %get3A_968 : i32 to index
    %get3A_971 = arith.constant 304 : index
    %get3A_972 = tpu.vector_load %arg15[%get3A_969, %get3A_970, %get3A_971] {strides = array<i32>} : memref<2x1x1024xf32, #tpu.memory_space<vmem>>, vector<16xf32>,
    %get3A_973 = arith.constant 304 : index
    %get3A_974 = tpu.vector_load %arg16[%get3A_973] {strides = array<i32>} : memref<1024xf32, #tpu.memory_space<vmem>>, vector<16xf32>,
    %mul3A_975 = arith.mulf %get3A_972, %get3A_974 : vector<16xf32>
    %add3A_976 = arith.addf %add3A_966, %mul3A_975 : vector<16xf32>
    %get3A_977 = arith.constant 1 : i32
    %get3A_978 = arith.constant 0 : i32
    %get3A_979 = arith.index_cast %get3A_977 : i32 to index
    %get3A_980 = arith.index_cast %get3A_978 : i32 to index
    %get3A_981 = arith.constant 320 : index
    %get3A_982 = tpu.vector_load %arg15[%get3A_979, %get3A_980, %get3A_981] {strides = array<i32>} : memref<2x1x1024xf32, #tpu.memory_space<vmem>>, vector<16xf32>,
    %get3A_983 = arith.constant 320 : index
    %get3A_984 = tpu.vector_load %arg16[%get3A_983] {strides = array<i32>} : memref<1024xf32, #tpu.memory_space<vmem>>, vector<16xf32>,
    %mul3A_985 = arith.mulf %get3A_982, %get3A_984 : vector<16xf32>
    %add3A_986 = arith.addf %add3A_976, %mul3A_985 : vector<16xf32>
    %get3A_987 = arith.constant 1 : i32
    %get3A_988 = arith.constant 0 : i32
    %get3A_989 = arith.index_cast %get3A_987 : i32 to index
    %get3A_990 = arith.index_cast %get3A_988 : i32 to index
    %get3A_991 = arith.constant 336 : index
    %get3A_992 = tpu.vector_load %arg15[%get3A_989, %get3A_990, %get3A_991] {strides = array<i32>} : memref<2x1x1024xf32, #tpu.memory_space<vmem>>, vector<16xf32>,
    %get3A_993 = arith.constant 336 : index
    %get3A_994 = tpu.vector_load %arg16[%get3A_993] {strides = array<i32>} : memref<1024xf32, #tpu.memory_space<vmem>>, vector<16xf32>,
    %mul3A_995 = arith.mulf %get3A_992, %get3A_994 : vector<16xf32>
    %add3A_996 = arith.addf %add3A_986, %mul3A_995 : vector<16xf32>
    %get3A_997 = arith.constant 1 : i32
    %get3A_998 = arith.constant 0 : i32
    %get3A_999 = arith.index_cast %get3A_997 : i32 to index
    %get3A_1000 = arith.index_cast %get3A_998 : i32 to index
    %get3A_1001 = arith.constant 352 : index
    %get3A_1002 = tpu.vector_load %arg15[%get3A_999, %get3A_1000, %get3A_1001] {strides = array<i32>} : memref<2x1x1024xf32, #tpu.memory_space<vmem>>, vector<16xf32>,
    %get3A_1003 = arith.constant 352 : index
    %get3A_1004 = tpu.vector_load %arg16[%get3A_1003] {strides = array<i32>} : memref<1024xf32, #tpu.memory_space<vmem>>, vector<16xf32>,
    %mul3A_1005 = arith.mulf %get3A_1002, %get3A_1004 : vector<16xf32>
    %add3A_1006 = arith.addf %add3A_996, %mul3A_1005 : vector<16xf32>
    %get3A_1007 = arith.constant 1 : i32
    %get3A_1008 = arith.constant 0 : i32
    %get3A_1009 = arith.index_cast %get3A_1007 : i32 to index
    %get3A_1010 = arith.index_cast %get3A_1008 : i32 to index
    %get3A_1011 = arith.constant 368 : index
    %get3A_1012 = tpu.vector_load %arg15[%get3A_1009, %get3A_1010, %get3A_1011] {strides = array<i32>} : memref<2x1x1024xf32, #tpu.memory_space<vmem>>, vector<16xf32>,
    %get3A_1013 = arith.constant 368 : index
    %get3A_1014 = tpu.vector_load %arg16[%get3A_1013] {strides = array<i32>} : memref<1024xf32, #tpu.memory_space<vmem>>, vector<16xf32>,
    %mul3A_1015 = arith.mulf %get3A_1012, %get3A_1014 : vector<16xf32>
    %add3A_1016 = arith.addf %add3A_1006, %mul3A_1015 : vector<16xf32>
    %get3A_1017 = arith.constant 1 : i32
    %get3A_1018 = arith.constant 0 : i32
    %get3A_1019 = arith.index_cast %get3A_1017 : i32 to index
    %get3A_1020 = arith.index_cast %get3A_1018 : i32 to index
    %get3A_1021 = arith.constant 384 : index
    %get3A_1022 = tpu.vector_load %arg15[%get3A_1019, %get3A_1020, %get3A_1021] {strides = array<i32>} : memref<2x1x1024xf32, #tpu.memory_space<vmem>>, vector<16xf32>,
    %get3A_1023 = arith.constant 384 : index
    %get3A_1024 = tpu.vector_load %arg16[%get3A_1023] {strides = array<i32>} : memref<1024xf32, #tpu.memory_space<vmem>>, vector<16xf32>,
    %mul3A_1025 = arith.mulf %get3A_1022, %get3A_1024 : vector<16xf32>
    %add3A_1026 = arith.addf %add3A_1016, %mul3A_1025 : vector<16xf32>
    %get3A_1027 = arith.constant 1 : i32
    %get3A_1028 = arith.constant 0 : i32
    %get3A_1029 = arith.index_cast %get3A_1027 : i32 to index
    %get3A_1030 = arith.index_cast %get3A_1028 : i32 to index
    %get3A_1031 = arith.constant 400 : index
    %get3A_1032 = tpu.vector_load %arg15[%get3A_1029, %get3A_1030, %get3A_1031] {strides = array<i32>} : memref<2x1x1024xf32, #tpu.memory_space<vmem>>, vector<16xf32>,
    %get3A_1033 = arith.constant 400 : index
    %get3A_1034 = tpu.vector_load %arg16[%get3A_1033] {strides = array<i32>} : memref<1024xf32, #tpu.memory_space<vmem>>, vector<16xf32>,
    %mul3A_1035 = arith.mulf %get3A_1032, %get3A_1034 : vector<16xf32>
    %add3A_1036 = arith.addf %add3A_1026, %mul3A_1035 : vector<16xf32>
    %get3A_1037 = arith.constant 1 : i32
    %get3A_1038 = arith.constant 0 : i32
    %get3A_1039 = arith.index_cast %get3A_1037 : i32 to index
    %get3A_1040 = arith.index_cast %get3A_1038 : i32 to index
    %get3A_1041 = arith.constant 416 : index
    %get3A_1042 = tpu.vector_load %arg15[%get3A_1039, %get3A_1040, %get3A_1041] {strides = array<i32>} : memref<2x1x1024xf32, #tpu.memory_space<vmem>>, vector<16xf32>,
    %get3A_1043 = arith.constant 416 : index
    %get3A_1044 = tpu.vector_load %arg16[%get3A_1043] {strides = array<i32>} : memref<1024xf32, #tpu.memory_space<vmem>>, vector<16xf32>,
    %mul3A_1045 = arith.mulf %get3A_1042, %get3A_1044 : vector<16xf32>
    %add3A_1046 = arith.addf %add3A_1036, %mul3A_1045 : vector<16xf32>
    %get3A_1047 = arith.constant 1 : i32
    %get3A_1048 = arith.constant 0 : i32
    %get3A_1049 = arith.index_cast %get3A_1047 : i32 to index
    %get3A_1050 = arith.index_cast %get3A_1048 : i32 to index
    %get3A_1051 = arith.constant 432 : index
    %get3A_1052 = tpu.vector_load %arg15[%get3A_1049, %get3A_1050, %get3A_1051] {strides = array<i32>} : memref<2x1x1024xf32, #tpu.memory_space<vmem>>, vector<16xf32>,
    %get3A_1053 = arith.constant 432 : index
    %get3A_1054 = tpu.vector_load %arg16[%get3A_1053] {strides = array<i32>} : memref<1024xf32, #tpu.memory_space<vmem>>, vector<16xf32>,
    %mul3A_1055 = arith.mulf %get3A_1052, %get3A_1054 : vector<16xf32>
    %add3A_1056 = arith.addf %add3A_1046, %mul3A_1055 : vector<16xf32>
    %get3A_1057 = arith.constant 1 : i32
    %get3A_1058 = arith.constant 0 : i32
    %get3A_1059 = arith.index_cast %get3A_1057 : i32 to index
    %get3A_1060 = arith.index_cast %get3A_1058 : i32 to index
    %get3A_1061 = arith.constant 448 : index
    %get3A_1062 = tpu.vector_load %arg15[%get3A_1059, %get3A_1060, %get3A_1061] {strides = array<i32>} : memref<2x1x1024xf32, #tpu.memory_space<vmem>>, vector<16xf32>,
    %get3A_1063 = arith.constant 448 : index
    %get3A_1064 = tpu.vector_load %arg16[%get3A_1063] {strides = array<i32>} : memref<1024xf32, #tpu.memory_space<vmem>>, vector<16xf32>,
    %mul3A_1065 = arith.mulf %get3A_1062, %get3A_1064 : vector<16xf32>
    %add3A_1066 = arith.addf %add3A_1056, %mul3A_1065 : vector<16xf32>
    %get3A_1067 = arith.constant 1 : i32
    %get3A_1068 = arith.constant 0 : i32
    %get3A_1069 = arith.index_cast %get3A_1067 : i32 to index
    %get3A_1070 = arith.index_cast %get3A_1068 : i32 to index
    %get3A_1071 = arith.constant 464 : index
    %get3A_1072 = tpu.vector_load %arg15[%get3A_1069, %get3A_1070, %get3A_1071] {strides = array<i32>} : memref<2x1x1024xf32, #tpu.memory_space<vmem>>, vector<16xf32>,
    %get3A_1073 = arith.constant 464 : index
    %get3A_1074 = tpu.vector_load %arg16[%get3A_1073] {strides = array<i32>} : memref<1024xf32, #tpu.memory_space<vmem>>, vector<16xf32>,
    %mul3A_1075 = arith.mulf %get3A_1072, %get3A_1074 : vector<16xf32>
    %add3A_1076 = arith.addf %add3A_1066, %mul3A_1075 : vector<16xf32>
    %get3A_1077 = arith.constant 1 : i32
    %get3A_1078 = arith.constant 0 : i32
    %get3A_1079 = arith.index_cast %get3A_1077 : i32 to index
    %get3A_1080 = arith.index_cast %get3A_1078 : i32 to index
    %get3A_1081 = arith.constant 480 : index
    %get3A_1082 = tpu.vector_load %arg15[%get3A_1079, %get3A_1080, %get3A_1081] {strides = array<i32>} : memref<2x1x1024xf32, #tpu.memory_space<vmem>>, vector<16xf32>,
    %get3A_1083 = arith.constant 480 : index
    %get3A_1084 = tpu.vector_load %arg16[%get3A_1083] {strides = array<i32>} : memref<1024xf32, #tpu.memory_space<vmem>>, vector<16xf32>,
    %mul3A_1085 = arith.mulf %get3A_1082, %get3A_1084 : vector<16xf32>
    %add3A_1086 = arith.addf %add3A_1076, %mul3A_1085 : vector<16xf32>
    %get3A_1087 = arith.constant 1 : i32
    %get3A_1088 = arith.constant 0 : i32
    %get3A_1089 = arith.index_cast %get3A_1087 : i32 to index
    %get3A_1090 = arith.index_cast %get3A_1088 : i32 to index
    %get3A_1091 = arith.constant 496 : index
    %get3A_1092 = tpu.vector_load %arg15[%get3A_1089, %get3A_1090, %get3A_1091] {strides = array<i32>} : memref<2x1x1024xf32, #tpu.memory_space<vmem>>, vector<16xf32>,
    %get3A_1093 = arith.constant 496 : index
    %get3A_1094 = tpu.vector_load %arg16[%get3A_1093] {strides = array<i32>} : memref<1024xf32, #tpu.memory_space<vmem>>, vector<16xf32>,
    %mul3A_1095 = arith.mulf %get3A_1092, %get3A_1094 : vector<16xf32>
    %add3A_1096 = arith.addf %add3A_1086, %mul3A_1095 : vector<16xf32>
    %get3A_1097 = arith.constant 1 : i32
    %get3A_1098 = arith.constant 0 : i32
    %get3A_1099 = arith.index_cast %get3A_1097 : i32 to index
    %get3A_1100 = arith.index_cast %get3A_1098 : i32 to index
    %get3A_1101 = arith.constant 512 : index
    %get3A_1102 = tpu.vector_load %arg15[%get3A_1099, %get3A_1100, %get3A_1101] {strides = array<i32>} : memref<2x1x1024xf32, #tpu.memory_space<vmem>>, vector<16xf32>,
    %get3A_1103 = arith.constant 512 : index
    %get3A_1104 = tpu.vector_load %arg16[%get3A_1103] {strides = array<i32>} : memref<1024xf32, #tpu.memory_space<vmem>>, vector<16xf32>,
    %mul3A_1105 = arith.mulf %get3A_1102, %get3A_1104 : vector<16xf32>
    %add3A_1106 = arith.addf %add3A_1096, %mul3A_1105 : vector<16xf32>
    %get3A_1107 = arith.constant 1 : i32
    %get3A_1108 = arith.constant 0 : i32
    %get3A_1109 = arith.index_cast %get3A_1107 : i32 to index
    %get3A_1110 = arith.index_cast %get3A_1108 : i32 to index
    %get3A_1111 = arith.constant 528 : index
    %get3A_1112 = tpu.vector_load %arg15[%get3A_1109, %get3A_1110, %get3A_1111] {strides = array<i32>} : memref<2x1x1024xf32, #tpu.memory_space<vmem>>, vector<16xf32>,
    %get3A_1113 = arith.constant 528 : index
    %get3A_1114 = tpu.vector_load %arg16[%get3A_1113] {strides = array<i32>} : memref<1024xf32, #tpu.memory_space<vmem>>, vector<16xf32>,
    %mul3A_1115 = arith.mulf %get3A_1112, %get3A_1114 : vector<16xf32>
    %add3A_1116 = arith.addf %add3A_1106, %mul3A_1115 : vector<16xf32>
    %get3A_1117 = arith.constant 1 : i32
    %get3A_1118 = arith.constant 0 : i32
    %get3A_1119 = arith.index_cast %get3A_1117 : i32 to index
    %get3A_1120 = arith.index_cast %get3A_1118 : i32 to index
    %get3A_1121 = arith.constant 544 : index
    %get3A_1122 = tpu.vector_load %arg15[%get3A_1119, %get3A_1120, %get3A_1121] {strides = array<i32>} : memref<2x1x1024xf32, #tpu.memory_space<vmem>>, vector<16xf32>,
    %get3A_1123 = arith.constant 544 : index
    %get3A_1124 = tpu.vector_load %arg16[%get3A_1123] {strides = array<i32>} : memref<1024xf32, #tpu.memory_space<vmem>>, vector<16xf32>,
    %mul3A_1125 = arith.mulf %get3A_1122, %get3A_1124 : vector<16xf32>
    %add3A_1126 = arith.addf %add3A_1116, %mul3A_1125 : vector<16xf32>
    %get3A_1127 = arith.constant 1 : i32
    %get3A_1128 = arith.constant 0 : i32
    %get3A_1129 = arith.index_cast %get3A_1127 : i32 to index
    %get3A_1130 = arith.index_cast %get3A_1128 : i32 to index
    %get3A_1131 = arith.constant 560 : index
    %get3A_1132 = tpu.vector_load %arg15[%get3A_1129, %get3A_1130, %get3A_1131] {strides = array<i32>} : memref<2x1x1024xf32, #tpu.memory_space<vmem>>, vector<16xf32>,
    %get3A_1133 = arith.constant 560 : index
    %get3A_1134 = tpu.vector_load %arg16[%get3A_1133] {strides = array<i32>} : memref<1024xf32, #tpu.memory_space<vmem>>, vector<16xf32>,
    %mul3A_1135 = arith.mulf %get3A_1132, %get3A_1134 : vector<16xf32>
    %add3A_1136 = arith.addf %add3A_1126, %mul3A_1135 : vector<16xf32>
    %get3A_1137 = arith.constant 1 : i32
    %get3A_1138 = arith.constant 0 : i32
    %get3A_1139 = arith.index_cast %get3A_1137 : i32 to index
    %get3A_1140 = arith.index_cast %get3A_1138 : i32 to index
    %get3A_1141 = arith.constant 576 : index
    %get3A_1142 = tpu.vector_load %arg15[%get3A_1139, %get3A_1140, %get3A_1141] {strides = array<i32>} : memref<2x1x1024xf32, #tpu.memory_space<vmem>>, vector<16xf32>,
    %get3A_1143 = arith.constant 576 : index
    %get3A_1144 = tpu.vector_load %arg16[%get3A_1143] {strides = array<i32>} : memref<1024xf32, #tpu.memory_space<vmem>>, vector<16xf32>,
    %mul3A_1145 = arith.mulf %get3A_1142, %get3A_1144 : vector<16xf32>
    %add3A_1146 = arith.addf %add3A_1136, %mul3A_1145 : vector<16xf32>
    %get3A_1147 = arith.constant 1 : i32
    %get3A_1148 = arith.constant 0 : i32
    %get3A_1149 = arith.index_cast %get3A_1147 : i32 to index
    %get3A_1150 = arith.index_cast %get3A_1148 : i32 to index
    %get3A_1151 = arith.constant 592 : index
    %get3A_1152 = tpu.vector_load %arg15[%get3A_1149, %get3A_1150, %get3A_1151] {strides = array<i32>} : memref<2x1x1024xf32, #tpu.memory_space<vmem>>, vector<16xf32>,
    %get3A_1153 = arith.constant 592 : index
    %get3A_1154 = tpu.vector_load %arg16[%get3A_1153] {strides = array<i32>} : memref<1024xf32, #tpu.memory_space<vmem>>, vector<16xf32>,
    %mul3A_1155 = arith.mulf %get3A_1152, %get3A_1154 : vector<16xf32>
    %add3A_1156 = arith.addf %add3A_1146, %mul3A_1155 : vector<16xf32>
    %get3A_1157 = arith.constant 1 : i32
    %get3A_1158 = arith.constant 0 : i32
    %get3A_1159 = arith.index_cast %get3A_1157 : i32 to index
    %get3A_1160 = arith.index_cast %get3A_1158 : i32 to index
    %get3A_1161 = arith.constant 608 : index
    %get3A_1162 = tpu.vector_load %arg15[%get3A_1159, %get3A_1160, %get3A_1161] {strides = array<i32>} : memref<2x1x1024xf32, #tpu.memory_space<vmem>>, vector<16xf32>,
    %get3A_1163 = arith.constant 608 : index
    %get3A_1164 = tpu.vector_load %arg16[%get3A_1163] {strides = array<i32>} : memref<1024xf32, #tpu.memory_space<vmem>>, vector<16xf32>,
    %mul3A_1165 = arith.mulf %get3A_1162, %get3A_1164 : vector<16xf32>
    %add3A_1166 = arith.addf %add3A_1156, %mul3A_1165 : vector<16xf32>
    %get3A_1167 = arith.constant 1 : i32
    %get3A_1168 = arith.constant 0 : i32
    %get3A_1169 = arith.index_cast %get3A_1167 : i32 to index
    %get3A_1170 = arith.index_cast %get3A_1168 : i32 to index
    %get3A_1171 = arith.constant 624 : index
    %get3A_1172 = tpu.vector_load %arg15[%get3A_1169, %get3A_1170, %get3A_1171] {strides = array<i32>} : memref<2x1x1024xf32, #tpu.memory_space<vmem>>, vector<16xf32>,
    %get3A_1173 = arith.constant 624 : index
    %get3A_1174 = tpu.vector_load %arg16[%get3A_1173] {strides = array<i32>} : memref<1024xf32, #tpu.memory_space<vmem>>, vector<16xf32>,
    %mul3A_1175 = arith.mulf %get3A_1172, %get3A_1174 : vector<16xf32>
    %add3A_1176 = arith.addf %add3A_1166, %mul3A_1175 : vector<16xf32>
    %get3A_1177 = arith.constant 1 : i32
    %get3A_1178 = arith.constant 0 : i32
    %get3A_1179 = arith.index_cast %get3A_1177 : i32 to index
    %get3A_1180 = arith.index_cast %get3A_1178 : i32 to index
    %get3A_1181 = arith.constant 640 : index
    %get3A_1182 = tpu.vector_load %arg15[%get3A_1179, %get3A_1180, %get3A_1181] {strides = array<i32>} : memref<2x1x1024xf32, #tpu.memory_space<vmem>>, vector<16xf32>,
    %get3A_1183 = arith.constant 640 : index
    %get3A_1184 = tpu.vector_load %arg16[%get3A_1183] {strides = array<i32>} : memref<1024xf32, #tpu.memory_space<vmem>>, vector<16xf32>,
    %mul3A_1185 = arith.mulf %get3A_1182, %get3A_1184 : vector<16xf32>
    %add3A_1186 = arith.addf %add3A_1176, %mul3A_1185 : vector<16xf32>
    %get3A_1187 = arith.constant 1 : i32
    %get3A_1188 = arith.constant 0 : i32
    %get3A_1189 = arith.index_cast %get3A_1187 : i32 to index
    %get3A_1190 = arith.index_cast %get3A_1188 : i32 to index
    %get3A_1191 = arith.constant 656 : index
    %get3A_1192 = tpu.vector_load %arg15[%get3A_1189, %get3A_1190, %get3A_1191] {strides = array<i32>} : memref<2x1x1024xf32, #tpu.memory_space<vmem>>, vector<16xf32>,
    %get3A_1193 = arith.constant 656 : index
    %get3A_1194 = tpu.vector_load %arg16[%get3A_1193] {strides = array<i32>} : memref<1024xf32, #tpu.memory_space<vmem>>, vector<16xf32>,
    %mul3A_1195 = arith.mulf %get3A_1192, %get3A_1194 : vector<16xf32>
    %add3A_1196 = arith.addf %add3A_1186, %mul3A_1195 : vector<16xf32>
    %get3A_1197 = arith.constant 1 : i32
    %get3A_1198 = arith.constant 0 : i32
    %get3A_1199 = arith.index_cast %get3A_1197 : i32 to index
    %get3A_1200 = arith.index_cast %get3A_1198 : i32 to index
    %get3A_1201 = arith.constant 672 : index
    %get3A_1202 = tpu.vector_load %arg15[%get3A_1199, %get3A_1200, %get3A_1201] {strides = array<i32>} : memref<2x1x1024xf32, #tpu.memory_space<vmem>>, vector<16xf32>,
    %get3A_1203 = arith.constant 672 : index
    %get3A_1204 = tpu.vector_load %arg16[%get3A_1203] {strides = array<i32>} : memref<1024xf32, #tpu.memory_space<vmem>>, vector<16xf32>,
    %mul3A_1205 = arith.mulf %get3A_1202, %get3A_1204 : vector<16xf32>
    %add3A_1206 = arith.addf %add3A_1196, %mul3A_1205 : vector<16xf32>
    %get3A_1207 = arith.constant 1 : i32
    %get3A_1208 = arith.constant 0 : i32
    %get3A_1209 = arith.index_cast %get3A_1207 : i32 to index
    %get3A_1210 = arith.index_cast %get3A_1208 : i32 to index
    %get3A_1211 = arith.constant 688 : index
    %get3A_1212 = tpu.vector_load %arg15[%get3A_1209, %get3A_1210, %get3A_1211] {strides = array<i32>} : memref<2x1x1024xf32, #tpu.memory_space<vmem>>, vector<16xf32>,
    %get3A_1213 = arith.constant 688 : index
    %get3A_1214 = tpu.vector_load %arg16[%get3A_1213] {strides = array<i32>} : memref<1024xf32, #tpu.memory_space<vmem>>, vector<16xf32>,
    %mul3A_1215 = arith.mulf %get3A_1212, %get3A_1214 : vector<16xf32>
    %add3A_1216 = arith.addf %add3A_1206, %mul3A_1215 : vector<16xf32>
    %get3A_1217 = arith.constant 1 : i32
    %get3A_1218 = arith.constant 0 : i32
    %get3A_1219 = arith.index_cast %get3A_1217 : i32 to index
    %get3A_1220 = arith.index_cast %get3A_1218 : i32 to index
    %get3A_1221 = arith.constant 704 : index
    %get3A_1222 = tpu.vector_load %arg15[%get3A_1219, %get3A_1220, %get3A_1221] {strides = array<i32>} : memref<2x1x1024xf32, #tpu.memory_space<vmem>>, vector<16xf32>,
    %get3A_1223 = arith.constant 704 : index
    %get3A_1224 = tpu.vector_load %arg16[%get3A_1223] {strides = array<i32>} : memref<1024xf32, #tpu.memory_space<vmem>>, vector<16xf32>,
    %mul3A_1225 = arith.mulf %get3A_1222, %get3A_1224 : vector<16xf32>
    %add3A_1226 = arith.addf %add3A_1216, %mul3A_1225 : vector<16xf32>
    %get3A_1227 = arith.constant 1 : i32
    %get3A_1228 = arith.constant 0 : i32
    %get3A_1229 = arith.index_cast %get3A_1227 : i32 to index
    %get3A_1230 = arith.index_cast %get3A_1228 : i32 to index
    %get3A_1231 = arith.constant 720 : index
    %get3A_1232 = tpu.vector_load %arg15[%get3A_1229, %get3A_1230, %get3A_1231] {strides = array<i32>} : memref<2x1x1024xf32, #tpu.memory_space<vmem>>, vector<16xf32>,
    %get3A_1233 = arith.constant 720 : index
    %get3A_1234 = tpu.vector_load %arg16[%get3A_1233] {strides = array<i32>} : memref<1024xf32, #tpu.memory_space<vmem>>, vector<16xf32>,
    %mul3A_1235 = arith.mulf %get3A_1232, %get3A_1234 : vector<16xf32>
    %add3A_1236 = arith.addf %add3A_1226, %mul3A_1235 : vector<16xf32>
    %get3A_1237 = arith.constant 1 : i32
    %get3A_1238 = arith.constant 0 : i32
    %get3A_1239 = arith.index_cast %get3A_1237 : i32 to index
    %get3A_1240 = arith.index_cast %get3A_1238 : i32 to index
    %get3A_1241 = arith.constant 736 : index
    %get3A_1242 = tpu.vector_load %arg15[%get3A_1239, %get3A_1240, %get3A_1241] {strides = array<i32>} : memref<2x1x1024xf32, #tpu.memory_space<vmem>>, vector<16xf32>,
    %get3A_1243 = arith.constant 736 : index
    %get3A_1244 = tpu.vector_load %arg16[%get3A_1243] {strides = array<i32>} : memref<1024xf32, #tpu.memory_space<vmem>>, vector<16xf32>,
    %mul3A_1245 = arith.mulf %get3A_1242, %get3A_1244 : vector<16xf32>
    %add3A_1246 = arith.addf %add3A_1236, %mul3A_1245 : vector<16xf32>
    %get3A_1247 = arith.constant 1 : i32
    %get3A_1248 = arith.constant 0 : i32
    %get3A_1249 = arith.index_cast %get3A_1247 : i32 to index
    %get3A_1250 = arith.index_cast %get3A_1248 : i32 to index
    %get3A_1251 = arith.constant 752 : index
    %get3A_1252 = tpu.vector_load %arg15[%get3A_1249, %get3A_1250, %get3A_1251] {strides = array<i32>} : memref<2x1x1024xf32, #tpu.memory_space<vmem>>, vector<16xf32>,
    %get3A_1253 = arith.constant 752 : index
    %get3A_1254 = tpu.vector_load %arg16[%get3A_1253] {strides = array<i32>} : memref<1024xf32, #tpu.memory_space<vmem>>, vector<16xf32>,
    %mul3A_1255 = arith.mulf %get3A_1252, %get3A_1254 : vector<16xf32>
    %add3A_1256 = arith.addf %add3A_1246, %mul3A_1255 : vector<16xf32>
    %get3A_1257 = arith.constant 1 : i32
    %get3A_1258 = arith.constant 0 : i32
    %get3A_1259 = arith.index_cast %get3A_1257 : i32 to index
    %get3A_1260 = arith.index_cast %get3A_1258 : i32 to index
    %get3A_1261 = arith.constant 768 : index
    %get3A_1262 = tpu.vector_load %arg15[%get3A_1259, %get3A_1260, %get3A_1261] {strides = array<i32>} : memref<2x1x1024xf32, #tpu.memory_space<vmem>>, vector<16xf32>,
    %get3A_1263 = arith.constant 768 : index
    %get3A_1264 = tpu.vector_load %arg16[%get3A_1263] {strides = array<i32>} : memref<1024xf32, #tpu.memory_space<vmem>>, vector<16xf32>,
    %mul3A_1265 = arith.mulf %get3A_1262, %get3A_1264 : vector<16xf32>
    %add3A_1266 = arith.addf %add3A_1256, %mul3A_1265 : vector<16xf32>
    %get3A_1267 = arith.constant 1 : i32
    %get3A_1268 = arith.constant 0 : i32
    %get3A_1269 = arith.index_cast %get3A_1267 : i32 to index
    %get3A_1270 = arith.index_cast %get3A_1268 : i32 to index
    %get3A_1271 = arith.constant 784 : index
    %get3A_1272 = tpu.vector_load %arg15[%get3A_1269, %get3A_1270, %get3A_1271] {strides = array<i32>} : memref<2x1x1024xf32, #tpu.memory_space<vmem>>, vector<16xf32>,
    %get3A_1273 = arith.constant 784 : index
    %get3A_1274 = tpu.vector_load %arg16[%get3A_1273] {strides = array<i32>} : memref<1024xf32, #tpu.memory_space<vmem>>, vector<16xf32>,
    %mul3A_1275 = arith.mulf %get3A_1272, %get3A_1274 : vector<16xf32>
    %add3A_1276 = arith.addf %add3A_1266, %mul3A_1275 : vector<16xf32>
    %get3A_1277 = arith.constant 1 : i32
    %get3A_1278 = arith.constant 0 : i32
    %get3A_1279 = arith.index_cast %get3A_1277 : i32 to index
    %get3A_1280 = arith.index_cast %get3A_1278 : i32 to index
    %get3A_1281 = arith.constant 800 : index
    %get3A_1282 = tpu.vector_load %arg15[%get3A_1279, %get3A_1280, %get3A_1281] {strides = array<i32>} : memref<2x1x1024xf32, #tpu.memory_space<vmem>>, vector<16xf32>,
    %get3A_1283 = arith.constant 800 : index
    %get3A_1284 = tpu.vector_load %arg16[%get3A_1283] {strides = array<i32>} : memref<1024xf32, #tpu.memory_space<vmem>>, vector<16xf32>,
    %mul3A_1285 = arith.mulf %get3A_1282, %get3A_1284 : vector<16xf32>
    %add3A_1286 = arith.addf %add3A_1276, %mul3A_1285 : vector<16xf32>
    %get3A_1287 = arith.constant 1 : i32
    %get3A_1288 = arith.constant 0 : i32
    %get3A_1289 = arith.index_cast %get3A_1287 : i32 to index
    %get3A_1290 = arith.index_cast %get3A_1288 : i32 to index
    %get3A_1291 = arith.constant 816 : index
    %get3A_1292 = tpu.vector_load %arg15[%get3A_1289, %get3A_1290, %get3A_1291] {strides = array<i32>} : memref<2x1x1024xf32, #tpu.memory_space<vmem>>, vector<16xf32>,
    %get3A_1293 = arith.constant 816 : index
    %get3A_1294 = tpu.vector_load %arg16[%get3A_1293] {strides = array<i32>} : memref<1024xf32, #tpu.memory_space<vmem>>, vector<16xf32>,
    %mul3A_1295 = arith.mulf %get3A_1292, %get3A_1294 : vector<16xf32>
    %add3A_1296 = arith.addf %add3A_1286, %mul3A_1295 : vector<16xf32>
    %get3A_1297 = arith.constant 1 : i32
    %get3A_1298 = arith.constant 0 : i32
    %get3A_1299 = arith.index_cast %get3A_1297 : i32 to index
    %get3A_1300 = arith.index_cast %get3A_1298 : i32 to index
    %get3A_1301 = arith.constant 832 : index
    %get3A_1302 = tpu.vector_load %arg15[%get3A_1299, %get3A_1300, %get3A_1301] {strides = array<i32>} : memref<2x1x1024xf32, #tpu.memory_space<vmem>>, vector<16xf32>,
    %get3A_1303 = arith.constant 832 : index
    %get3A_1304 = tpu.vector_load %arg16[%get3A_1303] {strides = array<i32>} : memref<1024xf32, #tpu.memory_space<vmem>>, vector<16xf32>,
    %mul3A_1305 = arith.mulf %get3A_1302, %get3A_1304 : vector<16xf32>
    %add3A_1306 = arith.addf %add3A_1296, %mul3A_1305 : vector<16xf32>
    %get3A_1307 = arith.constant 1 : i32
    %get3A_1308 = arith.constant 0 : i32
    %get3A_1309 = arith.index_cast %get3A_1307 : i32 to index
    %get3A_1310 = arith.index_cast %get3A_1308 : i32 to index
    %get3A_1311 = arith.constant 848 : index
    %get3A_1312 = tpu.vector_load %arg15[%get3A_1309, %get3A_1310, %get3A_1311] {strides = array<i32>} : memref<2x1x1024xf32, #tpu.memory_space<vmem>>, vector<16xf32>,
    %get3A_1313 = arith.constant 848 : index
    %get3A_1314 = tpu.vector_load %arg16[%get3A_1313] {strides = array<i32>} : memref<1024xf32, #tpu.memory_space<vmem>>, vector<16xf32>,
    %mul3A_1315 = arith.mulf %get3A_1312, %get3A_1314 : vector<16xf32>
    %add3A_1316 = arith.addf %add3A_1306, %mul3A_1315 : vector<16xf32>
    %get3A_1317 = arith.constant 1 : i32
    %get3A_1318 = arith.constant 0 : i32
    %get3A_1319 = arith.index_cast %get3A_1317 : i32 to index
    %get3A_1320 = arith.index_cast %get3A_1318 : i32 to index
    %get3A_1321 = arith.constant 864 : index
    %get3A_1322 = tpu.vector_load %arg15[%get3A_1319, %get3A_1320, %get3A_1321] {strides = array<i32>} : memref<2x1x1024xf32, #tpu.memory_space<vmem>>, vector<16xf32>,
    %get3A_1323 = arith.constant 864 : index
    %get3A_1324 = tpu.vector_load %arg16[%get3A_1323] {strides = array<i32>} : memref<1024xf32, #tpu.memory_space<vmem>>, vector<16xf32>,
    %mul3A_1325 = arith.mulf %get3A_1322, %get3A_1324 : vector<16xf32>
    %add3A_1326 = arith.addf %add3A_1316, %mul3A_1325 : vector<16xf32>
    %get3A_1327 = arith.constant 1 : i32
    %get3A_1328 = arith.constant 0 : i32
    %get3A_1329 = arith.index_cast %get3A_1327 : i32 to index
    %get3A_1330 = arith.index_cast %get3A_1328 : i32 to index
    %get3A_1331 = arith.constant 880 : index
    %get3A_1332 = tpu.vector_load %arg15[%get3A_1329, %get3A_1330, %get3A_1331] {strides = array<i32>} : memref<2x1x1024xf32, #tpu.memory_space<vmem>>, vector<16xf32>,
    %get3A_1333 = arith.constant 880 : index
    %get3A_1334 = tpu.vector_load %arg16[%get3A_1333] {strides = array<i32>} : memref<1024xf32, #tpu.memory_space<vmem>>, vector<16xf32>,
    %mul3A_1335 = arith.mulf %get3A_1332, %get3A_1334 : vector<16xf32>
    %add3A_1336 = arith.addf %add3A_1326, %mul3A_1335 : vector<16xf32>
    %get3A_1337 = arith.constant 1 : i32
    %get3A_1338 = arith.constant 0 : i32
    %get3A_1339 = arith.index_cast %get3A_1337 : i32 to index
    %get3A_1340 = arith.index_cast %get3A_1338 : i32 to index
    %get3A_1341 = arith.constant 896 : index
    %get3A_1342 = tpu.vector_load %arg15[%get3A_1339, %get3A_1340, %get3A_1341] {strides = array<i32>} : memref<2x1x1024xf32, #tpu.memory_space<vmem>>, vector<16xf32>,
    %get3A_1343 = arith.constant 896 : index
    %get3A_1344 = tpu.vector_load %arg16[%get3A_1343] {strides = array<i32>} : memref<1024xf32, #tpu.memory_space<vmem>>, vector<16xf32>,
    %mul3A_1345 = arith.mulf %get3A_1342, %get3A_1344 : vector<16xf32>
    %add3A_1346 = arith.addf %add3A_1336, %mul3A_1345 : vector<16xf32>
    %get3A_1347 = arith.constant 1 : i32
    %get3A_1348 = arith.constant 0 : i32
    %get3A_1349 = arith.index_cast %get3A_1347 : i32 to index
    %get3A_1350 = arith.index_cast %get3A_1348 : i32 to index
    %get3A_1351 = arith.constant 912 : index
    %get3A_1352 = tpu.vector_load %arg15[%get3A_1349, %get3A_1350, %get3A_1351] {strides = array<i32>} : memref<2x1x1024xf32, #tpu.memory_space<vmem>>, vector<16xf32>,
    %get3A_1353 = arith.constant 912 : index
    %get3A_1354 = tpu.vector_load %arg16[%get3A_1353] {strides = array<i32>} : memref<1024xf32, #tpu.memory_space<vmem>>, vector<16xf32>,
    %mul3A_1355 = arith.mulf %get3A_1352, %get3A_1354 : vector<16xf32>
    %add3A_1356 = arith.addf %add3A_1346, %mul3A_1355 : vector<16xf32>
    %get3A_1357 = arith.constant 1 : i32
    %get3A_1358 = arith.constant 0 : i32
    %get3A_1359 = arith.index_cast %get3A_1357 : i32 to index
    %get3A_1360 = arith.index_cast %get3A_1358 : i32 to index
    %get3A_1361 = arith.constant 928 : index
    %get3A_1362 = tpu.vector_load %arg15[%get3A_1359, %get3A_1360, %get3A_1361] {strides = array<i32>} : memref<2x1x1024xf32, #tpu.memory_space<vmem>>, vector<16xf32>,
    %get3A_1363 = arith.constant 928 : index
    %get3A_1364 = tpu.vector_load %arg16[%get3A_1363] {strides = array<i32>} : memref<1024xf32, #tpu.memory_space<vmem>>, vector<16xf32>,
    %mul3A_1365 = arith.mulf %get3A_1362, %get3A_1364 : vector<16xf32>
    %add3A_1366 = arith.addf %add3A_1356, %mul3A_1365 : vector<16xf32>
    %get3A_1367 = arith.constant 1 : i32
    %get3A_1368 = arith.constant 0 : i32
    %get3A_1369 = arith.index_cast %get3A_1367 : i32 to index
    %get3A_1370 = arith.index_cast %get3A_1368 : i32 to index
    %get3A_1371 = arith.constant 944 : index
    %get3A_1372 = tpu.vector_load %arg15[%get3A_1369, %get3A_1370, %get3A_1371] {strides = array<i32>} : memref<2x1x1024xf32, #tpu.memory_space<vmem>>, vector<16xf32>,
    %get3A_1373 = arith.constant 944 : index
    %get3A_1374 = tpu.vector_load %arg16[%get3A_1373] {strides = array<i32>} : memref<1024xf32, #tpu.memory_space<vmem>>, vector<16xf32>,
    %mul3A_1375 = arith.mulf %get3A_1372, %get3A_1374 : vector<16xf32>
    %add3A_1376 = arith.addf %add3A_1366, %mul3A_1375 : vector<16xf32>
    %get3A_1377 = arith.constant 1 : i32
    %get3A_1378 = arith.constant 0 : i32
    %get3A_1379 = arith.index_cast %get3A_1377 : i32 to index
    %get3A_1380 = arith.index_cast %get3A_1378 : i32 to index
    %get3A_1381 = arith.constant 960 : index
    %get3A_1382 = tpu.vector_load %arg15[%get3A_1379, %get3A_1380, %get3A_1381] {strides = array<i32>} : memref<2x1x1024xf32, #tpu.memory_space<vmem>>, vector<16xf32>,
    %get3A_1383 = arith.constant 960 : index
    %get3A_1384 = tpu.vector_load %arg16[%get3A_1383] {strides = array<i32>} : memref<1024xf32, #tpu.memory_space<vmem>>, vector<16xf32>,
    %mul3A_1385 = arith.mulf %get3A_1382, %get3A_1384 : vector<16xf32>
    %add3A_1386 = arith.addf %add3A_1376, %mul3A_1385 : vector<16xf32>
    %get3A_1387 = arith.constant 1 : i32
    %get3A_1388 = arith.constant 0 : i32
    %get3A_1389 = arith.index_cast %get3A_1387 : i32 to index
    %get3A_1390 = arith.index_cast %get3A_1388 : i32 to index
    %get3A_1391 = arith.constant 976 : index
    %get3A_1392 = tpu.vector_load %arg15[%get3A_1389, %get3A_1390, %get3A_1391] {strides = array<i32>} : memref<2x1x1024xf32, #tpu.memory_space<vmem>>, vector<16xf32>,
    %get3A_1393 = arith.constant 976 : index
    %get3A_1394 = tpu.vector_load %arg16[%get3A_1393] {strides = array<i32>} : memref<1024xf32, #tpu.memory_space<vmem>>, vector<16xf32>,
    %mul3A_1395 = arith.mulf %get3A_1392, %get3A_1394 : vector<16xf32>
    %add3A_1396 = arith.addf %add3A_1386, %mul3A_1395 : vector<16xf32>
    %get3A_1397 = arith.constant 1 : i32
    %get3A_1398 = arith.constant 0 : i32
    %get3A_1399 = arith.index_cast %get3A_1397 : i32 to index
    %get3A_1400 = arith.index_cast %get3A_1398 : i32 to index
    %get3A_1401 = arith.constant 992 : index
    %get3A_1402 = tpu.vector_load %arg15[%get3A_1399, %get3A_1400, %get3A_1401] {strides = array<i32>} : memref<2x1x1024xf32, #tpu.memory_space<vmem>>, vector<16xf32>,
    %get3A_1403 = arith.constant 992 : index
    %get3A_1404 = tpu.vector_load %arg16[%get3A_1403] {strides = array<i32>} : memref<1024xf32, #tpu.memory_space<vmem>>, vector<16xf32>,
    %mul3A_1405 = arith.mulf %get3A_1402, %get3A_1404 : vector<16xf32>
    %add3A_1406 = arith.addf %add3A_1396, %mul3A_1405 : vector<16xf32>
    %get3A_1407 = arith.constant 1 : i32
    %get3A_1408 = arith.constant 0 : i32
    %get3A_1409 = arith.index_cast %get3A_1407 : i32 to index
    %get3A_1410 = arith.index_cast %get3A_1408 : i32 to index
    %get3A_1411 = arith.constant 1008 : index
    %get3A_1412 = tpu.vector_load %arg15[%get3A_1409, %get3A_1410, %get3A_1411] {strides = array<i32>} : memref<2x1x1024xf32, #tpu.memory_space<vmem>>, vector<16xf32>,
    %get3A_1413 = arith.constant 1008 : index
    %get3A_1414 = tpu.vector_load %arg16[%get3A_1413] {strides = array<i32>} : memref<1024xf32, #tpu.memory_space<vmem>>, vector<16xf32>,
    %mul3A_1415 = arith.mulf %get3A_1412, %get3A_1414 : vector<16xf32>
    %add3A_1416 = arith.addf %add3A_1406, %mul3A_1415 : vector<16xf32>
    %broadcast_in_dim3A_1417 = arith.constant 0 : i32
    %broadcast_in_dim3A_1418 = vector.broadcast %broadcast_in_dim3A_1417 : i32 to vector<16xi32>
    %mul3A_1419 = arith.constant 2 : i32
    %mul3A_1420 = arith.muli %mul3A_1419, %arg1 : i32
    %add3A_1421 = arith.constant 1 : i32
    %add3A_1422 = arith.addi %mul3A_1420, %add3A_1421 : i32
    %add3A_1423 = vector.broadcast %add3A_1422 : i32 to vector<16xi32>
    %add3A_1424 = arith.addi %broadcast_in_dim3A_1418, %add3A_1423 : vector<16xi32>
    %gather3A_1425 = tpu.vector_load_idx %arg13[%add3A_1424] : memref<32xf32, #tpu.memory_space<vmem>>[vector<16xi32>], vector<16xf32>,
    %mul3A_1426 = arith.mulf %add3A_1416, %gather3A_1425 : vector<16xf32>
    %add3A_1427 = arith.addf %add3A_774, %mul3A_1426 : vector<16xf32>
    %iota3A_1428 = tpu.iota {dimensions = array<i32: 0>} : vector<16xi32>
    %swap3A_1429 = arith.constant 0 : index
    %swap3A_1430 = tpu.vector_load %arg17[%swap3A_1429] {strides = array<i32>} : memref<16xf32, #tpu.memory_space<vmem>>, vector<16xf32>,
    tpu.vector_store %arg17[%swap3A_1429], %add3A_1427 {strides = array<i32>} : memref<16xf32, #tpu.memory_space<vmem>>, vector<16xf32>,
    %xor3A = arith.constant 8 : i32
    %xor3A_1431 = vector.broadcast %xor3A : i32 to vector<16xi32>
    %xor3A_1432 = arith.xori %iota3A_1428, %xor3A_1431 : vector<16xi32>
    %gather3A_1433 = tpu.vector_load_idx %arg17[%xor3A_1432] : memref<16xf32, #tpu.memory_space<vmem>>[vector<16xi32>], vector<16xf32>,
    %add3A_1434 = arith.addf %add3A_1427, %gather3A_1433 : vector<16xf32>
    %swap3A_1435 = arith.constant 0 : index
    %swap3A_1436 = tpu.vector_load %arg17[%swap3A_1435] {strides = array<i32>} : memref<16xf32, #tpu.memory_space<vmem>>, vector<16xf32>,
    tpu.vector_store %arg17[%swap3A_1435], %add3A_1434 {strides = array<i32>} : memref<16xf32, #tpu.memory_space<vmem>>, vector<16xf32>,
    %xor3A_1437 = arith.constant 4 : i32
    %xor3A_1438 = vector.broadcast %xor3A_1437 : i32 to vector<16xi32>
    %xor3A_1439 = arith.xori %iota3A_1428, %xor3A_1438 : vector<16xi32>
    %gather3A_1440 = tpu.vector_load_idx %arg17[%xor3A_1439] : memref<16xf32, #tpu.memory_space<vmem>>[vector<16xi32>], vector<16xf32>,
    %add3A_1441 = arith.addf %add3A_1434, %gather3A_1440 : vector<16xf32>
    %swap3A_1442 = arith.constant 0 : index
    %swap3A_1443 = tpu.vector_load %arg17[%swap3A_1442] {strides = array<i32>} : memref<16xf32, #tpu.memory_space<vmem>>, vector<16xf32>,
    tpu.vector_store %arg17[%swap3A_1442], %add3A_1441 {strides = array<i32>} : memref<16xf32, #tpu.memory_space<vmem>>, vector<16xf32>,
    %xor3A_1444 = arith.constant 2 : i32
    %xor3A_1445 = vector.broadcast %xor3A_1444 : i32 to vector<16xi32>
    %xor3A_1446 = arith.xori %iota3A_1428, %xor3A_1445 : vector<16xi32>
    %gather3A_1447 = tpu.vector_load_idx %arg17[%xor3A_1446] : memref<16xf32, #tpu.memory_space<vmem>>[vector<16xi32>], vector<16xf32>,
    %add3A_1448 = arith.addf %add3A_1441, %gather3A_1447 : vector<16xf32>
    %swap3A_1449 = arith.constant 0 : index
    %swap3A_1450 = tpu.vector_load %arg17[%swap3A_1449] {strides = array<i32>} : memref<16xf32, #tpu.memory_space<vmem>>, vector<16xf32>,
    tpu.vector_store %arg17[%swap3A_1449], %add3A_1448 {strides = array<i32>} : memref<16xf32, #tpu.memory_space<vmem>>, vector<16xf32>,
    %xor3A_1451 = arith.constant 1 : i32
    %xor3A_1452 = vector.broadcast %xor3A_1451 : i32 to vector<16xi32>
    %xor3A_1453 = arith.xori %iota3A_1428, %xor3A_1452 : vector<16xi32>
    %gather3A_1454 = tpu.vector_load_idx %arg17[%xor3A_1453] : memref<16xf32, #tpu.memory_space<vmem>>[vector<16xi32>], vector<16xf32>,
    %add3A_1455 = arith.addf %add3A_1448, %gather3A_1454 : vector<16xf32>
    %swap3A_1456 = arith.constant 0 : index
    %swap3A_1457 = tpu.vector_load %arg18[%swap3A_1456] {strides = array<i32>} : memref<16xf32, #tpu.memory_space<vmem>>, vector<16xf32>,
    tpu.vector_store %arg18[%swap3A_1456], %add3A_1455 {strides = array<i32>} : memref<16xf32, #tpu.memory_space<vmem>>, vector<16xf32>,
    %mul3A_1458 = arith.constant 16 : i32
    %mul3A_1459 = arith.muli %arg1, %mul3A_1458 : i32
    "tpu.region"() ({
      %run_scoped3A = tpu.sem_alloc : memref<!tpu.dma_semaphore, #tpu.memory_space<semaphore_mem>>
      %dma_start3A_1466 = tpu.memref_slice %arg24[%mul3A_1459] : memref<256xf32, #tpu.memory_space<vmem_shared>> -> memref<16xf32, #tpu.memory_space<vmem_shared>>
      %dma_start3A_1467 = tpu.memref_slice %arg24[%mul3A_1459] : memref<256xf32, #tpu.memory_space<vmem_shared>> -> memref<16xf32, #tpu.memory_space<vmem_shared>>
      tpu.enqueue_dma source(%arg18 : memref<16xf32, #tpu.memory_space<vmem>>) target(%dma_start3A_1467 : memref<16xf32, #tpu.memory_space<vmem_shared>>) target_semaphore(%run_scoped3A : memref<!tpu.dma_semaphore, #tpu.memory_space<semaphore_mem>>)
      %dma_wait3A_1468 = tpu.memref_slice %arg24[%mul3A_1459] : memref<256xf32, #tpu.memory_space<vmem_shared>> -> memref<16xf32, #tpu.memory_space<vmem_shared>>
      %dma_wait3A_1469 = tpu.memref_slice %arg24[%mul3A_1459] : memref<256xf32, #tpu.memory_space<vmem_shared>> -> memref<16xf32, #tpu.memory_space<vmem_shared>>
      tpu.wait_dma2 semaphore(%run_scoped3A : memref<!tpu.dma_semaphore, #tpu.memory_space<semaphore_mem>>) src(%arg18 : memref<16xf32, #tpu.memory_space<vmem>>) dst(%dma_wait3A_1469 : memref<16xf32, #tpu.memory_space<vmem_shared>>)
      tpu.yield
    }) : () -> ()
    %barrier3A_1460 = arith.constant 0 : index
    tpu.barrier barrier_id(%barrier3A_1460)
    %eq3A_1461 = arith.constant 0 : i32
    %eq3A_1462 = arith.cmpi eq, %arg1, %eq3A_1461 : i32
    %convert_element_type3A_1463 = arith.extui %eq3A_1462 : i1 to i32
    %cond3A_1464 = arith.constant 0 : i32
    %cond3A_1465 = arith.cmpi ne, %convert_element_type3A_1463, %cond3A_1464 : i32
    scf.if %cond3A_1465 {
      "tpu.region"() ({
        %run_scoped3A = tpu.sem_alloc : memref<!tpu.dma_semaphore, #tpu.memory_space<semaphore_mem>>
        tpu.enqueue_dma source(%arg24 : memref<256xf32, #tpu.memory_space<vmem_shared>>) target(%arg19 : memref<256xf32, #tpu.memory_space<vmem>>) target_semaphore(%run_scoped3A : memref<!tpu.dma_semaphore, #tpu.memory_space<semaphore_mem>>)
        tpu.wait_dma2 semaphore(%run_scoped3A : memref<!tpu.dma_semaphore, #tpu.memory_space<semaphore_mem>>) src(%arg24 : memref<256xf32, #tpu.memory_space<vmem_shared>>) dst(%arg19 : memref<256xf32, #tpu.memory_space<vmem>>)
        tpu.yield
      }) : () -> ()
      "tpu.region"() ({
        %run_scoped3A = tpu.sem_alloc : memref<!tpu.dma_semaphore, #tpu.memory_space<semaphore_mem>>
        tpu.enqueue_dma source(%arg5 : memref<16xf32, #tpu.memory_space<hbm>>) target(%arg17 : memref<16xf32, #tpu.memory_space<vmem>>) target_semaphore(%run_scoped3A : memref<!tpu.dma_semaphore, #tpu.memory_space<semaphore_mem>>)
        tpu.wait_dma2 semaphore(%run_scoped3A : memref<!tpu.dma_semaphore, #tpu.memory_space<semaphore_mem>>) src(%arg5 : memref<16xf32, #tpu.memory_space<hbm>>) dst(%arg17 : memref<16xf32, #tpu.memory_space<vmem>>)
        tpu.yield
      }) : () -> ()
      %broadcast_in_dim3A_1466 = arith.constant 0.000000e+00 : f32
      %broadcast_in_dim3A_1467 = vector.broadcast %broadcast_in_dim3A_1466 : f32 to vector<16xf32>
      %get3A_1468 = arith.constant 0 : index
      %get3A_1469 = tpu.vector_load %arg19[%get3A_1468] {strides = array<i32>} : memref<256xf32, #tpu.memory_space<vmem>>, vector<16xf32>,
      %add3A_1470 = arith.addf %broadcast_in_dim3A_1467, %get3A_1469 : vector<16xf32>
      %get3A_1471 = arith.constant 16 : index
      %get3A_1472 = tpu.vector_load %arg19[%get3A_1471] {strides = array<i32>} : memref<256xf32, #tpu.memory_space<vmem>>, vector<16xf32>,
      %add3A_1473 = arith.addf %add3A_1470, %get3A_1472 : vector<16xf32>
      %get3A_1474 = arith.constant 32 : index
      %get3A_1475 = tpu.vector_load %arg19[%get3A_1474] {strides = array<i32>} : memref<256xf32, #tpu.memory_space<vmem>>, vector<16xf32>,
      %add3A_1476 = arith.addf %add3A_1473, %get3A_1475 : vector<16xf32>
      %get3A_1477 = arith.constant 48 : index
      %get3A_1478 = tpu.vector_load %arg19[%get3A_1477] {strides = array<i32>} : memref<256xf32, #tpu.memory_space<vmem>>, vector<16xf32>,
      %add3A_1479 = arith.addf %add3A_1476, %get3A_1478 : vector<16xf32>
      %get3A_1480 = arith.constant 64 : index
      %get3A_1481 = tpu.vector_load %arg19[%get3A_1480] {strides = array<i32>} : memref<256xf32, #tpu.memory_space<vmem>>, vector<16xf32>,
      %add3A_1482 = arith.addf %add3A_1479, %get3A_1481 : vector<16xf32>
      %get3A_1483 = arith.constant 80 : index
      %get3A_1484 = tpu.vector_load %arg19[%get3A_1483] {strides = array<i32>} : memref<256xf32, #tpu.memory_space<vmem>>, vector<16xf32>,
      %add3A_1485 = arith.addf %add3A_1482, %get3A_1484 : vector<16xf32>
      %get3A_1486 = arith.constant 96 : index
      %get3A_1487 = tpu.vector_load %arg19[%get3A_1486] {strides = array<i32>} : memref<256xf32, #tpu.memory_space<vmem>>, vector<16xf32>,
      %add3A_1488 = arith.addf %add3A_1485, %get3A_1487 : vector<16xf32>
      %get3A_1489 = arith.constant 112 : index
      %get3A_1490 = tpu.vector_load %arg19[%get3A_1489] {strides = array<i32>} : memref<256xf32, #tpu.memory_space<vmem>>, vector<16xf32>,
      %add3A_1491 = arith.addf %add3A_1488, %get3A_1490 : vector<16xf32>
      %get3A_1492 = arith.constant 128 : index
      %get3A_1493 = tpu.vector_load %arg19[%get3A_1492] {strides = array<i32>} : memref<256xf32, #tpu.memory_space<vmem>>, vector<16xf32>,
      %add3A_1494 = arith.addf %add3A_1491, %get3A_1493 : vector<16xf32>
      %get3A_1495 = arith.constant 144 : index
      %get3A_1496 = tpu.vector_load %arg19[%get3A_1495] {strides = array<i32>} : memref<256xf32, #tpu.memory_space<vmem>>, vector<16xf32>,
      %add3A_1497 = arith.addf %add3A_1494, %get3A_1496 : vector<16xf32>
      %get3A_1498 = arith.constant 160 : index
      %get3A_1499 = tpu.vector_load %arg19[%get3A_1498] {strides = array<i32>} : memref<256xf32, #tpu.memory_space<vmem>>, vector<16xf32>,
      %add3A_1500 = arith.addf %add3A_1497, %get3A_1499 : vector<16xf32>
      %get3A_1501 = arith.constant 176 : index
      %get3A_1502 = tpu.vector_load %arg19[%get3A_1501] {strides = array<i32>} : memref<256xf32, #tpu.memory_space<vmem>>, vector<16xf32>,
      %add3A_1503 = arith.addf %add3A_1500, %get3A_1502 : vector<16xf32>
      %get3A_1504 = arith.constant 192 : index
      %get3A_1505 = tpu.vector_load %arg19[%get3A_1504] {strides = array<i32>} : memref<256xf32, #tpu.memory_space<vmem>>, vector<16xf32>,
      %add3A_1506 = arith.addf %add3A_1503, %get3A_1505 : vector<16xf32>
      %get3A_1507 = arith.constant 208 : index
      %get3A_1508 = tpu.vector_load %arg19[%get3A_1507] {strides = array<i32>} : memref<256xf32, #tpu.memory_space<vmem>>, vector<16xf32>,
      %add3A_1509 = arith.addf %add3A_1506, %get3A_1508 : vector<16xf32>
      %get3A_1510 = arith.constant 224 : index
      %get3A_1511 = tpu.vector_load %arg19[%get3A_1510] {strides = array<i32>} : memref<256xf32, #tpu.memory_space<vmem>>, vector<16xf32>,
      %add3A_1512 = arith.addf %add3A_1509, %get3A_1511 : vector<16xf32>
      %get3A_1513 = arith.constant 240 : index
      %get3A_1514 = tpu.vector_load %arg19[%get3A_1513] {strides = array<i32>} : memref<256xf32, #tpu.memory_space<vmem>>, vector<16xf32>,
      %add3A_1515 = arith.addf %add3A_1512, %get3A_1514 : vector<16xf32>
      %get3A_1516 = arith.constant 0 : index
      %get3A_1517 = tpu.vector_load %arg17[%get3A_1516] {strides = array<i32>} : memref<16xf32, #tpu.memory_space<vmem>>, vector<16xf32>,
      %add3A_1518 = arith.addf %add3A_1515, %get3A_1517 : vector<16xf32>
      %swap3A_1519 = arith.constant 0 : index
      %swap3A_1520 = tpu.vector_load %arg18[%swap3A_1519] {strides = array<i32>} : memref<16xf32, #tpu.memory_space<vmem>>, vector<16xf32>,
      tpu.vector_store %arg18[%swap3A_1519], %add3A_1518 {strides = array<i32>} : memref<16xf32, #tpu.memory_space<vmem>>, vector<16xf32>,
      "tpu.region"() ({
        %run_scoped3A = tpu.sem_alloc : memref<!tpu.dma_semaphore, #tpu.memory_space<semaphore_mem>>
        tpu.enqueue_dma source(%arg18 : memref<16xf32, #tpu.memory_space<vmem>>) target(%arg6 : memref<16xf32, #tpu.memory_space<hbm>>) target_semaphore(%run_scoped3A : memref<!tpu.dma_semaphore, #tpu.memory_space<semaphore_mem>>)
        tpu.wait_dma2 semaphore(%run_scoped3A : memref<!tpu.dma_semaphore, #tpu.memory_space<semaphore_mem>>) src(%arg18 : memref<16xf32, #tpu.memory_space<vmem>>) dst(%arg6 : memref<16xf32, #tpu.memory_space<hbm>>)
        tpu.yield
      }) : () -> ()
    } else {
    }
    return
  }
}

module attributes {stable_mosaic.version = 14 : i64} {
  func.func @_stage_a_body(%arg0: i32, %arg1: memref<1xi32, #tpu.memory_space<smem>>, %arg2: memref<1024x2048xf32, #tpu.memory_space<vmem>>, %arg3: memref<1x2048xf32, #tpu.memory_space<vmem>>, %arg4: memref<1x1024xf32, #tpu.memory_space<vmem>>, %arg5: memref<32x1xf32, #tpu.memory_space<vmem>>, %arg6: memref<3x32x2048xf32, #tpu.memory_space<vmem>>, %arg7: memref<3x32x1024xf32, #tpu.memory_space<vmem>>, %arg8: memref<3x32x1xf32, #tpu.memory_space<vmem>>, %arg9: memref<3x32x1xf32, #tpu.memory_space<vmem>>, %arg10: memref<1x3072xf32, #tpu.memory_space<vmem>>, %arg11: memref<1x1xf32, #tpu.memory_space<smem>>, %arg12: memref<1024xf32, #tpu.memory_space<vmem>>, %arg13: memref<32x1xf32, #tpu.memory_space<vmem>>, %arg14: memref<1x1xf32, #tpu.memory_space<smem>>) attributes {dimension_semantics = [#tpu.dimension_semantics<arbitrary>], iteration_bounds = array<i64: 32>, scalar_prefetch = 1 : i64, scratch_operands = 0 : i64, tpu.core_type = #tpu.core_type<tc>, window_params = [{transform_indices = @transform_0, window_bounds = array<i64: 1024, 2048>}, {pipeline_mode = #tpu.pipeline_mode<synchronous>, transform_indices = @transform_1, window_bounds = array<i64: 1, 2048>}, {pipeline_mode = #tpu.pipeline_mode<synchronous>, transform_indices = @transform_2, window_bounds = array<i64: 1, 1024>}, {transform_indices = @transform_3, window_bounds = array<i64: 32, 1>}, {transform_indices = @transform_4, window_bounds = array<i64: 3, 32, 2048>}, {transform_indices = @transform_5, window_bounds = array<i64: 3, 32, 1024>}, {transform_indices = @transform_6, window_bounds = array<i64: 3, 32, 1>}, {transform_indices = @transform_7, window_bounds = array<i64: 3, 32, 1>}, {pipeline_mode = #tpu.pipeline_mode<synchronous>, transform_indices = @transform_8, window_bounds = array<i64: 1, 3072>}, {transform_indices = @transform_9, window_bounds = array<i64: 1, 1>}, {transform_indices = @transform_10, window_bounds = array<i64: 1024>}, {transform_indices = @transform_11, window_bounds = array<i64: 32, 1>}, {transform_indices = @transform_12, window_bounds = array<i64: 1, 1>}]} {
    %get3A = arith.constant 0 : index
    %get3A_0 = arith.constant 0 : index
    %get3A_1 = vector.load %arg3[%get3A, %get3A_0] : memref<1x2048xf32, #tpu.memory_space<vmem>>, vector<1x2048xf32>
    %get3A_2 = arith.constant 0 : index
    %get3A_3 = arith.constant 0 : index
    %get3A_4 = vector.load %arg2[%get3A_2, %get3A_3] : memref<1024x2048xf32, #tpu.memory_space<vmem>>, vector<1024x2048xf32>
    %dot_general3A = arith.constant dense<0.000000e+00> : vector<1x1024xf32>
    %dot_general3A_5 = tpu.matmul %get3A_1, %get3A_4, %dot_general3A {dimension_numbers = #tpu.dot_dimension_numbers<[1], [1], [0], [0], [0, 0, 1, 0], [], []>, transpose_lhs_hint = false} : vector<1x2048xf32>, vector<1024x2048xf32>, vector<1x1024xf32> -> vector<1x1024xf32>
    %squeeze3A = vector.shape_cast %dot_general3A_5 : vector<1x1024xf32> to vector<1024xf32>
    %swap3A = arith.constant 0 : index
    %swap3A_6 = vector.load %arg12[%swap3A] : memref<1024xf32, #tpu.memory_space<vmem>>, vector<1024xf32>
    tpu.vector_store %arg12[%swap3A], %squeeze3A {strides = array<i32>} : memref<1024xf32, #tpu.memory_space<vmem>>, vector<1024xf32>,
    %get3A_7 = arith.constant 0 : index
    %get3A_8 = arith.constant 0 : index
    %get3A_9 = arith.constant 0 : index
    %get3A_10 = vector.load %arg6[%get3A_7, %get3A_8, %get3A_9] : memref<3x32x2048xf32, #tpu.memory_space<vmem>>, vector<3x32x2048xf32>
    %dot_general3A_11 = arith.constant dense<0.000000e+00> : vector<3x32x1xf32>
    %dot_general3A_12 = tpu.matmul %get3A_10, %get3A_1, %dot_general3A_11 {dimension_numbers = #tpu.dot_dimension_numbers<[2], [1], [0, 1], [0], [0, 0, 0, 1, 1, 0], [], []>, transpose_lhs_hint = false} : vector<3x32x2048xf32>, vector<1x2048xf32>, vector<3x32x1xf32> -> vector<3x32x1xf32>
    %get3A_13 = arith.constant 0 : index
    %get3A_14 = arith.constant 0 : index
    %get3A_15 = arith.constant 0 : index
    %get3A_16 = vector.load %arg7[%get3A_13, %get3A_14, %get3A_15] : memref<3x32x1024xf32, #tpu.memory_space<vmem>>, vector<3x32x1024xf32>
    %get3A_17 = arith.constant 0 : index
    %get3A_18 = arith.constant 0 : index
    %get3A_19 = vector.load %arg4[%get3A_17, %get3A_18] : memref<1x1024xf32, #tpu.memory_space<vmem>>, vector<1x1024xf32>
    %dot_general3A_20 = arith.constant dense<0.000000e+00> : vector<3x32x1xf32>
    %dot_general3A_21 = tpu.matmul %get3A_16, %get3A_19, %dot_general3A_20 {dimension_numbers = #tpu.dot_dimension_numbers<[2], [1], [0, 1], [0], [0, 0, 0, 1, 1, 0], [], []>, transpose_lhs_hint = false} : vector<3x32x1024xf32>, vector<1x1024xf32>, vector<3x32x1xf32> -> vector<3x32x1xf32>
    %slice3A = vector.extract_strided_slice %dot_general3A_12 {offsets = [0, 0, 0], sizes = [1, 32, 1], strides = [1, 1, 1]} : vector<3x32x1xf32> to vector<1x32x1xf32>
    %squeeze3A_22 = vector.shape_cast %slice3A : vector<1x32x1xf32> to vector<32x1xf32>
    %get3A_23 = arith.constant 0 : index
    %get3A_24 = arith.constant 0 : index
    %get3A_25 = arith.constant 0 : index
    %get3A_26 = vector.load %arg8[%get3A_23, %get3A_24, %get3A_25] : memref<3x32x1xf32, #tpu.memory_space<vmem>>, vector<1x32x1xf32>
    %get3A_27 = vector.shape_cast %get3A_26 : vector<1x32x1xf32> to vector<32x1xf32>
    %add3A = arith.addf %squeeze3A_22, %get3A_27 : vector<32x1xf32>
    %slice3A_28 = vector.extract_strided_slice %dot_general3A_12 {offsets = [1, 0, 0], sizes = [1, 32, 1], strides = [1, 1, 1]} : vector<3x32x1xf32> to vector<1x32x1xf32>
    %squeeze3A_29 = vector.shape_cast %slice3A_28 : vector<1x32x1xf32> to vector<32x1xf32>
    %get3A_30 = arith.constant 1 : index
    %get3A_31 = arith.constant 0 : index
    %get3A_32 = arith.constant 0 : index
    %get3A_33 = vector.load %arg8[%get3A_30, %get3A_31, %get3A_32] : memref<3x32x1xf32, #tpu.memory_space<vmem>>, vector<1x32x1xf32>
    %get3A_34 = vector.shape_cast %get3A_33 : vector<1x32x1xf32> to vector<32x1xf32>
    %add3A_35 = arith.addf %squeeze3A_29, %get3A_34 : vector<32x1xf32>
    %slice3A_36 = vector.extract_strided_slice %dot_general3A_12 {offsets = [2, 0, 0], sizes = [1, 32, 1], strides = [1, 1, 1]} : vector<3x32x1xf32> to vector<1x32x1xf32>
    %squeeze3A_37 = vector.shape_cast %slice3A_36 : vector<1x32x1xf32> to vector<32x1xf32>
    %get3A_38 = arith.constant 2 : index
    %get3A_39 = arith.constant 0 : index
    %get3A_40 = arith.constant 0 : index
    %get3A_41 = vector.load %arg8[%get3A_38, %get3A_39, %get3A_40] : memref<3x32x1xf32, #tpu.memory_space<vmem>>, vector<1x32x1xf32>
    %get3A_42 = vector.shape_cast %get3A_41 : vector<1x32x1xf32> to vector<32x1xf32>
    %add3A_43 = arith.addf %squeeze3A_37, %get3A_42 : vector<32x1xf32>
    %slice3A_44 = vector.extract_strided_slice %dot_general3A_21 {offsets = [0, 0, 0], sizes = [1, 32, 1], strides = [1, 1, 1]} : vector<3x32x1xf32> to vector<1x32x1xf32>
    %squeeze3A_45 = vector.shape_cast %slice3A_44 : vector<1x32x1xf32> to vector<32x1xf32>
    %get3A_46 = arith.constant 0 : index
    %get3A_47 = arith.constant 0 : index
    %get3A_48 = arith.constant 0 : index
    %get3A_49 = vector.load %arg9[%get3A_46, %get3A_47, %get3A_48] : memref<3x32x1xf32, #tpu.memory_space<vmem>>, vector<1x32x1xf32>
    %get3A_50 = vector.shape_cast %get3A_49 : vector<1x32x1xf32> to vector<32x1xf32>
    %add3A_51 = arith.addf %squeeze3A_45, %get3A_50 : vector<32x1xf32>
    %slice3A_52 = vector.extract_strided_slice %dot_general3A_21 {offsets = [1, 0, 0], sizes = [1, 32, 1], strides = [1, 1, 1]} : vector<3x32x1xf32> to vector<1x32x1xf32>
    %squeeze3A_53 = vector.shape_cast %slice3A_52 : vector<1x32x1xf32> to vector<32x1xf32>
    %get3A_54 = arith.constant 1 : index
    %get3A_55 = arith.constant 0 : index
    %get3A_56 = arith.constant 0 : index
    %get3A_57 = vector.load %arg9[%get3A_54, %get3A_55, %get3A_56] : memref<3x32x1xf32, #tpu.memory_space<vmem>>, vector<1x32x1xf32>
    %get3A_58 = vector.shape_cast %get3A_57 : vector<1x32x1xf32> to vector<32x1xf32>
    %add3A_59 = arith.addf %squeeze3A_53, %get3A_58 : vector<32x1xf32>
    %slice3A_60 = vector.extract_strided_slice %dot_general3A_21 {offsets = [2, 0, 0], sizes = [1, 32, 1], strides = [1, 1, 1]} : vector<3x32x1xf32> to vector<1x32x1xf32>
    %squeeze3A_61 = vector.shape_cast %slice3A_60 : vector<1x32x1xf32> to vector<32x1xf32>
    %get3A_62 = arith.constant 2 : index
    %get3A_63 = arith.constant 0 : index
    %get3A_64 = arith.constant 0 : index
    %get3A_65 = vector.load %arg9[%get3A_62, %get3A_63, %get3A_64] : memref<3x32x1xf32, #tpu.memory_space<vmem>>, vector<1x32x1xf32>
    %get3A_66 = vector.shape_cast %get3A_65 : vector<1x32x1xf32> to vector<32x1xf32>
    %add3A_67 = arith.addf %squeeze3A_61, %get3A_66 : vector<32x1xf32>
    %add3A_68 = arith.addf %add3A, %add3A_51 : vector<32x1xf32>
    %logistic3A = arith.negf %add3A_68 : vector<32x1xf32>
    %logistic3A_69 = math.exp %logistic3A : vector<32x1xf32>
    %logistic3A_70 = arith.constant 1.000000e+00 : f32
    %logistic3A_71 = vector.broadcast %logistic3A_70 : f32 to vector<32x1xf32>
    %logistic3A_72 = arith.addf %logistic3A_71, %logistic3A_69 : vector<32x1xf32>
    %logistic3A_73 = arith.divf %logistic3A_71, %logistic3A_72 : vector<32x1xf32>
    %add3A_74 = arith.addf %add3A_35, %add3A_59 : vector<32x1xf32>
    %logistic3A_75 = arith.negf %add3A_74 : vector<32x1xf32>
    %logistic3A_76 = math.exp %logistic3A_75 : vector<32x1xf32>
    %logistic3A_77 = arith.constant 1.000000e+00 : f32
    %logistic3A_78 = vector.broadcast %logistic3A_77 : f32 to vector<32x1xf32>
    %logistic3A_79 = arith.addf %logistic3A_78, %logistic3A_76 : vector<32x1xf32>
    %logistic3A_80 = arith.divf %logistic3A_78, %logistic3A_79 : vector<32x1xf32>
    %mul3A = arith.mulf %logistic3A_73, %add3A_67 : vector<32x1xf32>
    %add3A_81 = arith.addf %add3A_43, %mul3A : vector<32x1xf32>
    %tanh3A = math.tanh %add3A_81 : vector<32x1xf32>
    %sub3A = arith.constant 1.000000e+00 : f32
    %sub3A_82 = vector.broadcast %sub3A : f32 to vector<32x1xf32>
    %sub3A_83 = arith.subf %sub3A_82, %logistic3A_80 : vector<32x1xf32>
    %mul3A_84 = arith.mulf %sub3A_83, %tanh3A : vector<32x1xf32>
    %get3A_85 = arith.constant 0 : index
    %get3A_86 = arith.constant 0 : index
    %get3A_87 = vector.load %arg5[%get3A_85, %get3A_86] : memref<32x1xf32, #tpu.memory_space<vmem>>, vector<32x1xf32>
    %mul3A_88 = arith.mulf %logistic3A_80, %get3A_87 : vector<32x1xf32>
    %add3A_89 = arith.addf %mul3A_84, %mul3A_88 : vector<32x1xf32>
    %swap3A_90 = arith.constant 0 : index
    %swap3A_91 = arith.constant 0 : index
    %swap3A_92 = vector.load %arg13[%swap3A_90, %swap3A_91] : memref<32x1xf32, #tpu.memory_space<vmem>>, vector<32x1xf32>
    tpu.vector_store %arg13[%swap3A_90, %swap3A_91], %add3A_89 {strides = array<i32>} : memref<32x1xf32, #tpu.memory_space<vmem>>, vector<32x1xf32>,
    %eq3A = arith.constant 0 : i32
    %eq3A_93 = arith.cmpi eq, %arg0, %eq3A : i32
    %convert_element_type3A = arith.extui %eq3A_93 : i1 to i32
    %cond3A = arith.constant 0 : i32
    %cond3A_94 = arith.cmpi ne, %convert_element_type3A, %cond3A : i32
    scf.if %cond3A_94 {
      %get3A_95 = arith.constant 0 : index
      %get3A_96 = arith.constant 0 : index
      %get3A_97 = vector.load %arg10[%get3A_95, %get3A_96] : memref<1x3072xf32, #tpu.memory_space<vmem>>, vector<1x2048xf32>
      %mul3A_98 = arith.mulf %get3A_1, %get3A_97 : vector<1x2048xf32>
      %reduce_sum3A = vector.shape_cast %mul3A_98 : vector<1x2048xf32> to vector<1x1x2048xf32>
      %reduce_sum3A_99 = arith.constant dense<0.000000e+00> : vector<1xf32>
      %reduce_sum3A_100 = vector.multi_reduction <add>, %reduce_sum3A, %reduce_sum3A_99 [1, 2] : vector<1x1x2048xf32> to vector<1xf32>
      %reduce_sum3A_101 = vector.shape_cast %reduce_sum3A_100 : vector<1xf32> to vector<1x1x1xf32>
      %reduce_sum3A_102 = vector.extract %reduce_sum3A_101[0, 0, 0] : f32 from vector<1x1x1xf32>
      %get3A_103 = arith.constant 0 : index
      %get3A_104 = arith.constant 0 : index
      %get3A_105 = memref.load %arg11[%get3A_103, %get3A_104] : memref<1x1xf32, #tpu.memory_space<smem>>
      %add3A_106 = arith.addf %reduce_sum3A_102, %get3A_105 : f32
      %swap3A_107 = arith.constant 0 : index
      %swap3A_108 = arith.constant 0 : index
      %swap3A_109 = memref.load %arg14[%swap3A_107, %swap3A_108] : memref<1x1xf32, #tpu.memory_space<smem>>
      memref.store %add3A_106, %arg14[%swap3A_107, %swap3A_108] : memref<1x1xf32, #tpu.memory_space<smem>>
    } else {
    }
    return
  }
  func.func @transform_0(%arg0: i32, %arg1: memref<1xi32, #tpu.memory_space<smem>>) -> (i32, i32) {
    %c0_i32 = arith.constant 0 : i32
    %c0_i32_0 = arith.constant 0 : i32
    return %arg0, %c0_i32 : i32, i32
  }
  func.func @transform_1(%arg0: i32, %arg1: memref<1xi32, #tpu.memory_space<smem>>) -> (i32, i32) {
    %c0_i32 = arith.constant 0 : i32
    %c0_i32_0 = arith.constant 0 : i32
    %c0_i32_1 = arith.constant 0 : i32
    return %c0_i32, %c0_i32_0 : i32, i32
  }
  func.func @transform_2(%arg0: i32, %arg1: memref<1xi32, #tpu.memory_space<smem>>) -> (i32, i32) {
    %c0_i32 = arith.constant 0 : i32
    %c0_i32_0 = arith.constant 0 : i32
    %c0_i32_1 = arith.constant 0 : i32
    return %c0_i32, %c0_i32_0 : i32, i32
  }
  func.func @transform_3(%arg0: i32, %arg1: memref<1xi32, #tpu.memory_space<smem>>) -> (i32, i32) {
    %c0_i32 = arith.constant 0 : i32
    %c0_i32_0 = arith.constant 0 : i32
    return %arg0, %c0_i32 : i32, i32
  }
  func.func @transform_4(%arg0: i32, %arg1: memref<1xi32, #tpu.memory_space<smem>>) -> (i32, i32, i32) {
    %get3A = arith.constant 0 : index
    %get3A_0 = memref.load %arg1[%get3A] : memref<1xi32, #tpu.memory_space<smem>>
    %c0_i32 = arith.constant 0 : i32
    %c0_i32_1 = arith.constant 0 : i32
    return %c0_i32, %arg0, %get3A_0 : i32, i32, i32
  }
  func.func @transform_5(%arg0: i32, %arg1: memref<1xi32, #tpu.memory_space<smem>>) -> (i32, i32, i32) {
    %c0_i32 = arith.constant 0 : i32
    %c0_i32_0 = arith.constant 0 : i32
    %c0_i32_1 = arith.constant 0 : i32
    return %c0_i32, %arg0, %c0_i32_0 : i32, i32, i32
  }
  func.func @transform_6(%arg0: i32, %arg1: memref<1xi32, #tpu.memory_space<smem>>) -> (i32, i32, i32) {
    %c0_i32 = arith.constant 0 : i32
    %c0_i32_0 = arith.constant 0 : i32
    %c0_i32_1 = arith.constant 0 : i32
    return %c0_i32, %arg0, %c0_i32_0 : i32, i32, i32
  }
  func.func @transform_7(%arg0: i32, %arg1: memref<1xi32, #tpu.memory_space<smem>>) -> (i32, i32, i32) {
    %c0_i32 = arith.constant 0 : i32
    %c0_i32_0 = arith.constant 0 : i32
    %c0_i32_1 = arith.constant 0 : i32
    return %c0_i32, %arg0, %c0_i32_0 : i32, i32, i32
  }
  func.func @transform_8(%arg0: i32, %arg1: memref<1xi32, #tpu.memory_space<smem>>) -> (i32, i32) {
    %c0_i32 = arith.constant 0 : i32
    %c0_i32_0 = arith.constant 0 : i32
    %c0_i32_1 = arith.constant 0 : i32
    return %c0_i32, %c0_i32_0 : i32, i32
  }
  func.func @transform_9(%arg0: i32, %arg1: memref<1xi32, #tpu.memory_space<smem>>) -> (i32, i32) {
    %c0_i32 = arith.constant 0 : i32
    %c0_i32_0 = arith.constant 0 : i32
    %c0_i32_1 = arith.constant 0 : i32
    return %c0_i32, %c0_i32_0 : i32, i32
  }
  func.func @transform_10(%arg0: i32, %arg1: memref<1xi32, #tpu.memory_space<smem>>) -> i32 {
    %c0_i32 = arith.constant 0 : i32
    return %arg0 : i32
  }
  func.func @transform_11(%arg0: i32, %arg1: memref<1xi32, #tpu.memory_space<smem>>) -> (i32, i32) {
    %c0_i32 = arith.constant 0 : i32
    %c0_i32_0 = arith.constant 0 : i32
    return %arg0, %c0_i32 : i32, i32
  }
  func.func @transform_12(%arg0: i32, %arg1: memref<1xi32, #tpu.memory_space<smem>>) -> (i32, i32) {
    %c0_i32 = arith.constant 0 : i32
    %c0_i32_0 = arith.constant 0 : i32
    %c0_i32_1 = arith.constant 0 : i32
    return %c0_i32, %c0_i32_0 : i32, i32
  }
}

</mosaic_0001>

<sc_bundles>
// kernel: kernel.4.cloned.1.call-start
scs
__scs_entry_jumppad:
0x0: {  	(pc) =	sbr.rel $0x88, $3  }
0x1: {  	(tag) =	ssettag $0x0;
	lr =	simm.s32 $0x1  }
0x2: {  	[smem:$0x3F97] =	sst lr;
	_ =	strace $0xD0000000  }
0x3: {  	_ = 	snop  }
0x4: {  	_ = 	snop  }
0x5: {  	_ = 	snop  }
0x6: {  	_ = 	snop  }
0x7: {  	_ = 	snop  }
__scs_overlays_trampoline_lowered:
0x8: {  	[smem:$0x3FA6] =	sst s0  }
0x9: {  	[smem:$0x3FA7] =	sst s1  }
0xa: {  	[smem:$0x3FA8] =	sst s2  }
0xb: {  	[smem:$0x3FA9] =	sst s3  }
0xc: {  	[smem:$0x3FAA] =	sst s4  }
0xd: {  	[smem:$0x3FAB] =	sst s5  }
0xe: {  	[smem:$0x3FAC] =	sst s6  }
0xf: {  	[smem:$0x3FAD] =	sst s7  }
0x10: {  	[smem:$0x3FAE] =	sst s8  }
0x11: {  	[smem:$0x3FAF] =	sst s9;
	s0 =	simm.s32 @!p0 $0x0  }
0x12: {  	s1 =	sld [smem:$0x3F95];
	s0 =	simm.s32 @p0 $0x1  }
0x13: {  	[smem:$0x3FB0] =	sst s0;
	s0 =	simm.s32 @!p1 $0x0  }
0x14: {  	s2 =	sld [smem:$0x3F94];
	s0 =	simm.s32 @p1 $0x1  }
0x15: {  	[smem:$0x3FB1] =	sst s0;
	s0 =	simm.s32 @!p2 $0x0  }
0x16: {  	s3 =	sld [smem:$0x3FDB];
	s0 =	simm.s32 @p2 $0x1  }
0x17: {  	s4 =	simm.s32 $0x1BF5;
	[smem:$0x3FB3] =	sst s0  }
0x18: {  	s0 =	sld [smem:$0x3F96];
	_ =	swait.ge [sflag:s4], $0x0  }
0x19: {  	s7 =	sld [smem:$0x3F97]  }
0x1a: {  	s8 =	sadd.s32 $0xFFFFE003, lr  }
0x1b: {  	s9 =	sadd.s32 $0xFFFFFEF7, lr;
	s5 =	simm.s32 $0xFFFFFFFF;
	p2 =	slt.u32 s8, $0xFFFFF086  }
0x1c: {  	p1 =	slt.u32 s9, $0xF7A;
	s5 =	simm.s32 @!p2 $0x0  }
0x1d: {  	s5 =	simm.s32 @p1 $0x1;
	p0 =	seq.s32 s7, s2  }
0x1e: {  	s7 =	smul.u32 @!p0 $0xF7A, s2;
	p2 =	seq.s32 @!p0 s5, $0x0  }
0x1f: {  	s9 =	smul.u32 $0xF7A, s1;
	s8 =	simm.s32 @!p0 $0x1BF5;
	p2 =	por !p2, p0  }
0x20: {  	[sflag:s8] =	ssyncset.s32 @!p0 $0xFFFFF086;
	s6 =	sadd.s32 @!p0 s3, s7;
	s7 =	simm.s32 @!p0 $0x108  }
0x21: {  	s3 =	sadd.s32 s3, s9;
	s6 =	sadd.s32 @!p0 $0x88, s6;
	s7 =	simm.s32 @p2 $0x1082  }
0x22: {  	[simem:s7], [sflag:s8] =	dma.local @!p0 [hbm:s6], $0xF7A  }
0x23: {  	s9 =	sor.u32 $0xD0000000, s2;
	s6 =	simm.s32 $0x108;
	_ =	swait.ge @!p0 [sflag:s8], $0x0  }
0x24: {  	s3 =	sadd.s32 $0x88, s3;
	s6 =	simm.s32 @!p1 $0x1082;
	[sflag:s4] =	ssyncset.s32 $0xFFFFF086  }
0x25: {  	[simem:s6], [sflag:s4] =	dma.local [hbm:s3], $0xF7A  }
0x26: {  	[smem:$0x3F97] =	sst s1;
	(tag) =	ssettag s2;
	_ =	strace s9  }
0x27: {  	s1 =	sld [smem:$0x3FA7]  }
0x28: {  	s2 =	sld [smem:$0x3FA8]  }
0x29: {  	s4 =	sld [smem:$0x3FAA]  }
0x2a: {  	p0 =	seq.s32 s5, $0x0;
	s5 =	sld [smem:$0x3FAB]  }
0x2b: {  	s6 =	sld [smem:$0x3FAC]  }
0x2c: {  	s7 =	sld [smem:$0x3FAD]  }
0x2d: {  	s3 =	simm.s32 $0x108;
	s8 =	sld [smem:$0x3FAE]  }
0x2e: {  	s3 =	simm.s32 @!p0 $0x1082;
	s9 =	sld [smem:$0x3FAF]  }
0x2f: {  	lr =	sadd.s32 s0, s3;
	s0 =	sld [smem:$0x3FA6]  }
0x30: {  	s3 =	sld [smem:$0x3FA9]  }
0x31: {  	[smem:$0x3FB2] =	sst s10  }
0x32: {  	s10 =	sld [smem:$0x3FB0];
	_ =	sdelay $0x3  }
0x33: {  	p0 =	seq.s32 s10, $0x1;
	s10 =	sld [smem:$0x3FB2];
	_ =	sdelay $0x3  }
0x34: {  	[smem:$0x3FB2] =	sst s10  }
0x35: {  	s10 =	sld [smem:$0x3FB1];
	_ =	sdelay $0x3  }
0x36: {  	p1 =	seq.s32 s10, $0x1;
	s10 =	sld [smem:$0x3FB2];
	_ =	sdelay $0x3  }
0x37: {  	[smem:$0x3FB2] =	sst s10  }
0x38: {  	s10 =	sld [smem:$0x3FB3]  }
0x39: {  	_ = 	snop;
	(pc) =	sbr.ind lr, $3  }
0x3a: {  	_ = 	snop  }
0x3b: {  	_ = 	snop  }
0x3c: {  	p2 =	seq.s32 s10, $0x1;
	s10 =	sld [smem:$0x3FB2]  }
0x3d: {  	_ =	shalt  }
0x3e: {  	_ =	shalt  }
0x3f: {  	_ =	shalt  }
0x40: {  	_ =	shalt  }
0x41: {  	_ =	shalt  }
0x42: {  	_ =	shalt  }
0x43: {  	_ =	shalt  }
0x44: {  	_ =	shalt  }
0x45: {  	_ =	shalt  }
0x46: {  	_ =	shalt  }
0x47: {  	_ =	shalt  }
0x48: {  	_ =	shalt  }
0x49: {  	_ =	shalt  }
0x4a: {  	_ =	shalt  }
0x4b: {  	_ =	shalt  }
0x4c: {  	_ =	shalt  }
0x4d: {  	_ =	shalt  }
0x4e: {  	_ =	shalt  }
0x4f: {  	_ =	shalt  }
0x50: {  	_ =	shalt  }
0x51: {  	_ =	shalt  }
0x52: {  	_ =	shalt  }
0x53: {  	_ =	shalt  }
0x54: {  	_ =	shalt  }
0x55: {  	_ =	shalt  }
0x56: {  	_ =	shalt  }
0x57: {  	_ =	shalt  }
0x58: {  	_ =	shalt  }
0x59: {  	_ =	shalt  }
0x5a: {  	_ =	shalt  }
0x5b: {  	_ =	shalt  }
0x5c: {  	_ =	shalt  }
0x5d: {  	_ =	shalt  }
0x5e: {  	_ =	shalt  }
0x5f: {  	_ =	shalt  }
0x60: {  	_ =	shalt  }
0x61: {  	_ =	shalt  }
0x62: {  	_ =	shalt  }
0x63: {  	_ =	shalt  }
0x64: {  	_ =	shalt  }
0x65: {  	_ =	shalt  }
0x66: {  	_ =	shalt  }
0x67: {  	_ =	shalt  }
0x68: {  	_ =	shalt  }
0x69: {  	_ =	shalt  }
0x6a: {  	_ =	shalt  }
0x6b: {  	_ =	shalt  }
0x6c: {  	_ =	shalt  }
0x6d: {  	_ =	shalt  }
0x6e: {  	_ =	shalt  }
0x6f: {  	_ =	shalt  }
0x70: {  	_ =	shalt  }
0x71: {  	_ =	shalt  }
0x72: {  	_ =	shalt  }
0x73: {  	_ =	shalt  }
0x74: {  	_ =	shalt  }
0x75: {  	_ =	shalt  }
0x76: {  	_ =	shalt  }
0x77: {  	_ =	shalt  }
0x78: {  	_ =	shalt  }
0x79: {  	_ =	shalt  }
0x7a: {  	_ =	shalt  }
0x7b: {  	_ =	shalt  }
0x7c: {  	_ =	shalt  }
0x7d: {  	_ =	shalt  }
0x7e: {  	_ =	shalt  }
0x7f: {  	_ =	shalt  }
0x80: {  	_ =	shalt  }
0x81: {  	_ =	shalt  }
0x82: {  	_ =	shalt  }
0x83: {  	_ =	shalt  }
0x84: {  	_ =	shalt  }
0x85: {  	_ =	shalt  }
0x86: {  	_ =	shalt  }
0x87: {  	_ =	shalt  }
.Lfunc_end0:
.L_simem_size_0:
called_computation_lowered:
.L_overlay_start_0:
0x88: {  	s0 =	sld [smem:$0x3FD9]  }
0x89: {  	s1 =	sld [smem:$0x3FFE];
	_ =	sdelay $0x3  }
0x8a: {  	s0 =	sadd.s32 s1, s0  }
0x8b: {  	[smem:$0x3FBE] =	sst s0  }
0x8c: {  	_ = 	snop  }
0x8d: {  	s0 =	sld [smem:$0x3FD0];
	_ =	sdelay $0x2  }
0x8e: {  	s2 =	simm.s32 $0xA;
	s3 =	simm.s32 $0x10;
	s13 =	sld [smem:$0x3FC6]  }
0x8f: {  	[smem:s3], [sflag:s2] =	dma.local [hbm:s0], $0x1  }
0x90: {  	_ =	swait.eq [sflag:s2], $0x1  }
0x91: {  	[sflag:s2] =	ssyncset.done $0x0  }
0x92: {  	[sflag:s2] =	ssyncadd.s32 $0xFFFFFFFF  }
0x93: {  	s14 =	sld [smem:$0x10];
	(tm) =	ssettm $0x1  }
0x94: {  	s15 =	sld [smem:$0x3FFB];
	_ =	sdelay $0x3  }
0x95: {  	_ =	strace s15  }
0x96: {  	s2 =	sld [smem:$0x3FFC];
	_ =	sdelay $0x3  }
0x97: {  	_ =	strace s2  }
0x98: {  	s2 =	sld [smem:$0x3FFD];
	_ =	sdelay $0x3  }
0x99: {  	_ =	strace s2  }
0x9a: {  	_ =	strace $0x8FFFFFFF  }
0x9b: {  	s16 =	sld [smem:$0x3FDB];
	_ =	sdelay $0x1  }
0x9c: {  	s17 =	simm.s32 $_scs_section_size  }
0x9d: {  	s4 =	simm.s32 $_size__tile_overlayer_lowered;
	s5 =	simm.s32 $_tile_overlayer_lowered  }
0x9e: {  	s20 =	simm.s32 $0x1BFF;
	s19 =	sshll.u32 s5, $0x1;
	s2 =	sadd.s32 s17, s16  }
0x9f: {  	s6 =	simm.s32 $0x0;
	s18 =	sshll.u32 s4, $0x1;
	s4 =	sadd.s32 s19, s2  }
0xa0: {  	[timem:s6], [sflag:s20] =	dma.local [hbm:s4], s18  }
0xa1: {  	_ =	swait.ge [sflag:s20], s18  }
0xa2: {  	s3 =	ssub.s32 $0x0, s18;
	[sflag:s20] =	ssyncset.done $0x0  }
0xa3: {  	[sflag:s20] =	ssyncadd.s32 s3;
	_ =	sdelay $0x1  }
0xa4: {  	s21 =	simm.s32 $0x1B8B  }
0xa5: {  	_ =	swait.ge [sflag:s21], $0x1  }
0xa6: {  	[sflag:s21] =	ssyncset.done $0x0  }
0xa7: {  	s23 =	simm.s32 $0x1B8E;
	s22 =	sld [smem:$0x3FFE];
	[sflag:s21] =	ssyncadd.s32 $0xFFFFFFFF  }
0xa8: {  	s24 =	simm.s32 $execute0_lowered;
	[smem:$0x3FD2] =	sst s23  }
0xa9: {  	s4 =	sshll.u32 s24, $0x1;
	_ =	strace $0x80000046;
	[dreg:$0x1] =	wrdreg $0xFFFFFFFF  }
0xaa: {  	s25 =	simm.s32 $_size_execute0_lowered;
	s2 =	sadd.s32 s2, s4;
	[dreg:$0x0] =	wrdreg $0x0  }
0xab: {  	s4 =	sshll.u32 s25, $0x1;
	[dreg:$0x2] =	wrdreg s2  }
0xac: {  	[dreg:$0x3] =	wrdreg s4  }
0xad: {  	[dreg:$0x4] =	wrdreg $0xC0  }
0xae: {  	_ =	task [dreg:s6], $0x5FFFF  }
0xaf: {  	[dreg:$0x1] =	wrdreg $0xFFFFFFFF  }
0xb0: {  	[dreg:$0x0] =	wrdreg $0x60  }
0xb1: {  	[dreg:$0x2] =	wrdreg s22  }
0xb2: {  	[dreg:$0x3] =	wrdreg s13  }
0xb3: {  	[dreg:$0x4] =	wrdreg s14  }
0xb4: {  	[dreg:$0x5] =	wrdreg $0x1C800  }
0xb5: {  	[dreg:$0x6] =	wrdreg $0x1CA00  }
0xb6: {  	[dreg:$0x7] =	wrdreg $0x1CC00  }
0xb7: {  	[dreg:$0x8] =	wrdreg $0x1CC80  }
0xb8: {  	[dreg:$0x9] =	wrdreg $0x1CD00  }
0xb9: {  	[dreg:$0xa] =	wrdreg $0x9  }
0xba: {  	_ =	task.clear_ibuf [dreg:s6], $0xBFFFF;
	_ =	strace $0x90000046  }
0xbb: {  	s26 =	simm.s32 $0x9;
	_ =	strace $0x80000048  }
0xbc: {  	_ =	swait.ge [sflag:s26], $0x1  }
0xbd: {  	[sflag:s26] =	ssyncadd.s32 $0xFFFFFFFF  }
0xbe: {  	_ =	strace $0x90000048  }
0xbf: {  	_ =	sfence  }
0xc0: {  	s28 =	sld [smem:$0x0];
	_ =	sdelay $0x1  }
0xc1: {  	s29 =	srdreg.scid  }
0xc2: {  	s30 =	sshll.u32 s29, $0xD;
	s31 =	sshrl.u32 s29, $0x2  }
0xc3: {  	s1 =	sand.u32 $0x1, s29;
	s2 =	sand.u32 $0x4000, s30;
	s0 =	sadd.s32 s31, s28  }
0xc4: {  	s1 =	sor.u32 s2, s1;
	s0 =	sshll.u32 s0, $0x11  }
0xc5: {  	s0 =	sor.u32 s0, s1  }
0xc6: {  	s0 =	sadd.s32 $0x8F2B, s0  }
0xc7: {  	[sflag:s0] =	ssyncadd.remote.s32 $0x1  }
0xc8: {  	_ =	sfence.sel $0xFFFF  }
0xc9: {  	[dreg:$0x0] =	wrdreg $0xFFFFFFFF;
	(pc) =	sbr.abs _section_cstart, $3  }
0xca: {  	[dreg:$0x1] =	wrdreg $0xFFFFFFFF  }
0xcb: {  	_ =	task.clear_ibuf [dreg:s6], $0x2FFFF;
	_ =	strace $0x9FFFFFFF  }
0xcc: {  	(tm) =	ssettm $0x7FFFFFFF  }
0xcd: {  	_ =	shalt  }
tec
execute0_lowered:
.L_overlay_start_1:
0x0: {  	(tag) =	ssettag $0x1  }
0x1: {  	s3 =	rddreg [dreg:$0x0]  }
0x2: {  	s6 =	rddreg [dreg:$0x1]  }
0x3: {  	s1 =	rddreg [dreg:$0x2]  }
0x4: {  	s10 =	rddreg [dreg:$0x3]  }
0x5: {  	s9 =	rddreg [dreg:$0x4]  }
0x6: {  	s8 =	rddreg [dreg:$0x5]  }
0x7: {  	s7 =	rddreg [dreg:$0x6]  }
0x8: {  	s2 =	rddreg [dreg:$0x7];
	s5 =	stileid.u32  }
0x9: {  	s0 =	rddreg [dreg:$0x8];
	s4 =	simm.s32 $0x0;
	s11 =	sshll.u32 s5, $0x8  }
0xa: {  	[smem:$0x7FF] =	sst s4;
	s11 =	sadd.s32 s11, s3  }
0xb: {  	s26 =	simm.s32 $0x2;
	_ =	strace $0x80000047;
	s11 =	sadd.s32 $0xE00, s11  }
0xc: {  	[tilespmem:s4], [sflag:$0x2] =	stream.linear.gather [hbm4b:s11+s4], $0x800, $0x38;
	[tilespmem:$0x1CE0] =	vst v63  }
0xd: {  	_ =	swait.ge [sflag:s26], $0x800  }
0xe: {  	[sflag:s26] =	ssyncset.done $0x0  }
0xf: {  	s13 =	simm.s32 $0x1680;
	s12 =	sadd.s32 $0xC00, s3;
	[sflag:s26] =	ssyncadd.s32 $0xFFFFF800  }
0x10: {  	[tilespmem:s13], [sflag:$0x2] =	stream.linear.gather [hbm4b:s12+s4], $0x400, $0x38;
	[tilespmem:$0x1CE0] =	vst v63  }
0x11: {  	_ =	swait.ge [sflag:s26], $0x400  }
0x12: {  	[sflag:s26] =	ssyncset.done $0x0  }
0x13: {  	s28 =	simm.s32 $0x0;
	[sflag:s26] =	ssyncadd.s32 $0xFFFFFC00  }
0x14: {  	v0 =	vld [tilespmem:s28+$0x0]  }
0x15: {  	s29 =	sshll.u32 s5, $0xB  }
0x16: {  	s4 =	sor.u32 $0x10, s29  }
0x17: {  	v1 =	vlaneseq.u32;
	s30 =	sadd.s32 $0xFFFFFFF0, s4  }
0x18: {  	v2 =	vor.u32 s30, v1  }
0x19: {  	(xrf1) =	vsort.ascd.msk.f32 $0xffff, v0, v2;
	_ =	sdelay $0x8  }
0x1a: {  	v4 =	vld [tilespmem:s28+$0x10];
	_ =	sdelay $0x3  }
0x1b: {  	v9 =	vor.u32 s4, v1  }
0x1c: {  	v7, v8, _ =	vpop (xrf1);
	(xrf1) =	vsort.ascd.msk.f32 $0xffff, v4, v9;
	_ =	sdelay $0x3  }
0x1d: {  	v0 =	vmul.u32 $0xFFFFFFFF, v1;
	_ =	sdelay $0x1  }
0x1e: {  	v3 =	vimm.f32 $-Inf;
	v0 =	vadd.s32 $0xF, v0  }
0x1f: {  	v2 =	vimm.s32 $0x0;
	v5 =	vperm.xlane v3, v0  }
0x20: {  	v6 =	vperm.xlane v2, v0  }
0x21: {  	vm0 =	vge.f32 v7, v5  }
0x22: {  	v4 =	vsel vm0, v7, v5;
	v7 =	vsel vm0, v8, v6;
	_ =	sdelay $0x1  }
0x23: {  	(xrf1) =	vsort.ascd.msk.f32 $0xffff, v4, v7;
	_ =	sdelay $0x1  }
0x24: {  	v4, v7, _ =	vpop (xrf1)  }
0x25: {  	vm15 =	vge.f32 v4, v5  }
0x26: {  	v4 =	vsel vm15, v4, v5;
	v5 =	vsel vm15, v7, v6  }
0x27: {  	(xrf1) =	vsort.ascd.msk.f32 $0xffff, v4, v5;
	_ =	sdelay $0x7  }
0x28: {  	s31 =	simm.s32 $0x20  }
0x29: {  	v7 =	vld [tilespmem:s31+$0x0];
	v8, v9, _ =	vpop (xrf1);
	v5 =	vimm.f32 $-Inf  }
0x2a: {  	s3 =	sadd.s32 $0x1E00, s3;
	s11 =	simm.s32 $0x100;
	v6 =	vld [tilespmem:s31+$0x10];
	v4 =	vimm.s32 $0x0;
	v8 =	vperm.xlane v8, v0;
	v9 =	vperm.xlane v9, v0  }
.LBB2_1:
0x2b: {  	p0 =	sne.s32 s11, $0x1F80  }
0x2c: {  	vm0 =	vge.f32 v3, v8;
	s4 =	sadd.s32 $0x20, s4;
	s12 =	smov.u32 s11;
	s11 =	sadd.s32 $0x80, s11  }
0x2d: {  	v10 =	vsel vm0, v3, v8;
	v12 =	vsel vm0, v8, v3;
	v11 =	vsel vm0, v9, v2  }
0x2e: {  	v2 =	vsel vm0, v2, v9;
	(xrf1) =	vsort.ascd.msk.f32 $0xffff, v12, v11;
	v3, v8, _ =	vpop (xrf1)  }
0x2f: {  	s13 =	sadd.s32 $0xFFFFFFF0, s4;
	v3 =	vperm.xlane v3, v0;
	(xrf1) =	vsort.ascd.msk.f32 $0xffff, v10, v2  }
0x30: {  	v2 =	vor.u32 s13, v1;
	v8 =	vperm.xlane v8, v0  }
0x31: {  	(xrf1) =	vsort.ascd.msk.f32 $0xffff, v7, v2;
	vm0 =	vge.f32 v5, v3  }
0x32: {  	v2 =	vsel vm0, v5, v3;
	v7 =	vsel vm0, v4, v8;
	v3 =	vsel vm0, v3, v5  }
0x33: {  	v4 =	vsel vm0, v8, v4;
	(xrf1) =	vsort.ascd.msk.f32 $0xffff, v2, v7  }
0x34: {  	(xrf1) =	vsort.ascd.msk.f32 $0xffff, v3, v4  }
0x35: {  	v2 =	vor.u32 s4, v1  }
0x36: {  	(xrf1) =	vsort.ascd.msk.f32 $0xffff, v6, v2;
	_ =	sdelay $0x5  }
0x37: {  	v4, v5, _ =	vpop (xrf1)  }
0x38: {  	v3, v2, _ =	vpop (xrf1)  }
0x39: {  	v9 =	vperm.xlane v4, v0  }
0x3a: {  	v6, v7, _ =	vpop (xrf1)  }
0x3b: {  	v8 =	vperm.xlane v5, v0;
	vm0 =	vge.f32 v6, v9  }
0x3c: {  	v9 =	vsel vm0, v6, v9  }
0x3d: {  	v8 =	vsel vm0, v7, v8;
	v5, v4, _ =	vpop (xrf1)  }
0x3e: {  	(xrf1) =	vsort.ascd.msk.f32 $0xffff, v9, v8;
	v6, v7, _ =	vpop (xrf1)  }
0x3f: {  	v6 =	vperm.xlane v6, v0  }
0x40: {  	v7 =	vperm.xlane v7, v0;
	v8, v9, _ =	vpop (xrf1)  }
0x41: {  	vm0 =	vge.f32 v8, v6  }
0x42: {  	v6 =	vsel vm0, v8, v6;
	v7 =	vsel vm0, v9, v7  }
0x43: {  	(xrf1) =	vsort.ascd.msk.f32 $0xffff, v6, v7;
	_ =	sdelay $0x6  }
.Ltmp0:
0x44: {  	(pc) =	sbr.rel @p0 .LBB2_1-.Ltmp0, $4  }
0x45: {  	_ = 	snop  }
0x46: {  	s12 =	sshra.s32 s12, $0x2;
	v6, v9, _ =	vpop (xrf1)  }
0x47: {  	v7 =	vld [tilespmem:s12+$0x0];
	v8 =	vperm.xlane v6, v0  }
0x48: {  	v9 =	vperm.xlane v9, v0;
	v6 =	vld [tilespmem:s12+$0x10]  }
0x49: {  	_ = 	snop  }
0x4a: {  	vm0 =	vge.f32 v3, v8  }
0x4b: {  	s4 =	sadd.s32 $0x20, s4;
	v10 =	vsel vm0, v3, v8;
	v3 =	vsel vm0, v8, v3;
	v55 =	vsel vm0, v9, v2;
	v11, v12, _ =	vpop (xrf1)  }
0x4c: {  	v2 =	vsel vm0, v2, v9;
	s11 =	sadd.s32 $0xFFFFFFF0, s4;
	(xrf1) =	vsort.ascd.msk.f32 $0xffff, v3, v55;
	v11 =	vperm.xlane v11, v0  }
0x4d: {  	v3 =	vperm.xlane v12, v0;
	(xrf1) =	vsort.ascd.msk.f32 $0xffff, v10, v2;
	v2 =	vor.u32 s11, v1  }
0x4e: {  	(xrf1) =	vsort.ascd.msk.f32 $0xffff, v7, v2;
	vm6 =	vge.f32 v5, v11  }
0x4f: {  	v2 =	vsel vm6, v5, v11;
	v7 =	vsel vm6, v4, v3  }
0x50: {  	v5 =	vsel vm6, v11, v5;
	v3 =	vsel vm6, v3, v4;
	(xrf1) =	vsort.ascd.msk.f32 $0xffff, v2, v7  }
0x51: {  	(xrf1) =	vsort.ascd.msk.f32 $0xffff, v5, v3  }
0x52: {  	v1 =	vor.u32 s4, v1  }
0x53: {  	(xrf1) =	vsort.ascd.msk.f32 $0xffff, v6, v1;
	_ =	sdelay $0x6  }
0x54: {  	v1, v2, _ =	vpop (xrf1)  }
0x55: {  	v3, v4, _ =	vpop (xrf1);
	v1 =	vperm.xlane v1, v0  }
0x56: {  	v2 =	vperm.xlane v2, v0;
	v5, v6, _ =	vpop (xrf1)  }
0x57: {  	vm7 =	vge.f32 v5, v1  }
0x58: {  	v2 =	vsel vm7, v6, v2;
	v7, v56, _ =	vpop (xrf1)  }
0x59: {  	v57, v58, _ =	vpop (xrf1)  }
0x5a: {  	v1 =	vsel vm7, v5, v1;
	v5 =	vperm.xlane v57, v0  }
0x5b: {  	(xrf1) =	vsort.ascd.msk.f32 $0xffff, v1, v2;
	v1 =	vperm.xlane v58, v0;
	v2, v6, _ =	vpop (xrf1)  }
0x5c: {  	vm8 =	vge.f32 v2, v5  }
0x5d: {  	v2 =	vsel vm8, v2, v5;
	v1 =	vsel vm8, v6, v1  }
0x5e: {  	(xrf1) =	vsort.ascd.msk.f32 $0xffff, v2, v1;
	_ =	sdelay $0xa  }
0x5f: {  	v1, v2, _ =	vpop (xrf1)  }
0x60: {  	v1 =	vperm.xlane v1, v0;
	_ =	sdelay $0x1  }
0x61: {  	v2 =	vperm.xlane v2, v0;
	vm9 =	vge.f32 v3, v1;
	v5, v6, _ =	vpop (xrf1)  }
0x62: {  	v59 =	vsel vm9, v3, v1;
	v5 =	vperm.xlane v5, v0  }
0x63: {  	v1 =	vsel vm9, v1, v3;
	v3 =	vsel vm9, v2, v4;
	v0 =	vperm.xlane v6, v0  }
0x64: {  	v2 =	vsel vm9, v4, v2;
	(xrf1) =	vsort.ascd.msk.f32 $0xffff, v1, v3;
	vm10 =	vge.f32 v7, v5  }
0x65: {  	(xrf1) =	vsort.ascd.msk.f32 $0xffff, v59, v2;
	v1 =	vsel vm10, v7, v5;
	v2 =	vsel vm10, v56, v0  }
0x66: {  	v3 =	vsel vm10, v5, v7;
	v0 =	vsel vm10, v0, v56;
	(xrf1) =	vsort.ascd.msk.f32 $0xffff, v1, v2  }
0x67: {  	(xrf1) =	vsort.ascd.msk.f32 $0xffff, v3, v0;
	_ =	sdelay $0x7  }
0x68: {  	v2 =	vlaneseq.u32  }
0x69: {  	v0 =	vmul.u32 $0xFFFFFFFF, v2;
	_ =	sdelay $0x1  }
0x6a: {  	v1, v3, _ =	vpop (xrf1)  }
0x6b: {  	v4 =	vadd.s32 $0xF, v0;
	v5, v6, _ =	vpop (xrf1)  }
0x6c: {  	v1 =	vperm.xlane v1, v4;
	v0, v7, _ =	vpop (xrf1)  }
0x6d: {  	v3 =	vperm.xlane v3, v4;
	v61, v60, _ =	vpop (xrf1)  }
0x6e: {  	vm11 =	vge.f32 v61, v1  }
0x6f: {  	v1 =	vsel vm11, v61, v1;
	v3 =	vsel vm11, v60, v3  }
0x70: {  	(xrf1) =	vsort.ascd.msk.f32 $0xffff, v1, v3;
	_ =	sdelay $0xd  }
0x71: {  	v1, v3, _ =	vpop (xrf1)  }
0x72: {  	v1 =	vperm.xlane v1, v4  }
0x73: {  	v3 =	vperm.xlane v3, v4  }
0x74: {  	vm12 =	vge.f32 v5, v1  }
0x75: {  	v62 =	vsel vm12, v1, v5;
	v63 =	vsel vm12, v3, v6  }
0x76: {  	(xrf1) =	vsort.ascd.msk.f32 $0xffff, v62, v63;
	_ =	sdelay $0xd  }
0x77: {  	v8, v9, _ =	vpop (xrf1)  }
0x78: {  	v8 =	vperm.xlane v8, v4  }
0x79: {  	v9 =	vperm.xlane v9, v4  }
0x7a: {  	v1 =	vsel vm12, v5, v1;
	v3 =	vsel vm12, v6, v3;
	vm13 =	vge.f32 v0, v8  }
0x7b: {  	(xrf1) =	vsort.ascd.msk.f32 $0xffff, v1, v3;
	v0 =	vsel vm13, v0, v8;
	v1 =	vsel vm13, v7, v9  }
0x7c: {  	(xrf1) =	vsort.ascd.msk.f32 $0xffff, v0, v1;
	_ =	sdelay $0xc  }
0x7d: {  	v0, v1, _ =	vpop (xrf1)  }
0x7e: {  	v3, v5, _ =	vpop (xrf1)  }
0x7f: {  	v3 =	vperm.xlane v3, v4  }
0x80: {  	v5 =	vperm.xlane v5, v4  }
0x81: {  	vm14 =	vge.f32 v0, v3  }
0x82: {  	v6 =	vsel vm14, v3, v0;
	v7 =	vsel vm14, v5, v1  }
0x83: {  	(xrf1) =	vsort.ascd.msk.f32 $0xffff, v6, v7  }
0x84: {  	v0 =	vsel vm14, v0, v3;
	v1 =	vsel vm14, v1, v5  }
0x85: {  	(xrf1) =	vsort.ascd.msk.f32 $0xffff, v0, v1;
	_ =	sdelay $0xb  }
0x86: {  	v0, v1, _ =	vpop (xrf1)  }
0x87: {  	[tilespmem:$0xC00] =	vst v0  }
0x88: {  	v3, v5, _ =	vpop (xrf1);
	[tilespmem:$0xC80] =	vst v1  }
0x89: {  	s25 =	sshll.u32 s5, $0x5;
	[tilespmem:$0xC10] =	vst v3  }
0x8a: {  	s12 =	simm.s32 $0xC00;
	s26 =	sadd.s32 s25, s10;
	s4 =	simm.s32 $0x2;
	[tilespmem:$0xC90] =	vst v5  }
0x8b: {  	[spmem:s26] =	stream.linear.scatter [tilespmem:s12], [sflag:$0x2], $0x20, $0x38;
	[tilespmem:$0x1CE0] =	vst v63  }
0x8c: {  	_ =	swait.ge [sflag:s4], $0x20  }
0x8d: {  	s28 =	simm.s32 $0xC80;
	[sflag:s4] =	ssyncset.done $0x0  }
0x8e: {  	p0 =	sne.s32 s5, $0x0;
	s11 =	sadd.s32 s25, s9;
	[sflag:s4] =	ssyncadd.s32 $0xFFFFFFE0  }
0x8f: {  	[spmem:s11] =	stream.linear.scatter [tilespmem:s28], [sflag:$0x2], $0x20, $0x38;
	[tilespmem:$0x1CE0] =	vst v63  }
.Ltmp1:
0x90: {  	_ =	swait.ge [sflag:s4], $0x20;
	(pc) =	sbr.rel @p0 .LBB2_6-.Ltmp1, $4  }
0x91: {  	[sflag:s4] =	ssyncset.done $0x0  }
0x92: {  	s29 =	sshll.u32 s5, $0x1;
	[sflag:s4] =	ssyncadd.s32 $0xFFFFFFE0  }
0x93: {  	vm15 =	vmmov $0x3;
	s30 =	sshllo.u32 s5, $0x1;
	s31 =	sshll.u32 s5, $0x4;
	v0 =	vor.u32 s29, v2;
	[bflag:$0x0] =	sbarrier.arrive $0xFFFF  }
0x94: {  	s5 =	sadd.s32 s31, s2;
	v1 =	vmov s29;
	v3 =	vnsel vm15, $0x0, v0;
	v0 =	vmov s30  }
0x95: {  	s11 =	simm.s32 $0x800  }
0x96: {  	[tilespmem:s11], [sflag:$0x2] =	stream.linear.gather [spmem:s10], $0x200, $0x38;
	[tilespmem:$0x1CE0] =	vst v63  }
0x97: {  	_ =	swait.ge [sflag:s4], $0x200  }
0x98: {  	[sflag:s4] =	ssyncset.done $0x0  }
0x99: {  	s30 =	simm.s32 $0xA00;
	[sflag:s4] =	ssyncadd.s32 $0xFFFFFE00  }
0x9a: {  	[tilespmem:s30], [sflag:$0x2] =	stream.linear.gather [spmem:s9], $0x200, $0x38;
	[tilespmem:$0x1CE0] =	vst v63  }
0x9b: {  	_ =	swait.ge [sflag:s4], $0x200  }
0x9c: {  	[sflag:s4] =	ssyncset.done $0x0  }
0x9d: {  	s31 =	simm.s32 $0x0;
	[sflag:s4] =	ssyncadd.s32 $0xFFFFFE00  }
0x9e: {  	v5 =	vld [tilespmem:s31+$0xA10]  }
0x9f: {  	v6 =	vld [tilespmem:s31+$0x810];
	_ =	sdelay $0x4  }
0xa0: {  	(xrf1) =	vsort.ascd.msk.f32 $0xffff, v6, v5;
	_ =	sdelay $0x7  }
0xa1: {  	v7 =	vld [tilespmem:s31+$0x800]  }
0xa2: {  	v8 =	vld [tilespmem:s31+$0xA00];
	_ =	sdelay $0x4  }
0xa3: {  	v10, v11, _ =	vpop (xrf1);
	(xrf1) =	vsort.ascd.msk.f32 $0xffff, v7, v8;
	_ =	sdelay $0x5  }
0xa4: {  	v6 =	vimm.f32 $-Inf  }
0xa5: {  	v5 =	vimm.s32 $0x0;
	v9 =	vperm.xlane v6, v4  }
0xa6: {  	v12 =	vperm.xlane v5, v4  }
0xa7: {  	vm0 =	vge.f32 v10, v9  }
0xa8: {  	v8 =	vsel vm0, v11, v12  }
0xa9: {  	v7 =	vsel vm0, v10, v9;
	_ =	sdelay $0x2  }
0xaa: {  	(xrf1) =	vsort.ascd.msk.f32 $0xffff, v7, v8;
	v7, v8, _ =	vpop (xrf1)  }
0xab: {  	vm15 =	vge.f32 v7, v9  }
0xac: {  	v7 =	vsel vm15, v7, v9;
	v8 =	vsel vm15, v8, v12  }
0xad: {  	(xrf1) =	vsort.ascd.msk.f32 $0xffff, v7, v8;
	_ =	sdelay $0x9  }
0xae: {  	s11 =	simm.s32 $0x20  }
0xaf: {  	v10 =	vld [tilespmem:s11+$0xA10];
	v11, v13, _ =	vpop (xrf1);
	v8 =	vimm.f32 $-Inf  }
0xb0: {  	s9 =	simm.s32 $0x100;
	v9 =	vld [tilespmem:s11+$0x800];
	v7 =	vimm.s32 $0x0;
	v12 =	vperm.xlane v11, v4;
	v11 =	vperm.xlane v13, v4  }
.LBB2_4:
0xb1: {  	p1 =	sne.s32 s9, $0x780;
	v13 =	vld [tilespmem:s11+$0x810];
	s10 =	smov.u32 s9;
	s9 =	sadd.s32 $0x80, s9  }
0xb2: {  	vm0 =	vge.f32 v6, v12;
	v14, v15, _ =	vpop (xrf1)  }
0xb3: {  	v14 =	vperm.xlane v14, v4;
	v16 =	vsel vm0, v12, v6;
	v17 =	vsel vm0, v11, v5  }
0xb4: {  	v15 =	vperm.xlane v15, v4;
	v6 =	vsel vm0, v6, v12;
	(xrf1) =	vsort.ascd.msk.f32 $0xffff, v16, v17  }
0xb5: {  	v5 =	vsel vm0, v5, v11;
	v12 =	vld [tilespmem:s11+$0xA00];
	vm1 =	vge.f32 v8, v14  }
0xb6: {  	(xrf1) =	vsort.ascd.msk.f32 $0xffff, v13, v10;
	v10 =	vsel vm1, v8, v14;
	v11 =	vsel vm1, v7, v15  }
0xb7: {  	v8 =	vsel vm1, v14, v8;
	v7 =	vsel vm1, v15, v7;
	(xrf1) =	vsort.ascd.msk.f32 $0xffff, v6, v5  }
0xb8: {  	(xrf1) =	vsort.ascd.msk.f32 $0xffff, v8, v7  }
0xb9: {  	(xrf1) =	vsort.ascd.msk.f32 $0xffff, v10, v11  }
0xba: {  	(xrf1) =	vsort.ascd.msk.f32 $0xffff, v9, v12;
	_ =	sdelay $0x7  }
0xbb: {  	v5, v6, _ =	vpop (xrf1);
	_ =	sdelay $0x1  }
0xbc: {  	v15 =	vperm.xlane v5, v4;
	v8, v9, _ =	vpop (xrf1)  }
0xbd: {  	v10 =	vperm.xlane v6, v4;
	v6, v5, _ =	vpop (xrf1)  }
0xbe: {  	vm0 =	vge.f32 v8, v15;
	v11, v12, _ =	vpop (xrf1)  }
0xbf: {  	v13 =	vsel vm0, v8, v15;
	v9 =	vsel vm0, v9, v10;
	v11 =	vperm.xlane v11, v4;
	v8, v7, _ =	vpop (xrf1)  }
0xc0: {  	v10 =	vperm.xlane v12, v4;
	v12, v14, _ =	vpop (xrf1);
	(xrf1) =	vsort.ascd.msk.f32 $0xffff, v13, v9  }
0xc1: {  	vm0 =	vge.f32 v12, v11  }
0xc2: {  	v9 =	vsel vm0, v12, v11;
	v10 =	vsel vm0, v14, v10  }
0xc3: {  	(xrf1) =	vsort.ascd.msk.f32 $0xffff, v9, v10;
	_ =	sdelay $0x7  }
.Ltmp2:
0xc4: {  	(pc) =	sbr.rel @p1 .LBB2_4-.Ltmp2, $4  }
0xc5: {  	_ = 	snop  }
0xc6: {  	s11 =	sshra.s32 s10, $0x2  }
0xc7: {  	v10 =	vld [tilespmem:s11+$0xA10];
	v11, v13, _ =	vpop (xrf1)  }
0xc8: {  	v9 =	vld [tilespmem:s11+$0x800];
	v12 =	vperm.xlane v11, v4;
	v11 =	vperm.xlane v13, v4  }
0xc9: {  	v13 =	vld [tilespmem:s11+$0x810];
	_ =	sdelay $0x1  }
0xca: {  	vm0 =	vge.f32 v6, v12;
	v14, v15, _ =	vpop (xrf1)  }
0xcb: {  	v14 =	vperm.xlane v14, v4;
	v16 =	vsel vm0, v12, v6;
	v17 =	vsel vm0, v11, v5  }
0xcc: {  	v15 =	vperm.xlane v15, v4;
	v63 =	vsel vm0, v6, v12;
	(xrf1) =	vsort.ascd.msk.f32 $0xffff, v16, v17;
	v17 =	vld [tilespmem:s11+$0xA00]  }
0xcd: {  	v5 =	vsel vm0, v5, v11;
	vm1 =	vge.f32 v8, v14;
	(xrf1) =	vsort.ascd.msk.f32 $0xffff, v13, v10  }
0xce: {  	v18 =	vsel vm1, v14, v8;
	v19 =	vsel vm1, v15, v7;
	(xrf1) =	vsort.ascd.msk.f32 $0xffff, v63, v5  }
0xcf: {  	v20 =	vsel vm1, v7, v15;
	v5 =	vsel vm1, v8, v14;
	(xrf1) =	vsort.ascd.msk.f32 $0xffff, v18, v19  }
0xd0: {  	(xrf1) =	vsort.ascd.msk.f32 $0xffff, v5, v20  }
0xd1: {  	(xrf1) =	vsort.ascd.msk.f32 $0xffff, v9, v17;
	_ =	sdelay $0x8  }
0xd2: {  	v5, v6, _ =	vpop (xrf1)  }
0xd3: {  	v5 =	vperm.xlane v5, v4;
	v22, v21, _ =	vpop (xrf1)  }
0xd4: {  	v6 =	vperm.xlane v6, v4;
	v24, v23, _ =	vpop (xrf1)  }
0xd5: {  	vm8 =	vge.f32 v22, v5;
	v11, v25, _ =	vpop (xrf1)  }
0xd6: {  	v5 =	vsel vm8, v22, v5;
	v6 =	vsel vm8, v21, v6;
	v11 =	vperm.xlane v11, v4;
	v26, v27, _ =	vpop (xrf1)  }
0xd7: {  	v12 =	vperm.xlane v25, v4;
	(xrf1) =	vsort.ascd.msk.f32 $0xffff, v5, v6;
	v28, v29, _ =	vpop (xrf1)  }
0xd8: {  	vm9 =	vge.f32 v28, v11  }
0xd9: {  	v5 =	vsel vm9, v28, v11;
	v30 =	vsel vm9, v29, v12  }
0xda: {  	(xrf1) =	vsort.ascd.msk.f32 $0xffff, v5, v30;
	_ =	sdelay $0xa  }
0xdb: {  	v5, v6, _ =	vpop (xrf1)  }
0xdc: {  	v5 =	vperm.xlane v5, v4;
	_ =	sdelay $0x1  }
0xdd: {  	v6 =	vperm.xlane v6, v4;
	vm10 =	vge.f32 v24, v5;
	v31, v32, _ =	vpop (xrf1)  }
0xde: {  	v33 =	vsel vm10, v5, v24;
	v11 =	vperm.xlane v31, v4  }
0xdf: {  	v34 =	vsel vm10, v6, v23;
	v5 =	vsel vm10, v24, v5;
	v4 =	vperm.xlane v32, v4  }
0xe0: {  	v6 =	vsel vm10, v23, v6;
	(xrf1) =	vsort.ascd.msk.f32 $0xffff, v33, v34;
	vm11 =	vge.f32 v26, v11  }
0xe1: {  	(xrf1) =	vsort.ascd.msk.f32 $0xffff, v5, v6;
	v35 =	vsel vm11, v11, v26;
	v36 =	vsel vm11, v4, v27  }
0xe2: {  	(xrf1) =	vsort.ascd.msk.f32 $0xffff, v35, v36;
	_ =	sdelay $0xa  }
0xe3: {  	v5 =	vlaneseq.u32  }
0xe4: {  	v5 =	vmul.u32 $0xFFFFFFFF, v5;
	v37, v38, _ =	vpop (xrf1)  }
0xe5: {  	v40, v39, _ =	vpop (xrf1)  }
0xe6: {  	v5 =	vadd.s32 $0xF, v5;
	v13, v14, _ =	vpop (xrf1)  }
0xe7: {  	v13 =	vperm.xlane v13, v5  }
0xe8: {  	v14 =	vperm.xlane v14, v5  }
0xe9: {  	v7 =	vsel vm11, v26, v11;
	v4 =	vsel vm11, v27, v4;
	vm12 =	vge.f32 v37, v13  }
0xea: {  	(xrf1) =	vsort.ascd.msk.f32 $0xffff, v7, v4;
	v4 =	vsel vm12, v37, v13;
	v41 =	vsel vm12, v38, v14  }
0xeb: {  	(xrf1) =	vsort.ascd.msk.f32 $0xffff, v4, v41;
	_ =	sdelay $0xc  }
0xec: {  	v4, v6, _ =	vpop (xrf1)  }
0xed: {  	v43, v42, _ =	vpop (xrf1)  }
0xee: {  	v7 =	vperm.xlane v43, v5  }
0xef: {  	v8 =	vperm.xlane v42, v5  }
0xf0: {  	vm13 =	vge.f32 v4, v7  }
0xf1: {  	v44 =	vsel vm13, v7, v4;
	v45 =	vsel vm13, v8, v6  }
0xf2: {  	(xrf1) =	vsort.ascd.msk.f32 $0xffff, v44, v45;
	_ =	sdelay $0xd  }
0xf3: {  	v9, v11, _ =	vpop (xrf1)  }
0xf4: {  	v9 =	vperm.xlane v9, v5  }
0xf5: {  	v11 =	vperm.xlane v11, v5  }
0xf6: {  	v4 =	vsel vm13, v4, v7;
	v6 =	vsel vm13, v6, v8;
	vm14 =	vge.f32 v40, v9  }
0xf7: {  	(xrf1) =	vsort.ascd.msk.f32 $0xffff, v4, v6;
	v4 =	vsel vm14, v40, v9;
	v46 =	vsel vm14, v39, v11  }
0xf8: {  	(xrf1) =	vsort.ascd.msk.f32 $0xffff, v4, v46;
	_ =	sdelay $0xc  }
0xf9: {  	v4, v6, _ =	vpop (xrf1)  }
0xfa: {  	v47, v48, _ =	vpop (xrf1)  }
0xfb: {  	v7 =	vperm.xlane v47, v5  }
0xfc: {  	v5 =	vperm.xlane v48, v5  }
0xfd: {  	vm15 =	vge.f32 v4, v7  }
0xfe: {  	v49 =	vsel vm15, v7, v4;
	v50 =	vsel vm15, v5, v6  }
0xff: {  	v4 =	vsel vm15, v4, v7;
	v5 =	vsel vm15, v6, v5;
	(xrf1) =	vsort.ascd.msk.f32 $0xffff, v49, v50  }
0x100: {  	(xrf1) =	vsort.ascd.msk.f32 $0xffff, v4, v5;
	_ =	sdelay $0xa  }
0x101: {  	v4 =	vimm.s32 $0xF;
	_ =	sdelay $0x1  }
0x102: {  	v5, v6, _ =	vpop (xrf1)  }
0x103: {  	v51, v52, _ =	vpop (xrf1)  }
0x104: {  	s9 =	simm.s32 $0x1B00;
	[tilespmem:$0x1B00] =	vst v51  }
0x105: {  	v4 =	vld.idx.msk [tilespmem:v4+s9+$0x0], $0xffff;
	_ =	sdelay $0x4  }
0x106: {  	v5 =	vsub.f32 v5, v4  }
0x107: {  	v4 =	vsub.f32 v51, v4  }
0x108: {  	v5 =	vmul.f32 $1.442695020e+00, v5  }
0x109: {  	v4 =	vmul.f32 $1.442695020e+00, v4  }
0x10a: {  	(erf) = vpow2.f32 v5  }
0x10b: {  	(erf) = vpow2.f32 v4  }
0x10c: {  	v5 =	vimm.s32 $0x76543210;
	v4 =	vimm.s32 $0xFEDCBA98  }
0x10d: {  	v5 =	vunpack.c.l.s4.s8 v5;
	v4 =	vunpack.c.l.s4.s8 v4;
	_ =	sdelay $0x1  }
0x10e: {  	v5 =	vunpack.c.0.s8.s32 v5;
	v4 =	vunpack.c.0.s8.s32 v4;
	_ =	sdelay $0x1  }
0x10f: {  	v4 =	vand.u32 $0xF, v4  }
0x110: {  	v4 =	vcombine.low v4, v5  }
0x111: {  	v5 =	vpop (erf)  }
0x112: {  	v54 =	vimm.s32 $0xBA98FEDC;
	v55 =	vimm.s32 $0x32107654;
	v53 =	vpop (erf)  }
0x113: {  	v10 =	vunpack.c.l.s4.s8 v55;
	v9 =	vunpack.c.l.s4.s8 v54;
	v56 =	vadd.f32 v53, v5;
	_ =	sdelay $0x1  }
0x114: {  	v10 =	vunpack.c.0.s8.s32 v10;
	v9 =	vunpack.c.0.s8.s32 v9;
	[tilespmem:$0x1B00] =	vst v56  }
0x115: {  	v4 =	vld.idx.msk [tilespmem:v4+s9+$0x0], $0xffff  }
0x116: {  	v9 =	vcombine.low v10, v9;
	_ =	sdelay $0x1  }
0x117: {  	v9 =	vand.u32 $0xF, v9  }
0x118: {  	v57 =	vimm.s32 $0xDCFE98BA;
	v58 =	vimm.s32 $0x54761032  }
0x119: {  	v59 =	vunpack.c.l.s4.s8 v58;
	v10 =	vunpack.c.l.s4.s8 v57;
	v4 =	vadd.f32 v56, v4;
	_ =	sdelay $0x1  }
0x11a: {  	v11 =	vunpack.c.0.s8.s32 v59;
	v10 =	vunpack.c.0.s8.s32 v10;
	[tilespmem:$0x1B00] =	vst v4  }
0x11b: {  	v9 =	vld.idx.msk [tilespmem:v9+s9+$0x0], $0xffff  }
0x11c: {  	v10 =	vcombine.low v11, v10;
	_ =	sdelay $0x1  }
0x11d: {  	v10 =	vand.u32 $0xF, v10  }
0x11e: {  	v60 =	vimm.s32 $0xEFCDAB89;
	v61 =	vimm.s32 $0x67452301  }
0x11f: {  	v62 =	vunpack.c.l.s4.s8 v60;
	v63 =	vunpack.c.l.s4.s8 v61;
	v4 =	vadd.f32 v4, v9;
	_ =	sdelay $0x1  }
0x120: {  	v11 =	vunpack.c.0.s8.s32 v63;
	v9 =	vunpack.c.0.s8.s32 v62;
	[tilespmem:$0x1B00] =	vst v4  }
0x121: {  	v10 =	vld.idx.msk [tilespmem:v10+s9+$0x0], $0xffff  }
0x122: {  	v9 =	vcombine.low v11, v9;
	_ =	sdelay $0x1  }
0x123: {  	v9 =	vand.u32 $0xF, v9;
	_ =	sdelay $0x1  }
0x124: {  	v4 =	vadd.f32 v4, v10;
	_ =	sdelay $0x1  }
0x125: {  	[tilespmem:$0x1B00] =	vst v4  }
0x126: {  	v9 =	vld.idx.msk [tilespmem:v9+s9+$0x0], $0xffff;
	_ =	sdelay $0x4  }
0x127: {  	v4 =	vadd.f32 v9, v4;
	_ =	sdelay $0x1  }
0x128: {  	(erf) = vrcp.f32 v4;
	_ =	sdelay $0x8  }
0x129: {  	v4 =	vpop (erf)  }
0x12a: {  	[tilespmem:$0xD00] =	vst v6;
	v5 =	vmul.f32 v4, v5  }
0x12b: {  	[tilespmem:$0xD10] =	vst v52;
	v4 =	vmul.f32 v4, v53  }
0x12c: {  	[tilespmem:$0xD80] =	vst v5  }
0x12d: {  	s30 =	simm.s32 $0xD80;
	s31 =	simm.s32 $0x2;
	[tilespmem:$0xD90] =	vst v4  }
0x12e: {  	[spmem:s8] =	stream.linear.scatter [tilespmem:s30], [sflag:$0x2], $0x80, $0x38;
	[tilespmem:$0x1CE0] =	vst v63  }
0x12f: {  	_ =	swait.ge [sflag:s31], $0x80  }
0x130: {  	[sflag:s31] =	ssyncset.done $0x0  }
0x131: {  	s10 =	simm.s32 $0xD00;
	[sflag:s31] =	ssyncadd.s32 $0xFFFFFF80  }
0x132: {  	[spmem:s7] =	stream.linear.scatter [tilespmem:s10], [sflag:$0x2], $0x80, $0x38;
	[tilespmem:$0x1CE0] =	vst v63  }
0x133: {  	_ =	swait.ge [sflag:s31], $0x80  }
0x134: {  	[sflag:s31] =	ssyncset.done $0x0  }
0x135: {  	[sflag:s31] =	ssyncadd.s32 $0xFFFFFF80  }
.LBB2_6:
0x136: {  	[tilespmem:$0x1FFE0] =	vst v1  }
0x137: {  	[tilespmem:$0x1FFF0] =	vst v0  }
0x138: {  	s9 =	simm.s32 $0xD80;
	[bflag:$0x0] =	sbarrier.arrive $0xFFFF  }
0x139: {  	[tilespmem:s9], [sflag:$0x2] =	stream.linear.gather [spmem:s8], $0x80, $0x38;
	[tilespmem:$0x1CE0] =	vst v63  }
0x13a: {  	_ =	swait.ge [sflag:s4], $0x80  }
0x13b: {  	[sflag:s4] =	ssyncset.done $0x0  }
0x13c: {  	s25 =	simm.s32 $0xD00;
	[sflag:s4] =	ssyncadd.s32 $0xFFFFFF80  }
0x13d: {  	[tilespmem:s25], [sflag:$0x2] =	stream.linear.gather [spmem:s7], $0x80, $0x38;
	[tilespmem:$0x1CE0] =	vst v63  }
0x13e: {  	_ =	swait.ge [sflag:s4], $0x80  }
0x13f: {  	[sflag:s4] =	ssyncset.done $0x0  }
0x140: {  	[sflag:s4] =	ssyncadd.s32 $0xFFFFFF80  }
0x141: {  	v3 =	vld.idx.msk [tilespmem:v3+s25+$0x0], $0xffff;
	_ =	sdelay $0x3  }
0x142: {  	s26 =	simm.s32 $0xE00  }
0x143: {  	s28 =	simm.s32 $0xE80;
	s29 =	simm.s32 $0x1;
	[tilespmem:v2+s26+$0x0] =	vst.idx.msk $0x3, v3  }
0x144: {  	[tilespmem:s28], [sflag:$0x1] =	stream.indirect.gather [hbm4b:s6+s4], $0x400, s26, s4, $0xb8;
	[tilespmem:$0x1CE0] =	vst v63  }
0x145: {  	_ =	swait.ge [sflag:s29], $0x800  }
0x146: {  	[sflag:s29] =	ssyncset.done $0x0  }
0x147: {  	[sflag:s29] =	ssyncadd.s32 $0xFFFFF800  }
0x148: {  	v3 =	vld [tilespmem:$0xE80]  }
0x149: {  	v8 =	vld [tilespmem:$0x1680]  }
0x14a: {  	v11 =	vld [tilespmem:$0xE90]  }
0x14b: {  	v12 =	vld [tilespmem:$0x1690]  }
0x14c: {  	v15 =	vld [tilespmem:$0xEA0]  }
0x14d: {  	v18 =	vld [tilespmem:$0x16A0]  }
0x14e: {  	v21 =	vld [tilespmem:$0xEB0]  }
0x14f: {  	v22 =	vld [tilespmem:$0x16B0]  }
0x150: {  	v25 =	vld [tilespmem:$0xEC0]  }
0x151: {  	v28 =	vld [tilespmem:$0x16C0]  }
0x152: {  	v31 =	vld [tilespmem:$0xED0]  }
0x153: {  	v32 =	vld [tilespmem:$0x16D0]  }
0x154: {  	v35 =	vld [tilespmem:$0xEE0]  }
0x155: {  	v38 =	vld [tilespmem:$0x16E0]  }
0x156: {  	v41 =	vld [tilespmem:$0xEF0]  }
0x157: {  	v52 =	vld [tilespmem:$0x16F0]  }
0x158: {  	v53 =	vld [tilespmem:$0xF00]  }
0x159: {  	v54 =	vld [tilespmem:$0x1700]  }
0x15a: {  	v55 =	vld [tilespmem:$0xF10]  }
0x15b: {  	v56 =	vld [tilespmem:$0x1710]  }
0x15c: {  	v57 =	vld [tilespmem:$0xF20]  }
0x15d: {  	v58 =	vld [tilespmem:$0x1720]  }
0x15e: {  	v59 =	vld [tilespmem:$0xF30]  }
0x15f: {  	v60 =	vld [tilespmem:$0x1730]  }
0x160: {  	v61 =	vld [tilespmem:$0xF40]  }
0x161: {  	v62 =	vld [tilespmem:$0x1740]  }
0x162: {  	v63 =	vld [tilespmem:$0xF50]  }
0x163: {  	v4 =	vld [tilespmem:$0x1750]  }
0x164: {  	v7 =	vld [tilespmem:$0xF60]  }
0x165: {  	v5 =	vld [tilespmem:$0x1760]  }
0x166: {  	v14 =	vld [tilespmem:$0xF70]  }
0x167: {  	v45 =	vld [tilespmem:$0x1770]  }
0x168: {  	v20 =	vld [tilespmem:$0xF80]  }
0x169: {  	v42 =	vld [tilespmem:$0x1780]  }
0x16a: {  	v51 =	vld [tilespmem:$0xF90]  }
0x16b: {  	v48 =	vld [tilespmem:$0x1790]  }
0x16c: {  	v50 =	vld [tilespmem:$0xFA0]  }
0x16d: {  	v46 =	vld [tilespmem:$0x17A0]  }
0x16e: {  	v49 =	vld [tilespmem:$0xFB0]  }
0x16f: {  	v43 =	vld [tilespmem:$0x17B0]  }
0x170: {  	v47 =	vld [tilespmem:$0xFC0]  }
0x171: {  	v39 =	vld [tilespmem:$0x17C0]  }
0x172: {  	v44 =	vld [tilespmem:$0xFD0]  }
0x173: {  	v36 =	vld [tilespmem:$0x17D0]  }
0x174: {  	v40 =	vld [tilespmem:$0xFE0]  }
0x175: {  	v33 =	vld [tilespmem:$0x17E0]  }
0x176: {  	v37 =	vld [tilespmem:$0xFF0]  }
0x177: {  	v29 =	vld [tilespmem:$0x17F0]  }
0x178: {  	v34 =	vld [tilespmem:$0x1000]  }
0x179: {  	v26 =	vld [tilespmem:$0x1800]  }
0x17a: {  	v30 =	vld [tilespmem:$0x1010]  }
0x17b: {  	v23 =	vld [tilespmem:$0x1810]  }
0x17c: {  	v27 =	vld [tilespmem:$0x1020]  }
0x17d: {  	v19 =	vld [tilespmem:$0x1820]  }
0x17e: {  	v24 =	vld [tilespmem:$0x1030]  }
0x17f: {  	v16 =	vld [tilespmem:$0x1830]  }
0x180: {  	v13 =	vld [tilespmem:$0x1040]  }
0x181: {  	v17 =	vld [tilespmem:$0x1050]  }
0x182: {  	v9 =	vld [tilespmem:$0x1850]  }
0x183: {  	v6 =	vld [tilespmem:$0x1060]  }
0x184: {  	v10 =	vld [tilespmem:$0x1070]  }
0x185: {  	v0 =	vld [tilespmem:$0x1280]  }
0x186: {  	v1 =	vld [tilespmem:$0x1290]  }
0x187: {  	v2 =	vld [tilespmem:$0x1090]  }
0x188: {  	[tilespmem:$0x1FF80] =	vst v13;
	v13 =	vld [tilespmem:$0x1840]  }
0x189: {  	[tilespmem:$0x1FFA0] =	vst v6;
	v6 =	vld [tilespmem:$0x1860]  }
0x18a: {  	[tilespmem:$0x1FFB0] =	vst v10;
	v10 =	vld [tilespmem:$0x1870]  }
0x18b: {  	[tilespmem:$0x1FF90] =	vst v17;
	v17 =	vld [tilespmem:$0x1080];
	v3 =	vmul.f32 v8, v3  }
0x18c: {  	[tilespmem:$0x1FFD0] =	vst v2;
	v2 =	vld [tilespmem:$0x12A0];
	v8 =	vmul.f32 v0, v8  }
0x18d: {  	v11 =	vmul.f32 v12, v11;
	v0 =	vld [tilespmem:$0x1890];
	v3 =	vadd.f32 $0.0e+00, v3  }
0x18e: {  	v12 =	vmul.f32 v1, v12;
	v1 =	vld [tilespmem:$0x10A0];
	v8 =	vadd.f32 $0.0e+00, v8  }
0x18f: {  	v3 =	vadd.f32 v11, v3;
	v11 =	vld [tilespmem:$0x12B0]  }
0x190: {  	v12 =	vadd.f32 v12, v8;
	v8 =	vld [tilespmem:$0x18A0]  }
0x191: {  	v15 =	vmul.f32 v18, v15;
	[tilespmem:$0x1FFC0] =	vst v17;
	v17 =	vld [tilespmem:$0x1880]  }
0x192: {  	v2 =	vmul.f32 v2, v18;
	v18 =	vmul.f32 v28, v25;
	v25 =	vld [tilespmem:$0x12D0]  }
0x193: {  	v3 =	vadd.f32 v15, v3;
	v15 =	vmul.f32 v22, v21;
	v21 =	vld [tilespmem:$0x12C0]  }
0x194: {  	v2 =	vadd.f32 v2, v12;
	v12 =	vld [tilespmem:$0x18B0]  }
0x195: {  	v3 =	vadd.f32 v15, v3;
	v15 =	vld [tilespmem:$0x10B0]  }
0x196: {  	v11 =	vmul.f32 v11, v22;
	v22 =	vld [tilespmem:$0x12E0]  }
0x197: {  	v3 =	vadd.f32 v18, v3;
	v18 =	vld [tilespmem:$0x18C0]  }
0x198: {  	v21 =	vmul.f32 v21, v28;
	v28 =	vld [tilespmem:$0x12F0]  }
0x199: {  	v31 =	vmul.f32 v32, v31;
	v2 =	vadd.f32 v11, v2;
	v11 =	vmul.f32 v25, v32;
	v32 =	vld [tilespmem:$0x1310]  }
0x19a: {  	v25 =	vld [tilespmem:$0x10D0]  }
0x19b: {  	v35 =	vmul.f32 v38, v35;
	v3 =	vadd.f32 v31, v3;
	v31 =	vld [tilespmem:$0x1300]  }
0x19c: {  	v2 =	vadd.f32 v21, v2;
	v21 =	vld [tilespmem:$0x10C0]  }
0x19d: {  	v3 =	vadd.f32 v35, v3;
	v35 =	vmul.f32 v52, v41;
	v41 =	vmul.f32 v22, v38;
	v22 =	vld [tilespmem:$0x18D0]  }
0x19e: {  	v2 =	vadd.f32 v11, v2;
	v11 =	vld [tilespmem:$0x1160]  }
0x19f: {  	v3 =	vadd.f32 v35, v3;
	v35 =	vld [tilespmem:$0x1320]  }
0x1a0: {  	v38 =	vmul.f32 v28, v52;
	v28 =	vld [tilespmem:$0x18E0]  }
0x1a1: {  	v53 =	vmul.f32 v54, v53;
	v52 =	vmul.f32 v31, v54;
	v31 =	vld [tilespmem:$0x10E0]  }
0x1a2: {  	v2 =	vadd.f32 v41, v2;
	v41 =	vmul.f32 v56, v55;
	v54 =	vmul.f32 v32, v56;
	v32 =	vld [tilespmem:$0x18F0]  }
0x1a3: {  	v3 =	vadd.f32 v53, v3;
	v53 =	vmul.f32 v58, v57;
	v57 =	vmul.f32 v62, v61;
	v61 =	vld [tilespmem:$0x1360]  }
0x1a4: {  	v2 =	vadd.f32 v38, v2;
	v38 =	vld [tilespmem:$0x1330]  }
0x1a5: {  	v3 =	vadd.f32 v41, v3;
	v41 =	vld [tilespmem:$0x1340]  }
0x1a6: {  	v56 =	vmul.f32 v35, v58;
	v58 =	vld [tilespmem:$0x1350]  }
0x1a7: {  	v2 =	vadd.f32 v52, v2;
	v35 =	vld [tilespmem:$0x10F0]  }
0x1a8: {  	v3 =	vadd.f32 v53, v3;
	v53 =	vmul.f32 v46, v50;
	v50 =	vld [tilespmem:$0x1400]  }
0x1a9: {  	v55 =	vmul.f32 v60, v59;
	v2 =	vadd.f32 v54, v2;
	v54 =	vld [tilespmem:$0x13B0]  }
0x1aa: {  	v59 =	vmul.f32 v38, v60;
	v60 =	vmul.f32 v4, v63;
	v63 =	vld [tilespmem:$0x1370]  }
0x1ab: {  	v38 =	vld [tilespmem:$0x1900]  }
0x1ac: {  	v3 =	vadd.f32 v55, v3;
	v62 =	vmul.f32 v41, v62;
	v41 =	vld [tilespmem:$0x1100]  }
0x1ad: {  	v2 =	vadd.f32 v56, v2;
	v4 =	vmul.f32 v58, v4;
	v58 =	vld [tilespmem:$0x1380]  }
0x1ae: {  	v3 =	vadd.f32 v57, v3;
	v57 =	vmul.f32 v45, v14;
	v14 =	vld [tilespmem:$0x1140]  }
0x1af: {  	v2 =	vadd.f32 v59, v2;
	v59 =	vmul.f32 v61, v5;
	v61 =	vld [tilespmem:$0x1390]  }
0x1b0: {  	v7 =	vmul.f32 v5, v7;
	v3 =	vadd.f32 v60, v3;
	v60 =	vmul.f32 v42, v20;
	v20 =	vld [tilespmem:$0x13A0]  }
0x1b1: {  	v2 =	vadd.f32 v62, v2;
	v62 =	vmul.f32 v63, v45;
	v45 =	vld [tilespmem:$0x1110]  }
0x1b2: {  	v3 =	vadd.f32 v7, v3;
	v7 =	vld [tilespmem:$0x1150]  }
0x1b3: {  	v52 =	vmul.f32 v58, v42;
	v42 =	vld [tilespmem:$0x1910]  }
0x1b4: {  	v2 =	vadd.f32 v4, v2;
	v4 =	vld [tilespmem:$0x11A0]  }
0x1b5: {  	v63 =	vmul.f32 v48, v51;
	v55 =	vmul.f32 v61, v48;
	v48 =	vld [tilespmem:$0x1120]  }
0x1b6: {  	v3 =	vadd.f32 v57, v3;
	v57 =	vld [tilespmem:$0x13C0];
	v2 =	vadd.f32 v59, v2  }
0x1b7: {  	v56 =	vmul.f32 v43, v49;
	v61 =	vmul.f32 v54, v43;
	v43 =	vld [tilespmem:$0x1130]  }
0x1b8: {  	v58 =	vmul.f32 v20, v46;
	v46 =	vld [tilespmem:$0x1920];
	v3 =	vadd.f32 v60, v3;
	v2 =	vadd.f32 v62, v2  }
0x1b9: {  	v60 =	vld [tilespmem:$0x13D0]  }
0x1ba: {  	v62 =	vmul.f32 v36, v44;
	v44 =	vld [tilespmem:$0x13F0];
	v3 =	vadd.f32 v63, v3;
	v2 =	vadd.f32 v52, v2  }
0x1bb: {  	v59 =	vmul.f32 v39, v47;
	v63 =	vld [tilespmem:$0x13E0]  }
0x1bc: {  	v20 =	vmul.f32 v57, v39;
	v39 =	vld [tilespmem:$0x1930];
	v3 =	vadd.f32 v53, v3;
	v2 =	vadd.f32 v55, v2  }
0x1bd: {  	v52 =	vmul.f32 v26, v34;
	v34 =	vld [tilespmem:$0x1FF90]  }
0x1be: {  	v57 =	vmul.f32 v50, v26;
	v50 =	vld [tilespmem:$0x1480];
	v3 =	vadd.f32 v56, v3;
	v2 =	vadd.f32 v58, v2  }
0x1bf: {  	v26 =	vmul.f32 v22, v25;
	v25 =	vld [tilespmem:$0x11F0]  }
0x1c0: {  	v53 =	vld [tilespmem:$0x1410];
	v3 =	vadd.f32 v59, v3;
	v2 =	vadd.f32 v61, v2  }
0x1c1: {  	v47 =	vmul.f32 v60, v36;
	v36 =	vld [tilespmem:$0x1460]  }
0x1c2: {  	v40 =	vmul.f32 v33, v40;
	v56 =	vld [tilespmem:$0x1420];
	v3 =	vadd.f32 v62, v3;
	v2 =	vadd.f32 v20, v2  }
0x1c3: {  	v49 =	vmul.f32 v29, v37;
	v54 =	vmul.f32 v44, v29;
	v29 =	vld [tilespmem:$0x1450]  }
0x1c4: {  	v44 =	vld [tilespmem:$0x1470];
	v51 =	vmul.f32 v63, v33;
	v3 =	vadd.f32 v40, v3;
	v2 =	vadd.f32 v47, v2  }
0x1c5: {  	v33 =	vld [tilespmem:$0x1940]  }
0x1c6: {  	v58 =	vmul.f32 v19, v27;
	v27 =	vld [tilespmem:$0x1FF80];
	v3 =	vadd.f32 v49, v3;
	v2 =	vadd.f32 v51, v2  }
0x1c7: {  	v55 =	vmul.f32 v23, v30;
	v59 =	vld [tilespmem:$0x1430]  }
0x1c8: {  	v60 =	vmul.f32 v53, v23;
	v53 =	vld [tilespmem:$0x1490];
	v3 =	vadd.f32 v52, v3;
	v2 =	vadd.f32 v54, v2  }
0x1c9: {  	v23 =	vld [tilespmem:$0x11E0]  }
0x1ca: {  	v62 =	vld [tilespmem:$0x1440];
	v3 =	vadd.f32 v55, v3;
	v2 =	vadd.f32 v57, v2  }
0x1cb: {  	v61 =	vmul.f32 v16, v24;
	v20 =	vld [tilespmem:$0x1950]  }
0x1cc: {  	v63 =	vmul.f32 v56, v19;
	v19 =	vld [tilespmem:$0x1960];
	v3 =	vadd.f32 v58, v3;
	v2 =	vadd.f32 v60, v2  }
0x1cd: {  	v5 =	vmul.f32 v13, v27;
	v40 =	vld [tilespmem:$0x1FFA0]  }
0x1ce: {  	v56 =	vld [tilespmem:$0x14A0];
	v30 =	vmul.f32 v59, v16;
	v3 =	vadd.f32 v61, v3;
	v2 =	vadd.f32 v63, v2  }
0x1cf: {  	v49 =	vld [tilespmem:$0x1FFB0];
	v37 =	vmul.f32 v62, v13  }
0x1d0: {  	v27 =	vld [tilespmem:$0x14E0];
	v3 =	vadd.f32 v5, v3;
	v5 =	vmul.f32 v9, v34;
	v2 =	vadd.f32 v30, v2  }
0x1d1: {  	v47 =	vmul.f32 v29, v9;
	v52 =	vld [tilespmem:$0x1FFC0]  }
0x1d2: {  	v16 =	vld [tilespmem:$0x1170];
	v3 =	vadd.f32 v5, v3;
	v5 =	vmul.f32 v6, v40;
	v2 =	vadd.f32 v37, v2  }
0x1d3: {  	v59 =	vmul.f32 v12, v15;
	v51 =	vmul.f32 v36, v6;
	v55 =	vld [tilespmem:$0x1FFD0]  }
0x1d4: {  	v15 =	vld [tilespmem:$0x19B0];
	v3 =	vadd.f32 v5, v3;
	v5 =	vmul.f32 v10, v49;
	v2 =	vadd.f32 v47, v2  }
0x1d5: {  	v13 =	vld [tilespmem:$0x1970];
	v62 =	vmul.f32 v18, v21;
	v54 =	vmul.f32 v44, v10  }
0x1d6: {  	v21 =	vld [tilespmem:$0x11C0];
	v3 =	vadd.f32 v5, v3;
	v5 =	vmul.f32 v17, v52;
	v2 =	vadd.f32 v51, v2  }
0x1d7: {  	v36 =	vld [tilespmem:$0x1500];
	v57 =	vmul.f32 v50, v17  }
0x1d8: {  	v58 =	vld [tilespmem:$0x14B0];
	v3 =	vadd.f32 v5, v3;
	v5 =	vmul.f32 v0, v55;
	v2 =	vadd.f32 v54, v2  }
0x1d9: {  	v1 =	vmul.f32 v8, v1;
	v60 =	vld [tilespmem:$0x14C0];
	v61 =	vmul.f32 v56, v8  }
0x1da: {  	v8 =	vld [tilespmem:$0x19A0];
	v0 =	vmul.f32 v53, v0;
	v3 =	vadd.f32 v5, v3;
	v2 =	vadd.f32 v57, v2  }
0x1db: {  	v63 =	vld [tilespmem:$0x14D0]  }
0x1dc: {  	v9 =	vld [tilespmem:$0x1180];
	v1 =	vadd.f32 v1, v3;
	v0 =	vadd.f32 v0, v2  }
0x1dd: {  	v30 =	vmul.f32 v28, v31;
	v31 =	vld [tilespmem:$0x14F0]  }
0x1de: {  	v24 =	vmul.f32 v58, v12;
	v12 =	vld [tilespmem:$0x19C0];
	v1 =	vadd.f32 v59, v1;
	v0 =	vadd.f32 v61, v0  }
0x1df: {  	v58 =	vld [tilespmem:$0x1550]  }
0x1e0: {  	v6 =	vld [tilespmem:$0x1980];
	v29 =	vmul.f32 v60, v18;
	v1 =	vadd.f32 v62, v1;
	v0 =	vadd.f32 v24, v0  }
0x1e1: {  	v40 =	vmul.f32 v38, v41;
	v41 =	vld [tilespmem:$0x1510]  }
0x1e2: {  	v18 =	vld [tilespmem:$0x11D0];
	v34 =	vmul.f32 v63, v22;
	v1 =	vadd.f32 v26, v1;
	v0 =	vadd.f32 v29, v0  }
0x1e3: {  	v37 =	vmul.f32 v27, v28;
	v27 =	vld [tilespmem:$0x1570]  }
0x1e4: {  	v35 =	vmul.f32 v32, v35;
	v10 =	vld [tilespmem:$0x1190];
	v1 =	vadd.f32 v30, v1;
	v0 =	vadd.f32 v34, v0  }
0x1e5: {  	v49 =	vld [tilespmem:$0x1520]  }
0x1e6: {  	v22 =	vld [tilespmem:$0x19D0];
	v44 =	vmul.f32 v31, v32;
	v1 =	vadd.f32 v35, v1;
	v0 =	vadd.f32 v37, v0  }
0x1e7: {  	v47 =	vmul.f32 v42, v45;
	v45 =	vld [tilespmem:$0x1220]  }
0x1e8: {  	v50 =	vmul.f32 v36, v38;
	v17 =	vld [tilespmem:$0x1990];
	v1 =	vadd.f32 v40, v1;
	v0 =	vadd.f32 v44, v0  }
0x1e9: {  	v52 =	vld [tilespmem:$0x1530];
	v51 =	vmul.f32 v46, v48  }
0x1ea: {  	v31 =	vld [tilespmem:$0x1580];
	v53 =	vmul.f32 v41, v42;
	v1 =	vadd.f32 v47, v1;
	v0 =	vadd.f32 v50, v0  }
0x1eb: {  	v55 =	vld [tilespmem:$0x1540];
	v54 =	vmul.f32 v39, v43  }
0x1ec: {  	v41 =	vld [tilespmem:$0x1A10];
	v56 =	vmul.f32 v49, v46;
	v1 =	vadd.f32 v51, v1;
	v0 =	vadd.f32 v53, v0  }
0x1ed: {  	v36 =	vmul.f32 v27, v13;
	v27 =	vld [tilespmem:$0x1630];
	v57 =	vmul.f32 v33, v14  }
0x1ee: {  	v43 =	vld [tilespmem:$0x15B0];
	v59 =	vmul.f32 v52, v39;
	v1 =	vadd.f32 v54, v1;
	v0 =	vadd.f32 v56, v0  }
0x1ef: {  	v60 =	vmul.f32 v20, v7;
	v61 =	vld [tilespmem:$0x1560]  }
0x1f0: {  	v49 =	vld [tilespmem:$0x1A20];
	v62 =	vmul.f32 v55, v33;
	v1 =	vadd.f32 v57, v1;
	v0 =	vadd.f32 v59, v0  }
0x1f1: {  	v63 =	vmul.f32 v19, v11;
	v5 =	vld [tilespmem:$0x11B0]  }
0x1f2: {  	v28 =	vmul.f32 v58, v20;
	v39 =	vld [tilespmem:$0x15A0];
	v1 =	vadd.f32 v60, v1;
	v0 =	vadd.f32 v62, v0  }
0x1f3: {  	v33 =	vld [tilespmem:$0x1A00];
	v30 =	vmul.f32 v13, v16  }
0x1f4: {  	v55 =	vld [tilespmem:$0x15E0];
	v32 =	vmul.f32 v61, v19;
	v1 =	vadd.f32 v63, v1;
	v0 =	vadd.f32 v28, v0  }
0x1f5: {  	v35 =	vld [tilespmem:$0x1590]  }
0x1f6: {  	v24 =	vld [tilespmem:$0x19E0];
	v34 =	vmul.f32 v6, v9;
	v1 =	vadd.f32 v30, v1;
	v0 =	vadd.f32 v32, v0  }
0x1f7: {  	v38 =	vmul.f32 v17, v10;
	v26 =	vld [tilespmem:$0x19F0]  }
0x1f8: {  	v29 =	vld [tilespmem:$0x1200];
	v40 =	vmul.f32 v31, v6;
	v1 =	vadd.f32 v34, v1;
	v0 =	vadd.f32 v36, v0  }
0x1f9: {  	v42 =	vmul.f32 v8, v4;
	v48 =	vmul.f32 v39, v8;
	v39 =	vld [tilespmem:$0x1A70]  }
0x1fa: {  	v61 =	vld [tilespmem:$0x1240];
	v44 =	vmul.f32 v35, v17;
	v1 =	vadd.f32 v38, v1;
	v0 =	vadd.f32 v40, v0  }
0x1fb: {  	v47 =	vld [tilespmem:$0x15C0]  }
0x1fc: {  	v46 =	vmul.f32 v15, v5;
	v19 =	vld [tilespmem:$0x1610];
	v1 =	vadd.f32 v42, v1;
	v0 =	vadd.f32 v44, v0  }
0x1fd: {  	v52 =	vmul.f32 v43, v15;
	v58 =	vmul.f32 v24, v23;
	v51 =	vld [tilespmem:$0x15D0]  }
0x1fe: {  	v23 =	vld [tilespmem:$0x1620];
	v50 =	vmul.f32 v12, v21;
	v1 =	vadd.f32 v46, v1;
	v0 =	vadd.f32 v48, v0  }
0x1ff: {  	v37 =	vld [tilespmem:$0x1210];
	v54 =	vmul.f32 v22, v18  }
0x200: {  	v31 =	vld [tilespmem:$0x1640];
	v56 =	vmul.f32 v47, v12;
	v1 =	vadd.f32 v50, v1;
	v0 =	vadd.f32 v52, v0  }
0x201: {  	v59 =	vld [tilespmem:$0x15F0]  }
0x202: {  	v17 =	vld [tilespmem:$0x1A40];
	v60 =	vmul.f32 v51, v22;
	v1 =	vadd.f32 v54, v1;
	v0 =	vadd.f32 v56, v0  }
0x203: {  	v16 =	vmul.f32 v55, v24;
	v63 =	vld [tilespmem:$0x1600]  }
0x204: {  	v21 =	vld [tilespmem:$0x1250];
	v62 =	vmul.f32 v26, v25;
	v1 =	vadd.f32 v58, v1;
	v0 =	vadd.f32 v60, v0  }
0x205: {  	v53 =	vld [tilespmem:$0x1230];
	v18 =	vmul.f32 v33, v29  }
0x206: {  	v57 =	vld [tilespmem:$0x1A30];
	v20 =	vmul.f32 v59, v26;
	v1 =	vadd.f32 v62, v1;
	v0 =	vadd.f32 v16, v0  }
0x207: {  	v35 =	vld [tilespmem:$0x1650];
	v22 =	vmul.f32 v41, v37  }
0x208: {  	v29 =	vld [tilespmem:$0x1260];
	v24 =	vmul.f32 v63, v33;
	v1 =	vadd.f32 v18, v1;
	v0 =	vadd.f32 v20, v0  }
0x209: {  	v37 =	vld [tilespmem:$0x1270];
	v28 =	vmul.f32 v19, v41  }
0x20a: {  	v25 =	vld [tilespmem:$0x1A50];
	v26 =	vmul.f32 v49, v45;
	v1 =	vadd.f32 v22, v1;
	v0 =	vadd.f32 v24, v0  }
0x20b: {  	v30 =	vmul.f32 v57, v53;
	v46 =	vld [tilespmem:$0x1FFE0]  }
0x20c: {  	v32 =	vmul.f32 v23, v49;
	v49 =	vld [tilespmem:$0x1FFF0];
	v1 =	vadd.f32 v26, v1;
	v0 =	vadd.f32 v28, v0  }
0x20d: {  	v34 =	vmul.f32 v17, v61;
	v33 =	vld [tilespmem:$0x1A60]  }
0x20e: {  	v41 =	vld [tilespmem:$0x1660];
	v36 =	vmul.f32 v27, v57;
	v1 =	vadd.f32 v30, v1;
	v0 =	vadd.f32 v32, v0  }
0x20f: {  	v38 =	vmul.f32 v25, v21  }
0x210: {  	v40 =	vmul.f32 v31, v17;
	v1 =	vadd.f32 v34, v1;
	v0 =	vadd.f32 v36, v0  }
0x211: {  	v47 =	vimm.s32 $0xFEDCBA98;
	v43 =	vmul.f32 v35, v25;
	v44 =	vld [tilespmem:$0x1670]  }
0x212: {  	v42 =	vmul.f32 v33, v29;
	v1 =	vadd.f32 v38, v1;
	v0 =	vadd.f32 v40, v0  }
0x213: {  	v2 =	vunpack.c.l.s4.s8 v47;
	v45 =	vmul.f32 v39, v37;
	v4 =	vmul.f32 v41, v33;
	v5 =	vld.idx.msk [tilespmem:v46+s9+$0x0], $0xffff  }
0x214: {  	v48 =	vimm.s32 $0x76543210;
	v1 =	vadd.f32 v42, v1;
	v0 =	vadd.f32 v43, v0  }
0x215: {  	v2 =	vunpack.c.0.s8.s32 v2;
	v3 =	vld.idx.msk [tilespmem:v49+s9+$0x0], $0xffff;
	v7 =	vunpack.c.l.s4.s8 v48  }
0x216: {  	v50 =	vmul.f32 v44, v39;
	v1 =	vadd.f32 v45, v1;
	v0 =	vadd.f32 v4, v0  }
0x217: {  	v51 =	vunpack.c.0.s8.s32 v7  }
0x218: {  	v2 =	vand.u32 $0xF, v2;
	v1 =	vmul.f32 v1, v5;
	v0 =	vadd.f32 v50, v0  }
0x219: {  	v2 =	vcombine.low v2, v51  }
0x21a: {  	v1 =	vadd.f32 $0.0e+00, v1;
	v0 =	vmul.f32 v0, v3  }
0x21b: {  	v53 =	vimm.s32 $0x32107654;
	v52 =	vimm.s32 $0xBA98FEDC  }
0x21c: {  	v55 =	vunpack.c.l.s4.s8 v53;
	v54 =	vunpack.c.l.s4.s8 v52;
	v0 =	vadd.f32 v0, v1;
	_ =	sdelay $0x1  }
0x21d: {  	s30 =	simm.s32 $0x1A80;
	v3 =	vunpack.c.0.s8.s32 v55;
	v1 =	vunpack.c.0.s8.s32 v54;
	[tilespmem:$0x1A80] =	vst v0  }
0x21e: {  	v2 =	vld.idx.msk [tilespmem:v2+s30+$0x0], $0xffff  }
0x21f: {  	v1 =	vcombine.low v3, v1;
	_ =	sdelay $0x1  }
0x220: {  	v1 =	vand.u32 $0xF, v1  }
0x221: {  	v57 =	vimm.s32 $0x54761032;
	v56 =	vimm.s32 $0xDCFE98BA  }
0x222: {  	v59 =	vunpack.c.l.s4.s8 v57;
	v58 =	vunpack.c.l.s4.s8 v56;
	v0 =	vadd.f32 v0, v2;
	_ =	sdelay $0x1  }
0x223: {  	v3 =	vunpack.c.0.s8.s32 v59;
	v2 =	vunpack.c.0.s8.s32 v58;
	[tilespmem:$0x1A80] =	vst v0  }
0x224: {  	v1 =	vld.idx.msk [tilespmem:v1+s30+$0x0], $0xffff  }
0x225: {  	v2 =	vcombine.low v3, v2;
	_ =	sdelay $0x1  }
0x226: {  	v2 =	vand.u32 $0xF, v2  }
0x227: {  	v61 =	vimm.s32 $0x67452301;
	v60 =	vimm.s32 $0xEFCDAB89  }
0x228: {  	v63 =	vunpack.c.l.s4.s8 v61;
	v62 =	vunpack.c.l.s4.s8 v60;
	v0 =	vadd.f32 v1, v0;
	_ =	sdelay $0x1  }
0x229: {  	v3 =	vunpack.c.0.s8.s32 v63;
	v1 =	vunpack.c.0.s8.s32 v62;
	[tilespmem:$0x1A80] =	vst v0  }
0x22a: {  	v2 =	vld.idx.msk [tilespmem:v2+s30+$0x0], $0xffff  }
0x22b: {  	v1 =	vcombine.low v3, v1;
	_ =	sdelay $0x1  }
0x22c: {  	v1 =	vand.u32 $0xF, v1;
	_ =	sdelay $0x1  }
0x22d: {  	v0 =	vadd.f32 v2, v0;
	_ =	sdelay $0x1  }
0x22e: {  	[tilespmem:$0x1A80] =	vst v0  }
0x22f: {  	v1 =	vld.idx.msk [tilespmem:v1+s30+$0x0], $0xffff;
	_ =	sdelay $0x4  }
0x230: {  	v0 =	vadd.f32 v1, v0;
	_ =	sdelay $0x1  }
0x231: {  	s31 =	simm.s32 $0x1B00;
	[tilespmem:$0x1B00] =	vst v0  }
0x232: {  	[spmem:s5] =	stream.linear.scatter [tilespmem:s31], [sflag:$0x2], $0x10, $0x38;
	[tilespmem:$0x1CE0] =	vst v63  }
0x233: {  	_ =	swait.ge [sflag:s4], $0x10  }
0x234: {  	[sflag:s4] =	ssyncset.done $0x0  }
0x235: {  	[sflag:s4] =	ssyncadd.s32 $0xFFFFFFF0  }
0x236: {  	[bflag:$0x0] =	sbarrier.arrive $0xFFFF  }
0x237: {  	_ =	sfence.sel @p0 $0x180000  }
0x238: {  	[bflag:$0x0] =	sbarrier.arrive @p0 $0xFFFF  }
0x239: {  	_ =	strace @p0 $0x90000047  }
0x23a: {  	s4 =	simm.s32 @!p0 $0x1B80;
	[bflag:$0x2] =	sbarrier.arrive @p0 $0xFFFF  }
0x23b: {  	[tilespmem:s4], [sflag:$0x2] =	stream.linear.gather @!p0 [spmem:s2], $0x100, $0x38;
	[tilespmem:$0x1CE0] =	vst v63  }
0x23c: {  	s2 =	simm.s32 @!p0 $0x2  }
0x23d: {  	_ =	swait.ge @!p0 [sflag:s2], $0x100  }
0x23e: {  	[sflag:s2] =	ssyncset.done @!p0 $0x0  }
0x23f: {  	s5 =	simm.s32 @!p0 $0x1A80;
	s4 =	simm.s32 @!p0 $0x0;
	[sflag:s2] =	ssyncadd.s32 @!p0 $0xFFFFFF00  }
0x240: {  	[tilespmem:s5], [sflag:$0x2] =	stream.linear.gather @!p0 [hbm4b:s3+s4], $0x80, $0x38;
	[tilespmem:$0x1CE0] =	vst v63  }
0x241: {  	_ =	swait.ge @!p0 [sflag:s2], $0x80  }
0x242: {  	[sflag:s2] =	ssyncset.done @!p0 $0x0  }
0x243: {  	[sflag:s2] =	ssyncadd.s32 @!p0 $0xFFFFFF80  }
0x244: {  	v0 =	vld @!p0 [tilespmem:$0x1B80];
	_ =	sdelay $0x1  }
0x245: {  	v1 =	vld @!p0 [tilespmem:$0x1B90];
	_ =	sdelay $0x1  }
0x246: {  	v2 =	vld @!p0 [tilespmem:$0x1BA0]  }
0x247: {  	v0 =	vadd.f32 @!p0 $0.0e+00, v0  }
0x248: {  	v3 =	vld @!p0 [tilespmem:$0x1BB0]  }
0x249: {  	v0 =	vadd.f32 @!p0 v1, v0  }
0x24a: {  	v1 =	vld @!p0 [tilespmem:$0x1BC0]  }
0x24b: {  	v0 =	vadd.f32 @!p0 v2, v0  }
0x24c: {  	v2 =	vld @!p0 [tilespmem:$0x1BD0]  }
0x24d: {  	v0 =	vadd.f32 @!p0 v3, v0  }
0x24e: {  	v3 =	vld @!p0 [tilespmem:$0x1BE0]  }
0x24f: {  	v0 =	vadd.f32 @!p0 v1, v0  }
0x250: {  	v1 =	vld @!p0 [tilespmem:$0x1BF0]  }
0x251: {  	v0 =	vadd.f32 @!p0 v2, v0  }
0x252: {  	v2 =	vld @!p0 [tilespmem:$0x1C00]  }
0x253: {  	v0 =	vadd.f32 @!p0 v3, v0  }
0x254: {  	v3 =	vld @!p0 [tilespmem:$0x1C10]  }
0x255: {  	v0 =	vadd.f32 @!p0 v1, v0  }
0x256: {  	v1 =	vld @!p0 [tilespmem:$0x1C20]  }
0x257: {  	v0 =	vadd.f32 @!p0 v2, v0  }
0x258: {  	v2 =	vld @!p0 [tilespmem:$0x1C30]  }
0x259: {  	v0 =	vadd.f32 @!p0 v3, v0  }
0x25a: {  	v3 =	vld @!p0 [tilespmem:$0x1C40]  }
0x25b: {  	v0 =	vadd.f32 @!p0 v1, v0  }
0x25c: {  	v1 =	vld @!p0 [tilespmem:$0x1C50]  }
0x25d: {  	v0 =	vadd.f32 @!p0 v2, v0  }
0x25e: {  	v2 =	vld @!p0 [tilespmem:$0x1C60]  }
0x25f: {  	v0 =	vadd.f32 @!p0 v3, v0  }
0x260: {  	v3 =	vld @!p0 [tilespmem:$0x1C70]  }
0x261: {  	v0 =	vadd.f32 @!p0 v1, v0  }
0x262: {  	v1 =	vld @!p0 [tilespmem:$0x1A80]  }
0x263: {  	v0 =	vadd.f32 @!p0 v2, v0;
	_ =	sdelay $0x1  }
0x264: {  	v0 =	vadd.f32 @!p0 v3, v0;
	_ =	sdelay $0x1  }
0x265: {  	v0 =	vadd.f32 @!p0 v1, v0;
	_ =	sdelay $0x1  }
0x266: {  	s3 =	simm.s32 @!p0 $0x1B00;
	[tilespmem:$0x1B00] =	vst @!p0 v0  }
0x267: {  	[hbm4b:s1+s4] =	stream.linear.scatter @!p0 [tilespmem:s3], [sflag:$0x2], $0x80, $0x38;
	[tilespmem:$0x1CE0] =	vst v63  }
0x268: {  	_ =	swait.ge @!p0 [sflag:s2], $0x80  }
0x269: {  	[sflag:s2] =	ssyncset.done @!p0 $0x0  }
0x26a: {  	[sflag:s2] =	ssyncadd.s32 @!p0 $0xFFFFFF80  }
0x26b: {  	_ =	sfence.sel @!p0 $0x180000  }
0x26c: {  	[bflag:$0x0] =	sbarrier.arrive @!p0 $0xFFFF  }
0x26d: {  	_ =	strace @!p0 $0x90000047  }
0x26e: {  	s0 =	sadd.s32 @!p0 $0x100000, s0;
	[bflag:$0x2] =	sbarrier.arrive @!p0 $0xFFFF  }
0x26f: {  	[sflag:s0] =	ssyncadd.tile.s32 @!p0 $0x1;
	_ =	shalt  }
.Lfunc_end2:
_tile_overlayer_lowered:
.L_overlay_start_2:
0x270: {  	(tag) =	ssettag $0x2  }
0x271: {  	s0 =	rddreg [dreg:$0x0];
	s2 =	stileid.u32  }
0x272: {  	s1 =	rddreg [dreg:$0x1];
	p0 =	sne.s32 s2, $0x0  }
0x273: {  	s3 =	rddreg [dreg:$0x2];
	[bflag:$0x3] =	sbarrier.arrive $0xFFFF;
	s2 =	simm.s32 @!p0 $0x1C02  }
0x274: {  	[timem:s3], [sflag:s2] =	dma.local @!p0 [hbm:s0], s1  }
0x275: {  	s0 =	simm.s32 @!p0 $0x2  }
0x276: {  	_ =	swait.ge @!p0 [sflag:s0], s1  }
0x277: {  	s1 =	ssub.s32 @!p0 $0x0, s1;
	[sflag:s0] =	ssyncset.done @!p0 $0x0  }
0x278: {  	[sflag:s0] =	ssyncadd.s32 @!p0 s1  }
0x279: {  	[bflag:$0x3] =	sbarrier.arrive $0xFFFF  }
0x27a: {  	_ =	shalt  }

</sc_bundles>
